<compile_context>
chip_gen: v7x
topology: tpu7x:2x2x1
jax: 0.10.2.dev20260603
libtpu: 0.0.44.dev20260713+nightly
codegen_flags: <defaults>
</compile_context>

<pallas_src>
import functools

import jax
import jax.numpy as jnp
from jax import lax
from jax.experimental import pallas as pl
from jax.experimental.pallas import tpu as pltpu
from jax.experimental.pallas import tpu_sc as plsc

N = 10000
E = 320000
F = 128
NCLS = 40
NC, NS = 2, 16
NW = NC * NS
EPW = E // NW
CH = 112
NFULL = EPW // CH
TAIL = EPW - NFULL * CH
ITERS = 125
CH_DEG = 80
NP = 10240
RPT = NP // NS
NP_DEG = 10240
RPT_DEG = NP_DEG // NS
DUMMY = 10000
SRCPAD = (NFULL + 1) * CH
RB = 1000

@functools.lru_cache(maxsize=None)
def _mesh():
    return plsc.VectorSubcoreMesh(core_axis_name="c", subcore_axis_name="s")


@functools.lru_cache(maxsize=None)
def _make_agg(D):

    @functools.partial(
        pl.kernel,
        out_type=jax.ShapeDtypeStruct((NC, NP, D), jnp.float32),
        mesh=_mesh(),
        scratch_types=[
            pltpu.VMEM((SRCPAD,), jnp.int32),
            pltpu.VMEM((EPW,), jnp.int32),
            pltpu.VMEM((CH,), jnp.int32),
            pltpu.VMEM((CH,), jnp.int32),
            pltpu.VMEM((CH, D), jnp.float32),
            pltpu.VMEM((CH, D), jnp.float32),
            pltpu.VMEM_SHARED((NP, D), jnp.float32),
            pltpu.SemaphoreType.DMA,
            pltpu.SemaphoreType.DMA,
        ],
    )
    def agg(src_hbm, dst_hbm, y_hbm, zero_hbm, part_hbm,
            src1d, dst1d, idx_da, idx_db, rows_a, rows_b, acc, sem_a, sem_b):
        cid = lax.axis_index("c")
        sid = lax.axis_index("s")
        wid = sid * NC + cid
        r0 = sid * RPT
        pltpu.async_copy(zero_hbm.at[pl.ds(r0, RPT)], acc.at[pl.ds(r0, RPT)], sem_a)
        pltpu.async_copy(src_hbm.at[pl.ds(wid * EPW, SRCPAD)], src1d, sem_b)
        pltpu.sync_copy(dst_hbm.at[pl.ds(wid * EPW, EPW)], dst1d)
        pltpu.make_async_copy(zero_hbm.at[pl.ds(r0, RPT)], acc.at[pl.ds(r0, RPT)], sem_a).wait()
        pltpu.make_async_copy(src_hbm.at[pl.ds(wid * EPW, SRCPAD)], src1d, sem_b).wait()
        plsc.subcore_barrier()

        def fill_idx(buf, g, n):
            for k in range(n // 16):
                buf[pl.ds(k * 16, 16)] = dst1d[pl.ds(g * CH + k * 16, 16)]

        def gather(g, buf, sem):
            pltpu.async_copy(y_hbm.at[src1d.at[pl.ds(g * CH, CH)]], buf, sem)

        def wait_gather(buf, sem):
            pltpu.make_async_copy(y_hbm.at[pl.ds(0, CH)], buf, sem).wait()

        gather(0, rows_a, sem_a)
        fill_idx(idx_da, 0, CH)

        @pl.loop(1, NFULL, step=2)
        def _pair(g):
            gather(g, rows_b, sem_b)
            fill_idx(idx_db, g, CH)
            wait_gather(rows_a, sem_a)
            pltpu.sync_copy(rows_a, acc.at[idx_da], add=True)
            gather(g + 1, rows_a, sem_a)
            fill_idx(idx_da, g + 1, CH)
            wait_gather(rows_b, sem_b)
            pltpu.sync_copy(rows_b, acc.at[idx_db], add=True)

        gather(NFULL, rows_b, sem_b)
        for k in range(CH // 16):
            if k < TAIL // 16:
                idx_db[pl.ds(k * 16, 16)] = dst1d[pl.ds(NFULL * CH + k * 16, 16)]
            else:
                idx_db[pl.ds(k * 16, 16)] = (
                    lax.iota(jnp.int32, 16) + (DUMMY + (k - TAIL // 16) * 16))
        wait_gather(rows_a, sem_a)
        pltpu.sync_copy(rows_a, acc.at[idx_da], add=True)
        wait_gather(rows_b, sem_b)
        pltpu.sync_copy(rows_b, acc.at[idx_db], add=True)
        plsc.subcore_barrier()
        pltpu.sync_copy(acc.at[pl.ds(r0, RPT)], part_hbm.at[cid, pl.ds(r0, RPT)])

    return agg


def _agg128(src, dst, y, zero):
    return _make_agg(F)(src, dst, y, zero)


@functools.lru_cache(maxsize=None)
def _make_deg():
    @functools.partial(
        pl.kernel,
        out_type=jax.ShapeDtypeStruct((NC * NP_DEG,), jnp.float32),
        mesh=_mesh(),
        scratch_types=[
            pltpu.VMEM((EPW,), jnp.int32),
            pltpu.VMEM((CH_DEG,), jnp.int32),
            pltpu.VMEM((CH_DEG,), jnp.float32),
            pltpu.VMEM_SHARED((NP_DEG,), jnp.float32),
        ],
    )
    def deg(dst_hbm, ones_hbm, zero_hbm, part_hbm, dst1d, idx_d, ones_v, acc):
        cid = lax.axis_index("c")
        sid = lax.axis_index("s")
        wid = sid * NC + cid
        r0 = sid * RPT_DEG
        pltpu.sync_copy(zero_hbm.at[pl.ds(r0, RPT_DEG)], acc.at[pl.ds(r0, RPT_DEG)])
        pltpu.sync_copy(dst_hbm.at[pl.ds(wid * EPW, EPW)], dst1d)
        pltpu.sync_copy(ones_hbm, ones_v)
        plsc.subcore_barrier()

        @pl.loop(0, ITERS)
        def _chunk(g):
            for k in range(CH_DEG // 16):
                idx_d[pl.ds(k * 16, 16)] = dst1d[pl.ds(g * CH_DEG + k * 16, 16)]
            pltpu.sync_copy(ones_v, acc.at[idx_d], add=True)

        plsc.subcore_barrier()
        pltpu.sync_copy(acc.at[pl.ds(r0, RPT_DEG)],
                        part_hbm.at[pl.ds(cid * NP_DEG + r0, RPT_DEG)])

    return deg


def _deg_part(dst, ones, zero):
    return _make_deg()(dst, ones, zero)


def _dinv_of(degp_ref):
    deg = degp_ref[0, :, 0:1] + degp_ref[1, :, 0:1] + 1.0
    return lax.rsqrt(deg)


def _k1(x_ref, w0_ref, degp_ref, y0_ref):
    dinv = _dinv_of(degp_ref)
    y0_ref[...] = jnp.dot(x_ref[...], w0_ref[...],
                          preferred_element_type=jnp.float32) * dinv


def _k2(p_ref, y0_ref, degp_ref, b0_ref, w1_ref, h_ref, y1_ref):
    dinv = _dinv_of(degp_ref)
    h = jnp.maximum(dinv * (p_ref[0] + p_ref[1] + y0_ref[...]) + b0_ref[...], 0.0)
    h_ref[...] = h
    y1_ref[...] = jnp.dot(h, w1_ref[...], preferred_element_type=jnp.float32) * dinv


def _lstm_step0(xt, WiT, b):
    g = jnp.dot(xt, WiT, preferred_element_type=jnp.float32) + b
    c = jax.nn.sigmoid(g[:, 0:F]) * jnp.tanh(g[:, 2 * F:3 * F])
    return jax.nn.sigmoid(g[:, 3 * F:4 * F]) * jnp.tanh(c), c


def _lstm_step(xt, hp, cp, WiT, WhT, b):
    g = (jnp.dot(xt, WiT, preferred_element_type=jnp.float32)
         + jnp.dot(hp, WhT, preferred_element_type=jnp.float32) + b)
    c = (jax.nn.sigmoid(g[:, F:2 * F]) * cp
         + jax.nn.sigmoid(g[:, 0:F]) * jnp.tanh(g[:, 2 * F:3 * F]))
    return jax.nn.sigmoid(g[:, 3 * F:4 * F]) * jnp.tanh(c), c


def _k3(q_ref, y1_ref, h_ref, degp_ref, b1_ref, wif_ref, whf_ref, bf_ref,
        wib_ref, whb_ref, bb_ref, awf_ref, awb_ref, z_ref):
    dinv = _dinv_of(degp_ref)
    h = h_ref[...]
    h2 = jnp.maximum(dinv * (q_ref[0] + q_ref[1] + y1_ref[...]) + b1_ref[...], 0.0)
    hf0, cf0 = _lstm_step0(h, wif_ref[...], bf_ref[...])
    hf1, _ = _lstm_step(h2, hf0, cf0, wif_ref[...], whf_ref[...], bf_ref[...])
    hb1, cb1 = _lstm_step0(h2, wib_ref[...], bb_ref[...])
    hb0, _ = _lstm_step(h, hb1, cb1, wib_ref[...], whb_ref[...], bb_ref[...])
    awf = awf_ref[...]
    awb = awb_ref[...]
    a0 = (jnp.sum(hf0 * awf, axis=1, keepdims=True)
          + jnp.sum(hb0 * awb, axis=1, keepdims=True))
    a1 = (jnp.sum(hf1 * awf, axis=1, keepdims=True)
          + jnp.sum(hb1 * awb, axis=1, keepdims=True))
    m = jnp.maximum(a0, a1)
    e0 = jnp.exp(a0 - m)
    e1 = jnp.exp(a1 - m)
    ho = (e0 * h + e1 * h2) / (e0 + e1)
    z_ref[...] = ho * dinv


def _k4(r_ref, z_ref, degp_ref, w2_ref, b2_ref, out_ref):
    dinv = _dinv_of(degp_ref)
    t = dinv * (r_ref[0] + r_ref[1] + z_ref[...])
    l = jnp.dot(t, w2_ref[...], preferred_element_type=jnp.float32) + b2_ref[...]
    m = jnp.max(l, axis=1, keepdims=True)
    lse = jnp.log(jnp.sum(jnp.exp(l - m), axis=1, keepdims=True))
    out_ref[...] = l - m - lse


def _row_spec(d):
    return pl.BlockSpec((RB, d), lambda r: (r, 0))


def _part_spec(d):
    return pl.BlockSpec((NC, RB, d), lambda r: (0, r, 0))


def _full_spec(a, b):
    return pl.BlockSpec((a, b), lambda r: (0, 0))


_GRID = (N // RB,)

_tc1 = pl.pallas_call(
    _k1, grid=_GRID,
    in_specs=[_row_spec(F), _full_spec(F, F), _part_spec(1)],
    out_specs=_row_spec(F),
    out_shape=jax.ShapeDtypeStruct((N, F), jnp.float32))

_tc2 = pl.pallas_call(
    _k2, grid=_GRID,
    in_specs=[_part_spec(F), _row_spec(F), _part_spec(1), _full_spec(1, F),
              _full_spec(F, F)],
    out_specs=[_row_spec(F), _row_spec(F)],
    out_shape=[jax.ShapeDtypeStruct((N, F), jnp.float32),
               jax.ShapeDtypeStruct((N, F), jnp.float32)])

_tc3 = pl.pallas_call(
    _k3, grid=_GRID,
    in_specs=[_part_spec(F), _row_spec(F), _row_spec(F), _part_spec(1),
              _full_spec(1, F),
              _full_spec(F, 4 * F), _full_spec(F, 4 * F), _full_spec(1, 4 * F),
              _full_spec(F, 4 * F), _full_spec(F, 4 * F), _full_spec(1, 4 * F),
              _full_spec(1, F), _full_spec(1, F)],
    out_specs=_row_spec(F),
    out_shape=jax.ShapeDtypeStruct((N, F), jnp.float32))

_tc4 = pl.pallas_call(
    _k4, grid=_GRID,
    in_specs=[_part_spec(F), _row_spec(F), _part_spec(1),
              _full_spec(F, NCLS), _full_spec(1, NCLS)],
    out_specs=pl.BlockSpec((RB, NCLS), lambda r: (r, 0)),
    out_shape=jax.ShapeDtypeStruct((N, NCLS), jnp.float32))


def kernel(x, edge_index, W0, b0, jk1_Wih_f, jk1_Whh_f, jk1_bih_f, jk1_bhh_f,
           jk1_Wih_b, jk1_Whh_b, jk1_bih_b, jk1_bhh_b, jk1_att_W, jk1_att_b,
           W1, b1, jk2_Wih_f, jk2_Whh_f, jk2_bih_f, jk2_bhh_f, jk2_Wih_b,
           jk2_Whh_b, jk2_bih_b, jk2_bhh_b, jk2_att_W, jk2_att_b, W2, b2):
    src = jnp.pad(edge_index[0], (0, CH))
    dst = edge_index[1]
    z1 = jnp.zeros((NP_DEG,), jnp.float32)
    z128 = jnp.zeros((NP, F), jnp.float32)
    ones = jnp.ones((CH_DEG,), jnp.float32)

    degp = _deg_part(dst, ones, z1).reshape(NC, NP_DEG, 1)
    y0 = _tc1(x, W0, degp)
    p = _agg128(src, dst, y0, z128)
    h, y1 = _tc2(p, y0, degp, b0.reshape(1, F), W1)
    q = _agg128(src, dst, y1, z128)
    z = _tc3(q, y1, h, degp, b1.reshape(1, F),
             jk2_Wih_f.T, jk2_Whh_f.T, (jk2_bih_f + jk2_bhh_f).reshape(1, 4 * F),
             jk2_Wih_b.T, jk2_Whh_b.T, (jk2_bih_b + jk2_bhh_b).reshape(1, 4 * F),
             jk2_att_W[:F].reshape(1, F), jk2_att_W[F:].reshape(1, F))
    r = _agg128(src, dst, z, z128)
    return _tc4(r, z, degp, W2, b2.reshape(1, NCLS))

# --- scband reference (transcript-rebuilt; emitter-appended) ---
"""Pipeline reference for scband-uniq-gcn-14310831030369 (READ-ONLY COPY).

The authoritative reference and input builder live on the scoring server;
editing this copy changes nothing except your own understanding.
"""

import jax, jax.numpy as jnp
import numpy as np

N_NODES = 10000
N_FEAT = 128
N_HID = 128
N_CLASS = 40
N_EDGES = 320000


def _p(key, shape, scale=0.1):
    return jax.random.normal(key, shape, dtype=jnp.float32) * scale


def setup_inputs(seed: int = 0):
    key = jax.random.key(seed)
    ks = jax.random.split(key, 20)
    H1 = (1 * N_HID) // 2
    H2 = (2 * N_HID) // 2
    inp = {}
    inp["x"] = jax.random.normal(ks[0], (N_NODES, N_FEAT), dtype=jnp.float32)
    inp["edge_index"] = jax.random.randint(ks[1], (2, N_EDGES), 0, N_NODES, dtype=jnp.int32)
    inp["W0"] = _p(ks[2], (N_FEAT, N_HID))
    inp["b0"] = jnp.zeros((N_HID,), jnp.float32)
    inp["jk1_Wih_f"] = _p(ks[3], (4 * H1, N_HID))
    inp["jk1_Whh_f"] = _p(ks[4], (4 * H1, H1))
    inp["jk1_bih_f"] = jnp.zeros((4 * H1,), jnp.float32)
    inp["jk1_bhh_f"] = jnp.zeros((4 * H1,), jnp.float32)
    inp["jk1_Wih_b"] = _p(ks[5], (4 * H1, N_HID))
    inp["jk1_Whh_b"] = _p(ks[6], (4 * H1, H1))
    inp["jk1_bih_b"] = jnp.zeros((4 * H1,), jnp.float32)
    inp["jk1_bhh_b"] = jnp.zeros((4 * H1,), jnp.float32)
    inp["jk1_att_W"] = _p(ks[7], (2 * H1, 1))
    inp["jk1_att_b"] = jnp.zeros((1,), jnp.float32)
    inp["W1"] = _p(ks[8], (N_HID, N_HID))
    inp["b1"] = jnp.zeros((N_HID,), jnp.float32)
    inp["jk2_Wih_f"] = _p(ks[9], (4 * H2, N_HID))
    inp["jk2_Whh_f"] = _p(ks[10], (4 * H2, H2))
    inp["jk2_bih_f"] = jnp.zeros((4 * H2,), jnp.float32)
    inp["jk2_bhh_f"] = jnp.zeros((4 * H2,), jnp.float32)
    inp["jk2_Wih_b"] = _p(ks[11], (4 * H2, N_HID))
    inp["jk2_Whh_b"] = _p(ks[12], (4 * H2, H2))
    inp["jk2_bih_b"] = jnp.zeros((4 * H2,), jnp.float32)
    inp["jk2_bhh_b"] = jnp.zeros((4 * H2,), jnp.float32)
    inp["jk2_att_W"] = _p(ks[13], (2 * H2, 1))
    inp["jk2_att_b"] = jnp.zeros((1,), jnp.float32)
    inp["W2"] = _p(ks[14], (N_HID, N_CLASS))
    inp["b2"] = jnp.zeros((N_CLASS,), jnp.float32)
    return inp


def gcn_conv(x, src, dst, W, b):
    n = x.shape[0]
    h = x @ W
    deg = jnp.zeros((n,), x.dtype).at[dst].add(1.0)
    dinv = jnp.where(deg > 0, 1.0 / jnp.sqrt(deg), 0.0)
    norm = dinv[src] * dinv[dst]
    msg = h[src] * norm[:, None]
    out = jnp.zeros((n, W.shape[1]), x.dtype).at[dst].add(msg)
    return out + b


def lstm_dir(x, W_ih, W_hh, b_ih, b_hh, reverse=False):
    N, L, C = x.shape
    H = W_hh.shape[1]
    xs = jnp.transpose(x, (1, 0, 2))
    if reverse:
        xs = xs[::-1]

    def step(carry, xt):
        h, c = carry
        gates = xt @ W_ih.T + h @ W_hh.T + b_ih + b_hh
        i, f, g, o = jnp.split(gates, 4, axis=-1)
        i = jax.nn.sigmoid(i)
        f = jax.nn.sigmoid(f)
        g = jnp.tanh(g)
        o = jax.nn.sigmoid(o)
        c = f * c + i * g
        h = o * jnp.tanh(c)
        return (h, c), h

    init = (jnp.zeros((N, H), x.dtype), jnp.zeros((N, H), x.dtype))
    _, hs = jax.lax.scan(step, init, xs)
    if reverse:
        hs = hs[::-1]
    return jnp.transpose(hs, (1, 0, 2))


def jk_lstm(xs_list, Wih_f, Whh_f, bih_f, bhh_f, Wih_b, Whh_b, bih_b, bhh_b, att_W, att_b):
    x = jnp.stack(xs_list, axis=1)
    hf = lstm_dir(x, Wih_f, Whh_f, bih_f, bhh_f, reverse=False)
    hb = lstm_dir(x, Wih_b, Whh_b, bih_b, bhh_b, reverse=True)
    h = jnp.concatenate([hf, hb], axis=-1)
    alpha = (h @ att_W + att_b)[..., 0]
    alpha = jax.nn.softmax(alpha, axis=-1)
    return (x * alpha[..., None]).sum(axis=1)


def _forward(fs, edge_index):
    (x, W0, b0,
     j1Wif, j1Whf, j1bif, j1bhf, j1Wib, j1Whb, j1bib, j1bhb, j1aW, j1ab,
     W1, b1,
     j2Wif, j2Whf, j2bif, j2bhf, j2Wib, j2Whb, j2bib, j2bhb, j2aW, j2ab,
     W2, b2) = fs
    n = x.shape[0]
    loop = jnp.arange(n, dtype=edge_index.dtype)
    src = jnp.concatenate([edge_index[0], loop])
    dst = jnp.concatenate([edge_index[1], loop])
    h = jax.nn.relu(gcn_conv(x, src, dst, W0, b0))
    xs = [h]
    hjk = jk_lstm(xs, j1Wif, j1Whf, j1bif, j1bhf, j1Wib, j1Whb, j1bib, j1bhb, j1aW, j1ab)
    h2 = jax.nn.relu(gcn_conv(hjk, src, dst, W1, b1))
    xs.append(h2)
    ho = jk_lstm(xs, j2Wif, j2Whf, j2bif, j2bhf, j2Wib, j2Whb, j2bib, j2bhb, j2aW, j2ab)
    logits = gcn_conv(ho, src, dst, W2, b2)
    return jax.nn.log_softmax(logits, axis=1)


def reference(x, edge_index, W0, b0, jk1_Wih_f, jk1_Whh_f, jk1_bih_f, jk1_bhh_f, jk1_Wih_b, jk1_Whh_b, jk1_bih_b, jk1_bhh_b, jk1_att_W, jk1_att_b, W1, b1, jk2_Wih_f, jk2_Whh_f, jk2_bih_f, jk2_bhh_f, jk2_Wih_b, jk2_Whh_b, jk2_bih_b, jk2_bhh_b, jk2_att_W, jk2_att_b, W2, b2):
    fs = (x, W0, b0,
          jk1_Wih_f, jk1_Whh_f, jk1_bih_f, jk1_bhh_f, jk1_Wih_b, jk1_Whh_b, jk1_bih_b, jk1_bhh_b, jk1_att_W, jk1_att_b,
          W1, b1,
          jk2_Wih_f, jk2_Whh_f, jk2_bih_f, jk2_bhh_f, jk2_Wih_b, jk2_Whh_b, jk2_bih_b, jk2_bhh_b, jk2_att_W, jk2_att_b,
          W2, b2)
    return _forward(fs, edge_index)


if False:  # reference __main__ guard neutralized (emitter)
    out = reference(**setup_inputs())
    print(out.shape, out.dtype)

if __name__ == "__main__":
    import jax
    _d = setup_inputs()
    print(jax.jit(kernel)(*tuple(_d.values())))

</pallas_src>

<mosaic_0001>
#map = affine_map<(d0, d1) -> (0)>
module attributes {stable_mosaic.version = 14 : i64} {
  func.func @deg(%arg0: i32, %arg1: i32, %arg2: memref<320000xi32, #tpu.memory_space<hbm>>, %arg3: memref<80xf32, #tpu.memory_space<hbm>>, %arg4: memref<10240xf32, #tpu.memory_space<hbm>>, %arg5: memref<20480xf32, #tpu.memory_space<hbm>>, %arg6: memref<10000xi32, #tpu.memory_space<vmem>>, %arg7: memref<80xi32, #tpu.memory_space<vmem>>, %arg8: memref<80xf32, #tpu.memory_space<vmem>>, %arg9: memref<10240xf32, #tpu.memory_space<vmem_shared>>) attributes {dimension_semantics = [#tpu.dimension_semantics<core_parallel>, #tpu.dimension_semantics<subcore_parallel>], iteration_bounds = array<i64: 2, 16>, scalar_prefetch = 0 : i64, scratch_operands = 4 : i64, tpu.core_type = #tpu.core_type<sc_vector_subcore>, window_params = [{transform_indices = #map}, {transform_indices = #map}, {transform_indices = #map}, {transform_indices = #map}]} {
    %mul3A = arith.constant 2 : i32
    %mul3A_0 = arith.muli %arg1, %mul3A : i32
    %add3A = arith.addi %mul3A_0, %arg0 : i32
    %mul3A_1 = arith.constant 640 : i32
    %mul3A_2 = arith.muli %arg1, %mul3A_1 : i32
    "tpu.region"() ({
      %run_scoped3A = tpu.sem_alloc : memref<!tpu.dma_semaphore, #tpu.memory_space<semaphore_mem>>
      %dma_start3A = tpu.memref_slice %arg9[%mul3A_2] : memref<10240xf32, #tpu.memory_space<vmem_shared>> -> memref<640xf32, #tpu.memory_space<vmem_shared>>
      %dma_start3A_13 = tpu.memref_slice %arg4[%mul3A_2] : memref<10240xf32, #tpu.memory_space<hbm>> -> memref<640xf32, #tpu.memory_space<hbm>>
      tpu.enqueue_dma source(%dma_start3A_13 : memref<640xf32, #tpu.memory_space<hbm>>) target(%dma_start3A : memref<640xf32, #tpu.memory_space<vmem_shared>>) target_semaphore(%run_scoped3A : memref<!tpu.dma_semaphore, #tpu.memory_space<semaphore_mem>>)
      %dma_wait3A = tpu.memref_slice %arg9[%mul3A_2] : memref<10240xf32, #tpu.memory_space<vmem_shared>> -> memref<640xf32, #tpu.memory_space<vmem_shared>>
      %dma_wait3A_14 = tpu.memref_slice %arg4[%mul3A_2] : memref<10240xf32, #tpu.memory_space<hbm>> -> memref<640xf32, #tpu.memory_space<hbm>>
      tpu.wait_dma2 semaphore(%run_scoped3A : memref<!tpu.dma_semaphore, #tpu.memory_space<semaphore_mem>>) src(%dma_wait3A_14 : memref<640xf32, #tpu.memory_space<hbm>>) dst(%dma_wait3A : memref<640xf32, #tpu.memory_space<vmem_shared>>)
      tpu.yield
    }) : () -> ()
    %mul3A_3 = arith.constant 10000 : i32
    %mul3A_4 = arith.muli %add3A, %mul3A_3 : i32
    "tpu.region"() ({
      %run_scoped3A = tpu.sem_alloc : memref<!tpu.dma_semaphore, #tpu.memory_space<semaphore_mem>>
      %dma_start3A = tpu.memref_slice %arg2[%mul3A_4] : memref<320000xi32, #tpu.memory_space<hbm>> -> memref<10000xi32, #tpu.memory_space<hbm>>
      %dma_start3A_13 = tpu.memref_slice %arg2[%mul3A_4] : memref<320000xi32, #tpu.memory_space<hbm>> -> memref<10000xi32, #tpu.memory_space<hbm>>
      tpu.enqueue_dma source(%dma_start3A_13 : memref<10000xi32, #tpu.memory_space<hbm>>) target(%arg6 : memref<10000xi32, #tpu.memory_space<vmem>>) target_semaphore(%run_scoped3A : memref<!tpu.dma_semaphore, #tpu.memory_space<semaphore_mem>>)
      %dma_wait3A = tpu.memref_slice %arg2[%mul3A_4] : memref<320000xi32, #tpu.memory_space<hbm>> -> memref<10000xi32, #tpu.memory_space<hbm>>
      %dma_wait3A_14 = tpu.memref_slice %arg2[%mul3A_4] : memref<320000xi32, #tpu.memory_space<hbm>> -> memref<10000xi32, #tpu.memory_space<hbm>>
      tpu.wait_dma2 semaphore(%run_scoped3A : memref<!tpu.dma_semaphore, #tpu.memory_space<semaphore_mem>>) src(%dma_wait3A_14 : memref<10000xi32, #tpu.memory_space<hbm>>) dst(%arg6 : memref<10000xi32, #tpu.memory_space<vmem>>)
      tpu.yield
    }) : () -> ()
    "tpu.region"() ({
      %run_scoped3A = tpu.sem_alloc : memref<!tpu.dma_semaphore, #tpu.memory_space<semaphore_mem>>
      tpu.enqueue_dma source(%arg3 : memref<80xf32, #tpu.memory_space<hbm>>) target(%arg8 : memref<80xf32, #tpu.memory_space<vmem>>) target_semaphore(%run_scoped3A : memref<!tpu.dma_semaphore, #tpu.memory_space<semaphore_mem>>)
      tpu.wait_dma2 semaphore(%run_scoped3A : memref<!tpu.dma_semaphore, #tpu.memory_space<semaphore_mem>>) src(%arg3 : memref<80xf32, #tpu.memory_space<hbm>>) dst(%arg8 : memref<80xf32, #tpu.memory_space<vmem>>)
      tpu.yield
    }) : () -> ()
    %barrier3A = arith.constant 0 : index
    tpu.barrier barrier_id(%barrier3A)
    %scan3A = arith.constant 0 : i32
    %scan3A_5 = arith.constant 125 : i32
    %scan3A_6 = arith.addi %scan3A, %scan3A_5 : i32
    %scan3A_7 = arith.constant 1 : i32
    scf.for %scan3A_13 = %scan3A to %scan3A_6 step %scan3A_7  : i32 {
      %mul3A_14 = arith.constant 1 : i32
      %mul3A_15 = arith.muli %scan3A_13, %mul3A_14 : i32
      %add3A_16 = arith.constant 0 : i32
      %add3A_17 = arith.addi %add3A_16, %mul3A_15 : i32
      %mul3A_18 = arith.constant 80 : i32
      %mul3A_19 = arith.muli %add3A_17, %mul3A_18 : i32
      %add3A_20 = arith.constant 0 : i32
      %add3A_21 = arith.addi %mul3A_19, %add3A_20 : i32
      %get3A = arith.index_cast %add3A_21 : i32 to index
      %get3A_22 = tpu.vector_load %arg6[%get3A] {strides = array<i32>} : memref<10000xi32, #tpu.memory_space<vmem>>, vector<16xi32>,
      %get3A_23 = vector.shape_cast %get3A_22 : vector<16xi32> to vector<16xi32>
      %swap3A = arith.constant 0 : index
      %swap3A_24 = tpu.vector_load %arg7[%swap3A] {strides = array<i32>} : memref<80xi32, #tpu.memory_space<vmem>>, vector<16xi32>,
      %swap3A_25 = vector.shape_cast %swap3A_24 : vector<16xi32> to vector<16xi32>
      %swap3A_26 = vector.shape_cast %get3A_23 : vector<16xi32> to vector<16xi32>
      tpu.vector_store %arg7[%swap3A], %swap3A_26 {strides = array<i32>} : memref<80xi32, #tpu.memory_space<vmem>>, vector<16xi32>,
      %mul3A_27 = arith.constant 80 : i32
      %mul3A_28 = arith.muli %add3A_17, %mul3A_27 : i32
      %add3A_29 = arith.constant 16 : i32
      %add3A_30 = arith.addi %mul3A_28, %add3A_29 : i32
      %get3A_31 = arith.index_cast %add3A_30 : i32 to index
      %get3A_32 = tpu.vector_load %arg6[%get3A_31] {strides = array<i32>} : memref<10000xi32, #tpu.memory_space<vmem>>, vector<16xi32>,
      %get3A_33 = vector.shape_cast %get3A_32 : vector<16xi32> to vector<16xi32>
      %swap3A_34 = arith.constant 16 : index
      %swap3A_35 = tpu.vector_load %arg7[%swap3A_34] {strides = array<i32>} : memref<80xi32, #tpu.memory_space<vmem>>, vector<16xi32>,
      %swap3A_36 = vector.shape_cast %swap3A_35 : vector<16xi32> to vector<16xi32>
      %swap3A_37 = vector.shape_cast %get3A_33 : vector<16xi32> to vector<16xi32>
      tpu.vector_store %arg7[%swap3A_34], %swap3A_37 {strides = array<i32>} : memref<80xi32, #tpu.memory_space<vmem>>, vector<16xi32>,
      %mul3A_38 = arith.constant 80 : i32
      %mul3A_39 = arith.muli %add3A_17, %mul3A_38 : i32
      %add3A_40 = arith.constant 32 : i32
      %add3A_41 = arith.addi %mul3A_39, %add3A_40 : i32
      %get3A_42 = arith.index_cast %add3A_41 : i32 to index
      %get3A_43 = tpu.vector_load %arg6[%get3A_42] {strides = array<i32>} : memref<10000xi32, #tpu.memory_space<vmem>>, vector<16xi32>,
      %get3A_44 = vector.shape_cast %get3A_43 : vector<16xi32> to vector<16xi32>
      %swap3A_45 = arith.constant 32 : index
      %swap3A_46 = tpu.vector_load %arg7[%swap3A_45] {strides = array<i32>} : memref<80xi32, #tpu.memory_space<vmem>>, vector<16xi32>,
      %swap3A_47 = vector.shape_cast %swap3A_46 : vector<16xi32> to vector<16xi32>
      %swap3A_48 = vector.shape_cast %get3A_44 : vector<16xi32> to vector<16xi32>
      tpu.vector_store %arg7[%swap3A_45], %swap3A_48 {strides = array<i32>} : memref<80xi32, #tpu.memory_space<vmem>>, vector<16xi32>,
      %mul3A_49 = arith.constant 80 : i32
      %mul3A_50 = arith.muli %add3A_17, %mul3A_49 : i32
      %add3A_51 = arith.constant 48 : i32
      %add3A_52 = arith.addi %mul3A_50, %add3A_51 : i32
      %get3A_53 = arith.index_cast %add3A_52 : i32 to index
      %get3A_54 = tpu.vector_load %arg6[%get3A_53] {strides = array<i32>} : memref<10000xi32, #tpu.memory_space<vmem>>, vector<16xi32>,
      %get3A_55 = vector.shape_cast %get3A_54 : vector<16xi32> to vector<16xi32>
      %swap3A_56 = arith.constant 48 : index
      %swap3A_57 = tpu.vector_load %arg7[%swap3A_56] {strides = array<i32>} : memref<80xi32, #tpu.memory_space<vmem>>, vector<16xi32>,
      %swap3A_58 = vector.shape_cast %swap3A_57 : vector<16xi32> to vector<16xi32>
      %swap3A_59 = vector.shape_cast %get3A_55 : vector<16xi32> to vector<16xi32>
      tpu.vector_store %arg7[%swap3A_56], %swap3A_59 {strides = array<i32>} : memref<80xi32, #tpu.memory_space<vmem>>, vector<16xi32>,
      %mul3A_60 = arith.constant 80 : i32
      %mul3A_61 = arith.muli %add3A_17, %mul3A_60 : i32
      %add3A_62 = arith.constant 64 : i32
      %add3A_63 = arith.addi %mul3A_61, %add3A_62 : i32
      %get3A_64 = arith.index_cast %add3A_63 : i32 to index
      %get3A_65 = tpu.vector_load %arg6[%get3A_64] {strides = array<i32>} : memref<10000xi32, #tpu.memory_space<vmem>>, vector<16xi32>,
      %get3A_66 = vector.shape_cast %get3A_65 : vector<16xi32> to vector<16xi32>
      %swap3A_67 = arith.constant 64 : index
      %swap3A_68 = tpu.vector_load %arg7[%swap3A_67] {strides = array<i32>} : memref<80xi32, #tpu.memory_space<vmem>>, vector<16xi32>,
      %swap3A_69 = vector.shape_cast %swap3A_68 : vector<16xi32> to vector<16xi32>
      %swap3A_70 = vector.shape_cast %get3A_66 : vector<16xi32> to vector<16xi32>
      tpu.vector_store %arg7[%swap3A_67], %swap3A_70 {strides = array<i32>} : memref<80xi32, #tpu.memory_space<vmem>>, vector<16xi32>,
      "tpu.region"() ({
        %run_scoped3A = tpu.sem_alloc : memref<!tpu.dma_semaphore, #tpu.memory_space<semaphore_mem>>
        %dma_start3A = arith.constant 0 : i32
        %dma_start3A_71 = tpu.memref_slice %arg9[%dma_start3A] : memref<10240xf32, #tpu.memory_space<vmem_shared>> -> memref<10240xf32, #tpu.memory_space<vmem_shared>>
        tpu.enqueue_indirect_dma source(%arg8 : memref<80xf32, #tpu.memory_space<vmem>>) target(%dma_start3A_71 : memref<10240xf32, #tpu.memory_space<vmem_shared>>) offsets(%arg7 : memref<80xi32, #tpu.memory_space<vmem>>) semaphore(%run_scoped3A : memref<!tpu.dma_semaphore, #tpu.memory_space<semaphore_mem>>) {add = true}
        %dma_wait3A = arith.constant 0 : i32
        %dma_wait3A_72 = tpu.memref_slice %arg9[%dma_wait3A] : memref<10240xf32, #tpu.memory_space<vmem_shared>> -> memref<10240xf32, #tpu.memory_space<vmem_shared>>
        tpu.wait_indirect_dma semaphore(%run_scoped3A : memref<!tpu.dma_semaphore, #tpu.memory_space<semaphore_mem>>) src(%arg8 : memref<80xf32, #tpu.memory_space<vmem>>) dst(%dma_wait3A_72 : memref<10240xf32, #tpu.memory_space<vmem_shared>>)
        tpu.yield
      }) : () -> ()
    }
    %scan3A_8 = arith.constant 125 : i32
    %barrier3A_9 = arith.constant 0 : index
    tpu.barrier barrier_id(%barrier3A_9)
    %mul3A_10 = arith.constant 10240 : i32
    %mul3A_11 = arith.muli %arg0, %mul3A_10 : i32
    %add3A_12 = arith.addi %mul3A_11, %mul3A_2 : i32
    "tpu.region"() ({
      %run_scoped3A = tpu.sem_alloc : memref<!tpu.dma_semaphore, #tpu.memory_space<semaphore_mem>>
      %dma_start3A = tpu.memref_slice %arg5[%add3A_12] : memref<20480xf32, #tpu.memory_space<hbm>> -> memref<640xf32, #tpu.memory_space<hbm>>
      %dma_start3A_13 = tpu.memref_slice %arg9[%mul3A_2] : memref<10240xf32, #tpu.memory_space<vmem_shared>> -> memref<640xf32, #tpu.memory_space<vmem_shared>>
      tpu.enqueue_dma source(%dma_start3A_13 : memref<640xf32, #tpu.memory_space<vmem_shared>>) target(%dma_start3A : memref<640xf32, #tpu.memory_space<hbm>>) target_semaphore(%run_scoped3A : memref<!tpu.dma_semaphore, #tpu.memory_space<semaphore_mem>>)
      %dma_wait3A = tpu.memref_slice %arg5[%add3A_12] : memref<20480xf32, #tpu.memory_space<hbm>> -> memref<640xf32, #tpu.memory_space<hbm>>
      %dma_wait3A_14 = tpu.memref_slice %arg9[%mul3A_2] : memref<10240xf32, #tpu.memory_space<vmem_shared>> -> memref<640xf32, #tpu.memory_space<vmem_shared>>
      tpu.wait_dma2 semaphore(%run_scoped3A : memref<!tpu.dma_semaphore, #tpu.memory_space<semaphore_mem>>) src(%dma_wait3A_14 : memref<640xf32, #tpu.memory_space<vmem_shared>>) dst(%dma_wait3A : memref<640xf32, #tpu.memory_space<hbm>>)
      tpu.yield
    }) : () -> ()
    return
  }
}

#map = affine_map<(d0, d1) -> (0)>
#map1 = affine_map<(d0, d1) -> (0, 0)>
#map2 = affine_map<(d0, d1) -> (0, 0, 0)>
module attributes {stable_mosaic.version = 14 : i64} {
  func.func @agg(%arg0: i32, %arg1: i32, %arg2: memref<320112xi32, #tpu.memory_space<hbm>>, %arg3: memref<320000xi32, #tpu.memory_space<hbm>>, %arg4: memref<10000x128xf32, #tpu.memory_space<hbm>>, %arg5: memref<10240x128xf32, #tpu.memory_space<hbm>>, %arg6: memref<2x10240x128xf32, #tpu.memory_space<hbm>>, %arg7: memref<10080xi32, #tpu.memory_space<vmem>>, %arg8: memref<10000xi32, #tpu.memory_space<vmem>>, %arg9: memref<112xi32, #tpu.memory_space<vmem>>, %arg10: memref<112xi32, #tpu.memory_space<vmem>>, %arg11: memref<112x128xf32, #tpu.memory_space<vmem>>, %arg12: memref<112x128xf32, #tpu.memory_space<vmem>>, %arg13: memref<10240x128xf32, #tpu.memory_space<vmem_shared>>, %arg14: memref<!tpu.dma_semaphore, #tpu.memory_space<semaphore_mem>>, %arg15: memref<!tpu.dma_semaphore, #tpu.memory_space<semaphore_mem>>) attributes {dimension_semantics = [#tpu.dimension_semantics<core_parallel>, #tpu.dimension_semantics<subcore_parallel>], iteration_bounds = array<i64: 2, 16>, scalar_prefetch = 0 : i64, scratch_operands = 9 : i64, tpu.core_type = #tpu.core_type<sc_vector_subcore>, window_params = [{transform_indices = #map}, {transform_indices = #map}, {transform_indices = #map1}, {transform_indices = #map1}, {transform_indices = #map2}]} {
    %mul3A = arith.constant 2 : i32
    %mul3A_0 = arith.muli %arg1, %mul3A : i32
    %add3A = arith.addi %mul3A_0, %arg0 : i32
    %mul3A_1 = arith.constant 640 : i32
    %mul3A_2 = arith.muli %arg1, %mul3A_1 : i32
    %dma_start3A = arith.constant 0 : i32
    %dma_start3A_3 = tpu.memref_slice %arg13[%mul3A_2, %dma_start3A] : memref<10240x128xf32, #tpu.memory_space<vmem_shared>> -> memref<640x128xf32, #tpu.memory_space<vmem_shared>>
    %dma_start3A_4 = arith.constant 0 : i32
    %dma_start3A_5 = tpu.memref_slice %arg5[%mul3A_2, %dma_start3A_4] : memref<10240x128xf32, #tpu.memory_space<hbm>> -> memref<640x128xf32, #tpu.memory_space<hbm>>
    tpu.enqueue_dma source(%dma_start3A_5 : memref<640x128xf32, #tpu.memory_space<hbm>>) target(%dma_start3A_3 : memref<640x128xf32, #tpu.memory_space<vmem_shared>>) target_semaphore(%arg14 : memref<!tpu.dma_semaphore, #tpu.memory_space<semaphore_mem>>)
    %mul3A_6 = arith.constant 10000 : i32
    %mul3A_7 = arith.muli %add3A, %mul3A_6 : i32
    %dma_start3A_8 = tpu.memref_slice %arg2[%mul3A_7] : memref<320112xi32, #tpu.memory_space<hbm>> -> memref<10080xi32, #tpu.memory_space<hbm>>
    %dma_start3A_9 = tpu.memref_slice %arg2[%mul3A_7] : memref<320112xi32, #tpu.memory_space<hbm>> -> memref<10080xi32, #tpu.memory_space<hbm>>
    tpu.enqueue_dma source(%dma_start3A_9 : memref<10080xi32, #tpu.memory_space<hbm>>) target(%arg7 : memref<10080xi32, #tpu.memory_space<vmem>>) target_semaphore(%arg15 : memref<!tpu.dma_semaphore, #tpu.memory_space<semaphore_mem>>)
    %mul3A_10 = arith.constant 10000 : i32
    %mul3A_11 = arith.muli %add3A, %mul3A_10 : i32
    "tpu.region"() ({
      %run_scoped3A = tpu.sem_alloc : memref<!tpu.dma_semaphore, #tpu.memory_space<semaphore_mem>>
      %dma_start3A_146 = tpu.memref_slice %arg3[%mul3A_11] : memref<320000xi32, #tpu.memory_space<hbm>> -> memref<10000xi32, #tpu.memory_space<hbm>>
      %dma_start3A_147 = tpu.memref_slice %arg3[%mul3A_11] : memref<320000xi32, #tpu.memory_space<hbm>> -> memref<10000xi32, #tpu.memory_space<hbm>>
      tpu.enqueue_dma source(%dma_start3A_147 : memref<10000xi32, #tpu.memory_space<hbm>>) target(%arg8 : memref<10000xi32, #tpu.memory_space<vmem>>) target_semaphore(%run_scoped3A : memref<!tpu.dma_semaphore, #tpu.memory_space<semaphore_mem>>)
      %dma_wait3A_148 = tpu.memref_slice %arg3[%mul3A_11] : memref<320000xi32, #tpu.memory_space<hbm>> -> memref<10000xi32, #tpu.memory_space<hbm>>
      %dma_wait3A_149 = tpu.memref_slice %arg3[%mul3A_11] : memref<320000xi32, #tpu.memory_space<hbm>> -> memref<10000xi32, #tpu.memory_space<hbm>>
      tpu.wait_dma2 semaphore(%run_scoped3A : memref<!tpu.dma_semaphore, #tpu.memory_space<semaphore_mem>>) src(%dma_wait3A_149 : memref<10000xi32, #tpu.memory_space<hbm>>) dst(%arg8 : memref<10000xi32, #tpu.memory_space<vmem>>)
      tpu.yield
    }) : () -> ()
    %dma_wait3A = arith.constant 0 : i32
    %dma_wait3A_12 = tpu.memref_slice %arg13[%mul3A_2, %dma_wait3A] : memref<10240x128xf32, #tpu.memory_space<vmem_shared>> -> memref<640x128xf32, #tpu.memory_space<vmem_shared>>
    %dma_wait3A_13 = arith.constant 0 : i32
    %dma_wait3A_14 = tpu.memref_slice %arg5[%mul3A_2, %dma_wait3A_13] : memref<10240x128xf32, #tpu.memory_space<hbm>> -> memref<640x128xf32, #tpu.memory_space<hbm>>
    tpu.wait_dma2 semaphore(%arg14 : memref<!tpu.dma_semaphore, #tpu.memory_space<semaphore_mem>>) src(%dma_wait3A_14 : memref<640x128xf32, #tpu.memory_space<hbm>>) dst(%dma_wait3A_12 : memref<640x128xf32, #tpu.memory_space<vmem_shared>>)
    %mul3A_15 = arith.constant 10000 : i32
    %mul3A_16 = arith.muli %add3A, %mul3A_15 : i32
    %dma_wait3A_17 = tpu.memref_slice %arg2[%mul3A_16] : memref<320112xi32, #tpu.memory_space<hbm>> -> memref<10080xi32, #tpu.memory_space<hbm>>
    %dma_wait3A_18 = tpu.memref_slice %arg2[%mul3A_16] : memref<320112xi32, #tpu.memory_space<hbm>> -> memref<10080xi32, #tpu.memory_space<hbm>>
    tpu.wait_dma2 semaphore(%arg15 : memref<!tpu.dma_semaphore, #tpu.memory_space<semaphore_mem>>) src(%dma_wait3A_18 : memref<10080xi32, #tpu.memory_space<hbm>>) dst(%arg7 : memref<10080xi32, #tpu.memory_space<vmem>>)
    %barrier3A = arith.constant 0 : index
    tpu.barrier barrier_id(%barrier3A)
    %dma_start3A_19 = arith.constant 0 : i32
    %dma_start3A_20 = tpu.memref_slice %arg7[%dma_start3A_19] : memref<10080xi32, #tpu.memory_space<vmem>> -> memref<112xi32, #tpu.memory_space<vmem>>
    %dma_start3A_21 = arith.constant 0 : i32
    %dma_start3A_22 = arith.constant 0 : i32
    %dma_start3A_23 = tpu.memref_slice %arg4[%dma_start3A_21, %dma_start3A_22] : memref<10000x128xf32, #tpu.memory_space<hbm>> -> memref<10000x128xf32, #tpu.memory_space<hbm>>
    tpu.enqueue_indirect_dma source(%dma_start3A_23 : memref<10000x128xf32, #tpu.memory_space<hbm>>) target(%arg11 : memref<112x128xf32, #tpu.memory_space<vmem>>) offsets(%dma_start3A_20 : memref<112xi32, #tpu.memory_space<vmem>>) semaphore(%arg14 : memref<!tpu.dma_semaphore, #tpu.memory_space<semaphore_mem>>)
    %get3A = arith.constant 0 : index
    %get3A_24 = tpu.vector_load %arg8[%get3A] {strides = array<i32>} : memref<10000xi32, #tpu.memory_space<vmem>>, vector<16xi32>,
    %get3A_25 = vector.shape_cast %get3A_24 : vector<16xi32> to vector<16xi32>
    %swap3A = arith.constant 0 : index
    %swap3A_26 = tpu.vector_load %arg9[%swap3A] {strides = array<i32>} : memref<112xi32, #tpu.memory_space<vmem>>, vector<16xi32>,
    %swap3A_27 = vector.shape_cast %swap3A_26 : vector<16xi32> to vector<16xi32>
    %swap3A_28 = vector.shape_cast %get3A_25 : vector<16xi32> to vector<16xi32>
    tpu.vector_store %arg9[%swap3A], %swap3A_28 {strides = array<i32>} : memref<112xi32, #tpu.memory_space<vmem>>, vector<16xi32>,
    %get3A_29 = arith.constant 16 : index
    %get3A_30 = tpu.vector_load %arg8[%get3A_29] {strides = array<i32>} : memref<10000xi32, #tpu.memory_space<vmem>>, vector<16xi32>,
    %get3A_31 = vector.shape_cast %get3A_30 : vector<16xi32> to vector<16xi32>
    %swap3A_32 = arith.constant 16 : index
    %swap3A_33 = tpu.vector_load %arg9[%swap3A_32] {strides = array<i32>} : memref<112xi32, #tpu.memory_space<vmem>>, vector<16xi32>,
    %swap3A_34 = vector.shape_cast %swap3A_33 : vector<16xi32> to vector<16xi32>
    %swap3A_35 = vector.shape_cast %get3A_31 : vector<16xi32> to vector<16xi32>
    tpu.vector_store %arg9[%swap3A_32], %swap3A_35 {strides = array<i32>} : memref<112xi32, #tpu.memory_space<vmem>>, vector<16xi32>,
    %get3A_36 = arith.constant 32 : index
    %get3A_37 = tpu.vector_load %arg8[%get3A_36] {strides = array<i32>} : memref<10000xi32, #tpu.memory_space<vmem>>, vector<16xi32>,
    %get3A_38 = vector.shape_cast %get3A_37 : vector<16xi32> to vector<16xi32>
    %swap3A_39 = arith.constant 32 : index
    %swap3A_40 = tpu.vector_load %arg9[%swap3A_39] {strides = array<i32>} : memref<112xi32, #tpu.memory_space<vmem>>, vector<16xi32>,
    %swap3A_41 = vector.shape_cast %swap3A_40 : vector<16xi32> to vector<16xi32>
    %swap3A_42 = vector.shape_cast %get3A_38 : vector<16xi32> to vector<16xi32>
    tpu.vector_store %arg9[%swap3A_39], %swap3A_42 {strides = array<i32>} : memref<112xi32, #tpu.memory_space<vmem>>, vector<16xi32>,
    %get3A_43 = arith.constant 48 : index
    %get3A_44 = tpu.vector_load %arg8[%get3A_43] {strides = array<i32>} : memref<10000xi32, #tpu.memory_space<vmem>>, vector<16xi32>,
    %get3A_45 = vector.shape_cast %get3A_44 : vector<16xi32> to vector<16xi32>
    %swap3A_46 = arith.constant 48 : index
    %swap3A_47 = tpu.vector_load %arg9[%swap3A_46] {strides = array<i32>} : memref<112xi32, #tpu.memory_space<vmem>>, vector<16xi32>,
    %swap3A_48 = vector.shape_cast %swap3A_47 : vector<16xi32> to vector<16xi32>
    %swap3A_49 = vector.shape_cast %get3A_45 : vector<16xi32> to vector<16xi32>
    tpu.vector_store %arg9[%swap3A_46], %swap3A_49 {strides = array<i32>} : memref<112xi32, #tpu.memory_space<vmem>>, vector<16xi32>,
    %get3A_50 = arith.constant 64 : index
    %get3A_51 = tpu.vector_load %arg8[%get3A_50] {strides = array<i32>} : memref<10000xi32, #tpu.memory_space<vmem>>, vector<16xi32>,
    %get3A_52 = vector.shape_cast %get3A_51 : vector<16xi32> to vector<16xi32>
    %swap3A_53 = arith.constant 64 : index
    %swap3A_54 = tpu.vector_load %arg9[%swap3A_53] {strides = array<i32>} : memref<112xi32, #tpu.memory_space<vmem>>, vector<16xi32>,
    %swap3A_55 = vector.shape_cast %swap3A_54 : vector<16xi32> to vector<16xi32>
    %swap3A_56 = vector.shape_cast %get3A_52 : vector<16xi32> to vector<16xi32>
    tpu.vector_store %arg9[%swap3A_53], %swap3A_56 {strides = array<i32>} : memref<112xi32, #tpu.memory_space<vmem>>, vector<16xi32>,
    %get3A_57 = arith.constant 80 : index
    %get3A_58 = tpu.vector_load %arg8[%get3A_57] {strides = array<i32>} : memref<10000xi32, #tpu.memory_space<vmem>>, vector<16xi32>,
    %get3A_59 = vector.shape_cast %get3A_58 : vector<16xi32> to vector<16xi32>
    %swap3A_60 = arith.constant 80 : index
    %swap3A_61 = tpu.vector_load %arg9[%swap3A_60] {strides = array<i32>} : memref<112xi32, #tpu.memory_space<vmem>>, vector<16xi32>,
    %swap3A_62 = vector.shape_cast %swap3A_61 : vector<16xi32> to vector<16xi32>
    %swap3A_63 = vector.shape_cast %get3A_59 : vector<16xi32> to vector<16xi32>
    tpu.vector_store %arg9[%swap3A_60], %swap3A_63 {strides = array<i32>} : memref<112xi32, #tpu.memory_space<vmem>>, vector<16xi32>,
    %get3A_64 = arith.constant 96 : index
    %get3A_65 = tpu.vector_load %arg8[%get3A_64] {strides = array<i32>} : memref<10000xi32, #tpu.memory_space<vmem>>, vector<16xi32>,
    %get3A_66 = vector.shape_cast %get3A_65 : vector<16xi32> to vector<16xi32>
    %swap3A_67 = arith.constant 96 : index
    %swap3A_68 = tpu.vector_load %arg9[%swap3A_67] {strides = array<i32>} : memref<112xi32, #tpu.memory_space<vmem>>, vector<16xi32>,
    %swap3A_69 = vector.shape_cast %swap3A_68 : vector<16xi32> to vector<16xi32>
    %swap3A_70 = vector.shape_cast %get3A_66 : vector<16xi32> to vector<16xi32>
    tpu.vector_store %arg9[%swap3A_67], %swap3A_70 {strides = array<i32>} : memref<112xi32, #tpu.memory_space<vmem>>, vector<16xi32>,
    %scan3A = arith.constant 0 : i32
    %scan3A_71 = arith.constant 44 : i32
    %scan3A_72 = arith.addi %scan3A, %scan3A_71 : i32
    %scan3A_73 = arith.constant 1 : i32
    scf.for %scan3A_146 = %scan3A to %scan3A_72 step %scan3A_73  : i32 {
      %mul3A_147 = arith.constant 2 : i32
      %mul3A_148 = arith.muli %scan3A_146, %mul3A_147 : i32
      %add3A_149 = arith.constant 1 : i32
      %add3A_150 = arith.addi %add3A_149, %mul3A_148 : i32
      %mul3A_151 = arith.constant 112 : i32
      %mul3A_152 = arith.muli %add3A_150, %mul3A_151 : i32
      %dma_start3A_153 = tpu.memref_slice %arg7[%mul3A_152] : memref<10080xi32, #tpu.memory_space<vmem>> -> memref<112xi32, #tpu.memory_space<vmem>>
      %dma_start3A_154 = arith.constant 0 : i32
      %dma_start3A_155 = arith.constant 0 : i32
      %dma_start3A_156 = tpu.memref_slice %arg4[%dma_start3A_154, %dma_start3A_155] : memref<10000x128xf32, #tpu.memory_space<hbm>> -> memref<10000x128xf32, #tpu.memory_space<hbm>>
      tpu.enqueue_indirect_dma source(%dma_start3A_156 : memref<10000x128xf32, #tpu.memory_space<hbm>>) target(%arg12 : memref<112x128xf32, #tpu.memory_space<vmem>>) offsets(%dma_start3A_153 : memref<112xi32, #tpu.memory_space<vmem>>) semaphore(%arg15 : memref<!tpu.dma_semaphore, #tpu.memory_space<semaphore_mem>>)
      %mul3A_157 = arith.constant 112 : i32
      %mul3A_158 = arith.muli %add3A_150, %mul3A_157 : i32
      %add3A_159 = arith.constant 0 : i32
      %add3A_160 = arith.addi %mul3A_158, %add3A_159 : i32
      %get3A_161 = arith.index_cast %add3A_160 : i32 to index
      %get3A_162 = tpu.vector_load %arg8[%get3A_161] {strides = array<i32>} : memref<10000xi32, #tpu.memory_space<vmem>>, vector<16xi32>,
      %get3A_163 = vector.shape_cast %get3A_162 : vector<16xi32> to vector<16xi32>
      %swap3A_164 = arith.constant 0 : index
      %swap3A_165 = tpu.vector_load %arg10[%swap3A_164] {strides = array<i32>} : memref<112xi32, #tpu.memory_space<vmem>>, vector<16xi32>,
      %swap3A_166 = vector.shape_cast %swap3A_165 : vector<16xi32> to vector<16xi32>
      %swap3A_167 = vector.shape_cast %get3A_163 : vector<16xi32> to vector<16xi32>
      tpu.vector_store %arg10[%swap3A_164], %swap3A_167 {strides = array<i32>} : memref<112xi32, #tpu.memory_space<vmem>>, vector<16xi32>,
      %mul3A_168 = arith.constant 112 : i32
      %mul3A_169 = arith.muli %add3A_150, %mul3A_168 : i32
      %add3A_170 = arith.constant 16 : i32
      %add3A_171 = arith.addi %mul3A_169, %add3A_170 : i32
      %get3A_172 = arith.index_cast %add3A_171 : i32 to index
      %get3A_173 = tpu.vector_load %arg8[%get3A_172] {strides = array<i32>} : memref<10000xi32, #tpu.memory_space<vmem>>, vector<16xi32>,
      %get3A_174 = vector.shape_cast %get3A_173 : vector<16xi32> to vector<16xi32>
      %swap3A_175 = arith.constant 16 : index
      %swap3A_176 = tpu.vector_load %arg10[%swap3A_175] {strides = array<i32>} : memref<112xi32, #tpu.memory_space<vmem>>, vector<16xi32>,
      %swap3A_177 = vector.shape_cast %swap3A_176 : vector<16xi32> to vector<16xi32>
      %swap3A_178 = vector.shape_cast %get3A_174 : vector<16xi32> to vector<16xi32>
      tpu.vector_store %arg10[%swap3A_175], %swap3A_178 {strides = array<i32>} : memref<112xi32, #tpu.memory_space<vmem>>, vector<16xi32>,
      %mul3A_179 = arith.constant 112 : i32
      %mul3A_180 = arith.muli %add3A_150, %mul3A_179 : i32
      %add3A_181 = arith.constant 32 : i32
      %add3A_182 = arith.addi %mul3A_180, %add3A_181 : i32
      %get3A_183 = arith.index_cast %add3A_182 : i32 to index
      %get3A_184 = tpu.vector_load %arg8[%get3A_183] {strides = array<i32>} : memref<10000xi32, #tpu.memory_space<vmem>>, vector<16xi32>,
      %get3A_185 = vector.shape_cast %get3A_184 : vector<16xi32> to vector<16xi32>
      %swap3A_186 = arith.constant 32 : index
      %swap3A_187 = tpu.vector_load %arg10[%swap3A_186] {strides = array<i32>} : memref<112xi32, #tpu.memory_space<vmem>>, vector<16xi32>,
      %swap3A_188 = vector.shape_cast %swap3A_187 : vector<16xi32> to vector<16xi32>
      %swap3A_189 = vector.shape_cast %get3A_185 : vector<16xi32> to vector<16xi32>
      tpu.vector_store %arg10[%swap3A_186], %swap3A_189 {strides = array<i32>} : memref<112xi32, #tpu.memory_space<vmem>>, vector<16xi32>,
      %mul3A_190 = arith.constant 112 : i32
      %mul3A_191 = arith.muli %add3A_150, %mul3A_190 : i32
      %add3A_192 = arith.constant 48 : i32
      %add3A_193 = arith.addi %mul3A_191, %add3A_192 : i32
      %get3A_194 = arith.index_cast %add3A_193 : i32 to index
      %get3A_195 = tpu.vector_load %arg8[%get3A_194] {strides = array<i32>} : memref<10000xi32, #tpu.memory_space<vmem>>, vector<16xi32>,
      %get3A_196 = vector.shape_cast %get3A_195 : vector<16xi32> to vector<16xi32>
      %swap3A_197 = arith.constant 48 : index
      %swap3A_198 = tpu.vector_load %arg10[%swap3A_197] {strides = array<i32>} : memref<112xi32, #tpu.memory_space<vmem>>, vector<16xi32>,
      %swap3A_199 = vector.shape_cast %swap3A_198 : vector<16xi32> to vector<16xi32>
      %swap3A_200 = vector.shape_cast %get3A_196 : vector<16xi32> to vector<16xi32>
      tpu.vector_store %arg10[%swap3A_197], %swap3A_200 {strides = array<i32>} : memref<112xi32, #tpu.memory_space<vmem>>, vector<16xi32>,
      %mul3A_201 = arith.constant 112 : i32
      %mul3A_202 = arith.muli %add3A_150, %mul3A_201 : i32
      %add3A_203 = arith.constant 64 : i32
      %add3A_204 = arith.addi %mul3A_202, %add3A_203 : i32
      %get3A_205 = arith.index_cast %add3A_204 : i32 to index
      %get3A_206 = tpu.vector_load %arg8[%get3A_205] {strides = array<i32>} : memref<10000xi32, #tpu.memory_space<vmem>>, vector<16xi32>,
      %get3A_207 = vector.shape_cast %get3A_206 : vector<16xi32> to vector<16xi32>
      %swap3A_208 = arith.constant 64 : index
      %swap3A_209 = tpu.vector_load %arg10[%swap3A_208] {strides = array<i32>} : memref<112xi32, #tpu.memory_space<vmem>>, vector<16xi32>,
      %swap3A_210 = vector.shape_cast %swap3A_209 : vector<16xi32> to vector<16xi32>
      %swap3A_211 = vector.shape_cast %get3A_207 : vector<16xi32> to vector<16xi32>
      tpu.vector_store %arg10[%swap3A_208], %swap3A_211 {strides = array<i32>} : memref<112xi32, #tpu.memory_space<vmem>>, vector<16xi32>,
      %mul3A_212 = arith.constant 112 : i32
      %mul3A_213 = arith.muli %add3A_150, %mul3A_212 : i32
      %add3A_214 = arith.constant 80 : i32
      %add3A_215 = arith.addi %mul3A_213, %add3A_214 : i32
      %get3A_216 = arith.index_cast %add3A_215 : i32 to index
      %get3A_217 = tpu.vector_load %arg8[%get3A_216] {strides = array<i32>} : memref<10000xi32, #tpu.memory_space<vmem>>, vector<16xi32>,
      %get3A_218 = vector.shape_cast %get3A_217 : vector<16xi32> to vector<16xi32>
      %swap3A_219 = arith.constant 80 : index
      %swap3A_220 = tpu.vector_load %arg10[%swap3A_219] {strides = array<i32>} : memref<112xi32, #tpu.memory_space<vmem>>, vector<16xi32>,
      %swap3A_221 = vector.shape_cast %swap3A_220 : vector<16xi32> to vector<16xi32>
      %swap3A_222 = vector.shape_cast %get3A_218 : vector<16xi32> to vector<16xi32>
      tpu.vector_store %arg10[%swap3A_219], %swap3A_222 {strides = array<i32>} : memref<112xi32, #tpu.memory_space<vmem>>, vector<16xi32>,
      %mul3A_223 = arith.constant 112 : i32
      %mul3A_224 = arith.muli %add3A_150, %mul3A_223 : i32
      %add3A_225 = arith.constant 96 : i32
      %add3A_226 = arith.addi %mul3A_224, %add3A_225 : i32
      %get3A_227 = arith.index_cast %add3A_226 : i32 to index
      %get3A_228 = tpu.vector_load %arg8[%get3A_227] {strides = array<i32>} : memref<10000xi32, #tpu.memory_space<vmem>>, vector<16xi32>,
      %get3A_229 = vector.shape_cast %get3A_228 : vector<16xi32> to vector<16xi32>
      %swap3A_230 = arith.constant 96 : index
      %swap3A_231 = tpu.vector_load %arg10[%swap3A_230] {strides = array<i32>} : memref<112xi32, #tpu.memory_space<vmem>>, vector<16xi32>,
      %swap3A_232 = vector.shape_cast %swap3A_231 : vector<16xi32> to vector<16xi32>
      %swap3A_233 = vector.shape_cast %get3A_229 : vector<16xi32> to vector<16xi32>
      tpu.vector_store %arg10[%swap3A_230], %swap3A_233 {strides = array<i32>} : memref<112xi32, #tpu.memory_space<vmem>>, vector<16xi32>,
      %dma_wait3A_234 = arith.constant 0 : i32
      %dma_wait3A_235 = arith.constant 0 : i32
      %dma_wait3A_236 = tpu.memref_slice %arg4[%dma_wait3A_234, %dma_wait3A_235] : memref<10000x128xf32, #tpu.memory_space<hbm>> -> memref<112x128xf32, #tpu.memory_space<hbm>>
      %dma_wait3A_237 = arith.constant 0 : i32
      %dma_wait3A_238 = arith.constant 0 : i32
      %dma_wait3A_239 = tpu.memref_slice %arg4[%dma_wait3A_237, %dma_wait3A_238] : memref<10000x128xf32, #tpu.memory_space<hbm>> -> memref<112x128xf32, #tpu.memory_space<hbm>>
      tpu.wait_dma2 semaphore(%arg14 : memref<!tpu.dma_semaphore, #tpu.memory_space<semaphore_mem>>) src(%dma_wait3A_239 : memref<112x128xf32, #tpu.memory_space<hbm>>) dst(%arg11 : memref<112x128xf32, #tpu.memory_space<vmem>>)
      "tpu.region"() ({
        %run_scoped3A = tpu.sem_alloc : memref<!tpu.dma_semaphore, #tpu.memory_space<semaphore_mem>>
        %dma_start3A_333 = arith.constant 0 : i32
        %dma_start3A_334 = arith.constant 0 : i32
        %dma_start3A_335 = tpu.memref_slice %arg13[%dma_start3A_333, %dma_start3A_334] : memref<10240x128xf32, #tpu.memory_space<vmem_shared>> -> memref<10240x128xf32, #tpu.memory_space<vmem_shared>>
        tpu.enqueue_indirect_dma source(%arg11 : memref<112x128xf32, #tpu.memory_space<vmem>>) target(%dma_start3A_335 : memref<10240x128xf32, #tpu.memory_space<vmem_shared>>) offsets(%arg9 : memref<112xi32, #tpu.memory_space<vmem>>) semaphore(%run_scoped3A : memref<!tpu.dma_semaphore, #tpu.memory_space<semaphore_mem>>) {add = true}
        %dma_wait3A_336 = arith.constant 0 : i32
        %dma_wait3A_337 = arith.constant 0 : i32
        %dma_wait3A_338 = tpu.memref_slice %arg13[%dma_wait3A_336, %dma_wait3A_337] : memref<10240x128xf32, #tpu.memory_space<vmem_shared>> -> memref<10240x128xf32, #tpu.memory_space<vmem_shared>>
        tpu.wait_indirect_dma semaphore(%run_scoped3A : memref<!tpu.dma_semaphore, #tpu.memory_space<semaphore_mem>>) src(%arg11 : memref<112x128xf32, #tpu.memory_space<vmem>>) dst(%dma_wait3A_338 : memref<10240x128xf32, #tpu.memory_space<vmem_shared>>)
        tpu.yield
      }) : () -> ()
      %add3A_240 = arith.constant 1 : i32
      %add3A_241 = arith.addi %add3A_150, %add3A_240 : i32
      %mul3A_242 = arith.constant 112 : i32
      %mul3A_243 = arith.muli %add3A_241, %mul3A_242 : i32
      %dma_start3A_244 = tpu.memref_slice %arg7[%mul3A_243] : memref<10080xi32, #tpu.memory_space<vmem>> -> memref<112xi32, #tpu.memory_space<vmem>>
      %dma_start3A_245 = arith.constant 0 : i32
      %dma_start3A_246 = arith.constant 0 : i32
      %dma_start3A_247 = tpu.memref_slice %arg4[%dma_start3A_245, %dma_start3A_246] : memref<10000x128xf32, #tpu.memory_space<hbm>> -> memref<10000x128xf32, #tpu.memory_space<hbm>>
      tpu.enqueue_indirect_dma source(%dma_start3A_247 : memref<10000x128xf32, #tpu.memory_space<hbm>>) target(%arg11 : memref<112x128xf32, #tpu.memory_space<vmem>>) offsets(%dma_start3A_244 : memref<112xi32, #tpu.memory_space<vmem>>) semaphore(%arg14 : memref<!tpu.dma_semaphore, #tpu.memory_space<semaphore_mem>>)
      %add3A_248 = arith.constant 1 : i32
      %add3A_249 = arith.addi %add3A_150, %add3A_248 : i32
      %mul3A_250 = arith.constant 112 : i32
      %mul3A_251 = arith.muli %add3A_249, %mul3A_250 : i32
      %add3A_252 = arith.constant 0 : i32
      %add3A_253 = arith.addi %mul3A_251, %add3A_252 : i32
      %get3A_254 = arith.index_cast %add3A_253 : i32 to index
      %get3A_255 = tpu.vector_load %arg8[%get3A_254] {strides = array<i32>} : memref<10000xi32, #tpu.memory_space<vmem>>, vector<16xi32>,
      %get3A_256 = vector.shape_cast %get3A_255 : vector<16xi32> to vector<16xi32>
      %swap3A_257 = arith.constant 0 : index
      %swap3A_258 = tpu.vector_load %arg9[%swap3A_257] {strides = array<i32>} : memref<112xi32, #tpu.memory_space<vmem>>, vector<16xi32>,
      %swap3A_259 = vector.shape_cast %swap3A_258 : vector<16xi32> to vector<16xi32>
      %swap3A_260 = vector.shape_cast %get3A_256 : vector<16xi32> to vector<16xi32>
      tpu.vector_store %arg9[%swap3A_257], %swap3A_260 {strides = array<i32>} : memref<112xi32, #tpu.memory_space<vmem>>, vector<16xi32>,
      %mul3A_261 = arith.constant 112 : i32
      %mul3A_262 = arith.muli %add3A_249, %mul3A_261 : i32
      %add3A_263 = arith.constant 16 : i32
      %add3A_264 = arith.addi %mul3A_262, %add3A_263 : i32
      %get3A_265 = arith.index_cast %add3A_264 : i32 to index
      %get3A_266 = tpu.vector_load %arg8[%get3A_265] {strides = array<i32>} : memref<10000xi32, #tpu.memory_space<vmem>>, vector<16xi32>,
      %get3A_267 = vector.shape_cast %get3A_266 : vector<16xi32> to vector<16xi32>
      %swap3A_268 = arith.constant 16 : index
      %swap3A_269 = tpu.vector_load %arg9[%swap3A_268] {strides = array<i32>} : memref<112xi32, #tpu.memory_space<vmem>>, vector<16xi32>,
      %swap3A_270 = vector.shape_cast %swap3A_269 : vector<16xi32> to vector<16xi32>
      %swap3A_271 = vector.shape_cast %get3A_267 : vector<16xi32> to vector<16xi32>
      tpu.vector_store %arg9[%swap3A_268], %swap3A_271 {strides = array<i32>} : memref<112xi32, #tpu.memory_space<vmem>>, vector<16xi32>,
      %mul3A_272 = arith.constant 112 : i32
      %mul3A_273 = arith.muli %add3A_249, %mul3A_272 : i32
      %add3A_274 = arith.constant 32 : i32
      %add3A_275 = arith.addi %mul3A_273, %add3A_274 : i32
      %get3A_276 = arith.index_cast %add3A_275 : i32 to index
      %get3A_277 = tpu.vector_load %arg8[%get3A_276] {strides = array<i32>} : memref<10000xi32, #tpu.memory_space<vmem>>, vector<16xi32>,
      %get3A_278 = vector.shape_cast %get3A_277 : vector<16xi32> to vector<16xi32>
      %swap3A_279 = arith.constant 32 : index
      %swap3A_280 = tpu.vector_load %arg9[%swap3A_279] {strides = array<i32>} : memref<112xi32, #tpu.memory_space<vmem>>, vector<16xi32>,
      %swap3A_281 = vector.shape_cast %swap3A_280 : vector<16xi32> to vector<16xi32>
      %swap3A_282 = vector.shape_cast %get3A_278 : vector<16xi32> to vector<16xi32>
      tpu.vector_store %arg9[%swap3A_279], %swap3A_282 {strides = array<i32>} : memref<112xi32, #tpu.memory_space<vmem>>, vector<16xi32>,
      %mul3A_283 = arith.constant 112 : i32
      %mul3A_284 = arith.muli %add3A_249, %mul3A_283 : i32
      %add3A_285 = arith.constant 48 : i32
      %add3A_286 = arith.addi %mul3A_284, %add3A_285 : i32
      %get3A_287 = arith.index_cast %add3A_286 : i32 to index
      %get3A_288 = tpu.vector_load %arg8[%get3A_287] {strides = array<i32>} : memref<10000xi32, #tpu.memory_space<vmem>>, vector<16xi32>,
      %get3A_289 = vector.shape_cast %get3A_288 : vector<16xi32> to vector<16xi32>
      %swap3A_290 = arith.constant 48 : index
      %swap3A_291 = tpu.vector_load %arg9[%swap3A_290] {strides = array<i32>} : memref<112xi32, #tpu.memory_space<vmem>>, vector<16xi32>,
      %swap3A_292 = vector.shape_cast %swap3A_291 : vector<16xi32> to vector<16xi32>
      %swap3A_293 = vector.shape_cast %get3A_289 : vector<16xi32> to vector<16xi32>
      tpu.vector_store %arg9[%swap3A_290], %swap3A_293 {strides = array<i32>} : memref<112xi32, #tpu.memory_space<vmem>>, vector<16xi32>,
      %mul3A_294 = arith.constant 112 : i32
      %mul3A_295 = arith.muli %add3A_249, %mul3A_294 : i32
      %add3A_296 = arith.constant 64 : i32
      %add3A_297 = arith.addi %mul3A_295, %add3A_296 : i32
      %get3A_298 = arith.index_cast %add3A_297 : i32 to index
      %get3A_299 = tpu.vector_load %arg8[%get3A_298] {strides = array<i32>} : memref<10000xi32, #tpu.memory_space<vmem>>, vector<16xi32>,
      %get3A_300 = vector.shape_cast %get3A_299 : vector<16xi32> to vector<16xi32>
      %swap3A_301 = arith.constant 64 : index
      %swap3A_302 = tpu.vector_load %arg9[%swap3A_301] {strides = array<i32>} : memref<112xi32, #tpu.memory_space<vmem>>, vector<16xi32>,
      %swap3A_303 = vector.shape_cast %swap3A_302 : vector<16xi32> to vector<16xi32>
      %swap3A_304 = vector.shape_cast %get3A_300 : vector<16xi32> to vector<16xi32>
      tpu.vector_store %arg9[%swap3A_301], %swap3A_304 {strides = array<i32>} : memref<112xi32, #tpu.memory_space<vmem>>, vector<16xi32>,
      %mul3A_305 = arith.constant 112 : i32
      %mul3A_306 = arith.muli %add3A_249, %mul3A_305 : i32
      %add3A_307 = arith.constant 80 : i32
      %add3A_308 = arith.addi %mul3A_306, %add3A_307 : i32
      %get3A_309 = arith.index_cast %add3A_308 : i32 to index
      %get3A_310 = tpu.vector_load %arg8[%get3A_309] {strides = array<i32>} : memref<10000xi32, #tpu.memory_space<vmem>>, vector<16xi32>,
      %get3A_311 = vector.shape_cast %get3A_310 : vector<16xi32> to vector<16xi32>
      %swap3A_312 = arith.constant 80 : index
      %swap3A_313 = tpu.vector_load %arg9[%swap3A_312] {strides = array<i32>} : memref<112xi32, #tpu.memory_space<vmem>>, vector<16xi32>,
      %swap3A_314 = vector.shape_cast %swap3A_313 : vector<16xi32> to vector<16xi32>
      %swap3A_315 = vector.shape_cast %get3A_311 : vector<16xi32> to vector<16xi32>
      tpu.vector_store %arg9[%swap3A_312], %swap3A_315 {strides = array<i32>} : memref<112xi32, #tpu.memory_space<vmem>>, vector<16xi32>,
      %mul3A_316 = arith.constant 112 : i32
      %mul3A_317 = arith.muli %add3A_249, %mul3A_316 : i32
      %add3A_318 = arith.constant 96 : i32
      %add3A_319 = arith.addi %mul3A_317, %add3A_318 : i32
      %get3A_320 = arith.index_cast %add3A_319 : i32 to index
      %get3A_321 = tpu.vector_load %arg8[%get3A_320] {strides = array<i32>} : memref<10000xi32, #tpu.memory_space<vmem>>, vector<16xi32>,
      %get3A_322 = vector.shape_cast %get3A_321 : vector<16xi32> to vector<16xi32>
      %swap3A_323 = arith.constant 96 : index
      %swap3A_324 = tpu.vector_load %arg9[%swap3A_323] {strides = array<i32>} : memref<112xi32, #tpu.memory_space<vmem>>, vector<16xi32>,
      %swap3A_325 = vector.shape_cast %swap3A_324 : vector<16xi32> to vector<16xi32>
      %swap3A_326 = vector.shape_cast %get3A_322 : vector<16xi32> to vector<16xi32>
      tpu.vector_store %arg9[%swap3A_323], %swap3A_326 {strides = array<i32>} : memref<112xi32, #tpu.memory_space<vmem>>, vector<16xi32>,
      %dma_wait3A_327 = arith.constant 0 : i32
      %dma_wait3A_328 = arith.constant 0 : i32
      %dma_wait3A_329 = tpu.memref_slice %arg4[%dma_wait3A_327, %dma_wait3A_328] : memref<10000x128xf32, #tpu.memory_space<hbm>> -> memref<112x128xf32, #tpu.memory_space<hbm>>
      %dma_wait3A_330 = arith.constant 0 : i32
      %dma_wait3A_331 = arith.constant 0 : i32
      %dma_wait3A_332 = tpu.memref_slice %arg4[%dma_wait3A_330, %dma_wait3A_331] : memref<10000x128xf32, #tpu.memory_space<hbm>> -> memref<112x128xf32, #tpu.memory_space<hbm>>
      tpu.wait_dma2 semaphore(%arg15 : memref<!tpu.dma_semaphore, #tpu.memory_space<semaphore_mem>>) src(%dma_wait3A_332 : memref<112x128xf32, #tpu.memory_space<hbm>>) dst(%arg12 : memref<112x128xf32, #tpu.memory_space<vmem>>)
      "tpu.region"() ({
        %run_scoped3A = tpu.sem_alloc : memref<!tpu.dma_semaphore, #tpu.memory_space<semaphore_mem>>
        %dma_start3A_333 = arith.constant 0 : i32
        %dma_start3A_334 = arith.constant 0 : i32
        %dma_start3A_335 = tpu.memref_slice %arg13[%dma_start3A_333, %dma_start3A_334] : memref<10240x128xf32, #tpu.memory_space<vmem_shared>> -> memref<10240x128xf32, #tpu.memory_space<vmem_shared>>
        tpu.enqueue_indirect_dma source(%arg12 : memref<112x128xf32, #tpu.memory_space<vmem>>) target(%dma_start3A_335 : memref<10240x128xf32, #tpu.memory_space<vmem_shared>>) offsets(%arg10 : memref<112xi32, #tpu.memory_space<vmem>>) semaphore(%run_scoped3A : memref<!tpu.dma_semaphore, #tpu.memory_space<semaphore_mem>>) {add = true}
        %dma_wait3A_336 = arith.constant 0 : i32
        %dma_wait3A_337 = arith.constant 0 : i32
        %dma_wait3A_338 = tpu.memref_slice %arg13[%dma_wait3A_336, %dma_wait3A_337] : memref<10240x128xf32, #tpu.memory_space<vmem_shared>> -> memref<10240x128xf32, #tpu.memory_space<vmem_shared>>
        tpu.wait_indirect_dma semaphore(%run_scoped3A : memref<!tpu.dma_semaphore, #tpu.memory_space<semaphore_mem>>) src(%arg12 : memref<112x128xf32, #tpu.memory_space<vmem>>) dst(%dma_wait3A_338 : memref<10240x128xf32, #tpu.memory_space<vmem_shared>>)
        tpu.yield
      }) : () -> ()
    }
    %scan3A_74 = arith.constant 44 : i32
    %dma_start3A_75 = arith.constant 9968 : i32
    %dma_start3A_76 = tpu.memref_slice %arg7[%dma_start3A_75] : memref<10080xi32, #tpu.memory_space<vmem>> -> memref<112xi32, #tpu.memory_space<vmem>>
    %dma_start3A_77 = arith.constant 0 : i32
    %dma_start3A_78 = arith.constant 0 : i32
    %dma_start3A_79 = tpu.memref_slice %arg4[%dma_start3A_77, %dma_start3A_78] : memref<10000x128xf32, #tpu.memory_space<hbm>> -> memref<10000x128xf32, #tpu.memory_space<hbm>>
    tpu.enqueue_indirect_dma source(%dma_start3A_79 : memref<10000x128xf32, #tpu.memory_space<hbm>>) target(%arg12 : memref<112x128xf32, #tpu.memory_space<vmem>>) offsets(%dma_start3A_76 : memref<112xi32, #tpu.memory_space<vmem>>) semaphore(%arg15 : memref<!tpu.dma_semaphore, #tpu.memory_space<semaphore_mem>>)
    %get3A_80 = arith.constant 9968 : index
    %get3A_81 = tpu.vector_load %arg8[%get3A_80] {strides = array<i32>} : memref<10000xi32, #tpu.memory_space<vmem>>, vector<16xi32>,
    %get3A_82 = vector.shape_cast %get3A_81 : vector<16xi32> to vector<16xi32>
    %swap3A_83 = arith.constant 0 : index
    %swap3A_84 = tpu.vector_load %arg10[%swap3A_83] {strides = array<i32>} : memref<112xi32, #tpu.memory_space<vmem>>, vector<16xi32>,
    %swap3A_85 = vector.shape_cast %swap3A_84 : vector<16xi32> to vector<16xi32>
    %swap3A_86 = vector.shape_cast %get3A_82 : vector<16xi32> to vector<16xi32>
    tpu.vector_store %arg10[%swap3A_83], %swap3A_86 {strides = array<i32>} : memref<112xi32, #tpu.memory_space<vmem>>, vector<16xi32>,
    %get3A_87 = arith.constant 9984 : index
    %get3A_88 = tpu.vector_load %arg8[%get3A_87] {strides = array<i32>} : memref<10000xi32, #tpu.memory_space<vmem>>, vector<16xi32>,
    %get3A_89 = vector.shape_cast %get3A_88 : vector<16xi32> to vector<16xi32>
    %swap3A_90 = arith.constant 16 : index
    %swap3A_91 = tpu.vector_load %arg10[%swap3A_90] {strides = array<i32>} : memref<112xi32, #tpu.memory_space<vmem>>, vector<16xi32>,
    %swap3A_92 = vector.shape_cast %swap3A_91 : vector<16xi32> to vector<16xi32>
    %swap3A_93 = vector.shape_cast %get3A_89 : vector<16xi32> to vector<16xi32>
    tpu.vector_store %arg10[%swap3A_90], %swap3A_93 {strides = array<i32>} : memref<112xi32, #tpu.memory_space<vmem>>, vector<16xi32>,
    %iota3A = tpu.iota {dimensions = array<i32: 0>} : vector<16xi32>
    %add3A_94 = arith.constant 10000 : i32
    %add3A_95 = vector.broadcast %add3A_94 : i32 to vector<16xi32>
    %add3A_96 = arith.addi %iota3A, %add3A_95 : vector<16xi32>
    %swap3A_97 = arith.constant 32 : index
    %swap3A_98 = tpu.vector_load %arg10[%swap3A_97] {strides = array<i32>} : memref<112xi32, #tpu.memory_space<vmem>>, vector<16xi32>,
    %swap3A_99 = vector.shape_cast %swap3A_98 : vector<16xi32> to vector<16xi32>
    %swap3A_100 = vector.shape_cast %add3A_96 : vector<16xi32> to vector<16xi32>
    tpu.vector_store %arg10[%swap3A_97], %swap3A_100 {strides = array<i32>} : memref<112xi32, #tpu.memory_space<vmem>>, vector<16xi32>,
    %iota3A_101 = tpu.iota {dimensions = array<i32: 0>} : vector<16xi32>
    %add3A_102 = arith.constant 10016 : i32
    %add3A_103 = vector.broadcast %add3A_102 : i32 to vector<16xi32>
    %add3A_104 = arith.addi %iota3A_101, %add3A_103 : vector<16xi32>
    %swap3A_105 = arith.constant 48 : index
    %swap3A_106 = tpu.vector_load %arg10[%swap3A_105] {strides = array<i32>} : memref<112xi32, #tpu.memory_space<vmem>>, vector<16xi32>,
    %swap3A_107 = vector.shape_cast %swap3A_106 : vector<16xi32> to vector<16xi32>
    %swap3A_108 = vector.shape_cast %add3A_104 : vector<16xi32> to vector<16xi32>
    tpu.vector_store %arg10[%swap3A_105], %swap3A_108 {strides = array<i32>} : memref<112xi32, #tpu.memory_space<vmem>>, vector<16xi32>,
    %iota3A_109 = tpu.iota {dimensions = array<i32: 0>} : vector<16xi32>
    %add3A_110 = arith.constant 10032 : i32
    %add3A_111 = vector.broadcast %add3A_110 : i32 to vector<16xi32>
    %add3A_112 = arith.addi %iota3A_109, %add3A_111 : vector<16xi32>
    %swap3A_113 = arith.constant 64 : index
    %swap3A_114 = tpu.vector_load %arg10[%swap3A_113] {strides = array<i32>} : memref<112xi32, #tpu.memory_space<vmem>>, vector<16xi32>,
    %swap3A_115 = vector.shape_cast %swap3A_114 : vector<16xi32> to vector<16xi32>
    %swap3A_116 = vector.shape_cast %add3A_112 : vector<16xi32> to vector<16xi32>
    tpu.vector_store %arg10[%swap3A_113], %swap3A_116 {strides = array<i32>} : memref<112xi32, #tpu.memory_space<vmem>>, vector<16xi32>,
    %iota3A_117 = tpu.iota {dimensions = array<i32: 0>} : vector<16xi32>
    %add3A_118 = arith.constant 10048 : i32
    %add3A_119 = vector.broadcast %add3A_118 : i32 to vector<16xi32>
    %add3A_120 = arith.addi %iota3A_117, %add3A_119 : vector<16xi32>
    %swap3A_121 = arith.constant 80 : index
    %swap3A_122 = tpu.vector_load %arg10[%swap3A_121] {strides = array<i32>} : memref<112xi32, #tpu.memory_space<vmem>>, vector<16xi32>,
    %swap3A_123 = vector.shape_cast %swap3A_122 : vector<16xi32> to vector<16xi32>
    %swap3A_124 = vector.shape_cast %add3A_120 : vector<16xi32> to vector<16xi32>
    tpu.vector_store %arg10[%swap3A_121], %swap3A_124 {strides = array<i32>} : memref<112xi32, #tpu.memory_space<vmem>>, vector<16xi32>,
    %iota3A_125 = tpu.iota {dimensions = array<i32: 0>} : vector<16xi32>
    %add3A_126 = arith.constant 10064 : i32
    %add3A_127 = vector.broadcast %add3A_126 : i32 to vector<16xi32>
    %add3A_128 = arith.addi %iota3A_125, %add3A_127 : vector<16xi32>
    %swap3A_129 = arith.constant 96 : index
    %swap3A_130 = tpu.vector_load %arg10[%swap3A_129] {strides = array<i32>} : memref<112xi32, #tpu.memory_space<vmem>>, vector<16xi32>,
    %swap3A_131 = vector.shape_cast %swap3A_130 : vector<16xi32> to vector<16xi32>
    %swap3A_132 = vector.shape_cast %add3A_128 : vector<16xi32> to vector<16xi32>
    tpu.vector_store %arg10[%swap3A_129], %swap3A_132 {strides = array<i32>} : memref<112xi32, #tpu.memory_space<vmem>>, vector<16xi32>,
    %dma_wait3A_133 = arith.constant 0 : i32
    %dma_wait3A_134 = arith.constant 0 : i32
    %dma_wait3A_135 = tpu.memref_slice %arg4[%dma_wait3A_133, %dma_wait3A_134] : memref<10000x128xf32, #tpu.memory_space<hbm>> -> memref<112x128xf32, #tpu.memory_space<hbm>>
    %dma_wait3A_136 = arith.constant 0 : i32
    %dma_wait3A_137 = arith.constant 0 : i32
    %dma_wait3A_138 = tpu.memref_slice %arg4[%dma_wait3A_136, %dma_wait3A_137] : memref<10000x128xf32, #tpu.memory_space<hbm>> -> memref<112x128xf32, #tpu.memory_space<hbm>>
    tpu.wait_dma2 semaphore(%arg14 : memref<!tpu.dma_semaphore, #tpu.memory_space<semaphore_mem>>) src(%dma_wait3A_138 : memref<112x128xf32, #tpu.memory_space<hbm>>) dst(%arg11 : memref<112x128xf32, #tpu.memory_space<vmem>>)
    "tpu.region"() ({
      %run_scoped3A = tpu.sem_alloc : memref<!tpu.dma_semaphore, #tpu.memory_space<semaphore_mem>>
      %dma_start3A_146 = arith.constant 0 : i32
      %dma_start3A_147 = arith.constant 0 : i32
      %dma_start3A_148 = tpu.memref_slice %arg13[%dma_start3A_146, %dma_start3A_147] : memref<10240x128xf32, #tpu.memory_space<vmem_shared>> -> memref<10240x128xf32, #tpu.memory_space<vmem_shared>>
      tpu.enqueue_indirect_dma source(%arg11 : memref<112x128xf32, #tpu.memory_space<vmem>>) target(%dma_start3A_148 : memref<10240x128xf32, #tpu.memory_space<vmem_shared>>) offsets(%arg9 : memref<112xi32, #tpu.memory_space<vmem>>) semaphore(%run_scoped3A : memref<!tpu.dma_semaphore, #tpu.memory_space<semaphore_mem>>) {add = true}
      %dma_wait3A_149 = arith.constant 0 : i32
      %dma_wait3A_150 = arith.constant 0 : i32
      %dma_wait3A_151 = tpu.memref_slice %arg13[%dma_wait3A_149, %dma_wait3A_150] : memref<10240x128xf32, #tpu.memory_space<vmem_shared>> -> memref<10240x128xf32, #tpu.memory_space<vmem_shared>>
      tpu.wait_indirect_dma semaphore(%run_scoped3A : memref<!tpu.dma_semaphore, #tpu.memory_space<semaphore_mem>>) src(%arg11 : memref<112x128xf32, #tpu.memory_space<vmem>>) dst(%dma_wait3A_151 : memref<10240x128xf32, #tpu.memory_space<vmem_shared>>)
      tpu.yield
    }) : () -> ()
    %dma_wait3A_139 = arith.constant 0 : i32
    %dma_wait3A_140 = arith.constant 0 : i32
    %dma_wait3A_141 = tpu.memref_slice %arg4[%dma_wait3A_139, %dma_wait3A_140] : memref<10000x128xf32, #tpu.memory_space<hbm>> -> memref<112x128xf32, #tpu.memory_space<hbm>>
    %dma_wait3A_142 = arith.constant 0 : i32
    %dma_wait3A_143 = arith.constant 0 : i32
    %dma_wait3A_144 = tpu.memref_slice %arg4[%dma_wait3A_142, %dma_wait3A_143] : memref<10000x128xf32, #tpu.memory_space<hbm>> -> memref<112x128xf32, #tpu.memory_space<hbm>>
    tpu.wait_dma2 semaphore(%arg15 : memref<!tpu.dma_semaphore, #tpu.memory_space<semaphore_mem>>) src(%dma_wait3A_144 : memref<112x128xf32, #tpu.memory_space<hbm>>) dst(%arg12 : memref<112x128xf32, #tpu.memory_space<vmem>>)
    "tpu.region"() ({
      %run_scoped3A = tpu.sem_alloc : memref<!tpu.dma_semaphore, #tpu.memory_space<semaphore_mem>>
      %dma_start3A_146 = arith.constant 0 : i32
      %dma_start3A_147 = arith.constant 0 : i32
      %dma_start3A_148 = tpu.memref_slice %arg13[%dma_start3A_146, %dma_start3A_147] : memref<10240x128xf32, #tpu.memory_space<vmem_shared>> -> memref<10240x128xf32, #tpu.memory_space<vmem_shared>>
      tpu.enqueue_indirect_dma source(%arg12 : memref<112x128xf32, #tpu.memory_space<vmem>>) target(%dma_start3A_148 : memref<10240x128xf32, #tpu.memory_space<vmem_shared>>) offsets(%arg10 : memref<112xi32, #tpu.memory_space<vmem>>) semaphore(%run_scoped3A : memref<!tpu.dma_semaphore, #tpu.memory_space<semaphore_mem>>) {add = true}
      %dma_wait3A_149 = arith.constant 0 : i32
      %dma_wait3A_150 = arith.constant 0 : i32
      %dma_wait3A_151 = tpu.memref_slice %arg13[%dma_wait3A_149, %dma_wait3A_150] : memref<10240x128xf32, #tpu.memory_space<vmem_shared>> -> memref<10240x128xf32, #tpu.memory_space<vmem_shared>>
      tpu.wait_indirect_dma semaphore(%run_scoped3A : memref<!tpu.dma_semaphore, #tpu.memory_space<semaphore_mem>>) src(%arg12 : memref<112x128xf32, #tpu.memory_space<vmem>>) dst(%dma_wait3A_151 : memref<10240x128xf32, #tpu.memory_space<vmem_shared>>)
      tpu.yield
    }) : () -> ()
    %barrier3A_145 = arith.constant 0 : index
    tpu.barrier barrier_id(%barrier3A_145)
    "tpu.region"() ({
      %run_scoped3A = tpu.sem_alloc : memref<!tpu.dma_semaphore, #tpu.memory_space<semaphore_mem>>
      %dma_start3A_146 = arith.constant 0 : i32
      %dma_start3A_147 = tpu.memref_slice %arg6[%arg0, %mul3A_2, %dma_start3A_146] : memref<2x10240x128xf32, #tpu.memory_space<hbm>> -> memref<1x640x128xf32, #tpu.memory_space<hbm>>
      %dma_start3A_148 = tpu.memref_squeeze %dma_start3A_147 : memref<1x640x128xf32, #tpu.memory_space<hbm>> -> memref<640x128xf32, #tpu.memory_space<hbm>>
      %dma_start3A_149 = arith.constant 0 : i32
      %dma_start3A_150 = tpu.memref_slice %arg13[%mul3A_2, %dma_start3A_149] : memref<10240x128xf32, #tpu.memory_space<vmem_shared>> -> memref<640x128xf32, #tpu.memory_space<vmem_shared>>
      tpu.enqueue_dma source(%dma_start3A_150 : memref<640x128xf32, #tpu.memory_space<vmem_shared>>) target(%dma_start3A_148 : memref<640x128xf32, #tpu.memory_space<hbm>>) target_semaphore(%run_scoped3A : memref<!tpu.dma_semaphore, #tpu.memory_space<semaphore_mem>>)
      %dma_wait3A_151 = arith.constant 0 : i32
      %dma_wait3A_152 = tpu.memref_slice %arg6[%arg0, %mul3A_2, %dma_wait3A_151] : memref<2x10240x128xf32, #tpu.memory_space<hbm>> -> memref<1x640x128xf32, #tpu.memory_space<hbm>>
      %dma_wait3A_153 = tpu.memref_squeeze %dma_wait3A_152 : memref<1x640x128xf32, #tpu.memory_space<hbm>> -> memref<640x128xf32, #tpu.memory_space<hbm>>
      %dma_wait3A_154 = arith.constant 0 : i32
      %dma_wait3A_155 = tpu.memref_slice %arg13[%mul3A_2, %dma_wait3A_154] : memref<10240x128xf32, #tpu.memory_space<vmem_shared>> -> memref<640x128xf32, #tpu.memory_space<vmem_shared>>
      tpu.wait_dma2 semaphore(%run_scoped3A : memref<!tpu.dma_semaphore, #tpu.memory_space<semaphore_mem>>) src(%dma_wait3A_155 : memref<640x128xf32, #tpu.memory_space<vmem_shared>>) dst(%dma_wait3A_153 : memref<640x128xf32, #tpu.memory_space<hbm>>)
      tpu.yield
    }) : () -> ()
    return
  }
}

#map = affine_map<(d0, d1) -> (0)>
#map1 = affine_map<(d0, d1) -> (0, 0)>
#map2 = affine_map<(d0, d1) -> (0, 0, 0)>
module attributes {stable_mosaic.version = 14 : i64} {
  func.func @agg(%arg0: i32, %arg1: i32, %arg2: memref<320112xi32, #tpu.memory_space<hbm>>, %arg3: memref<320000xi32, #tpu.memory_space<hbm>>, %arg4: memref<10000x128xf32, #tpu.memory_space<hbm>>, %arg5: memref<10240x128xf32, #tpu.memory_space<hbm>>, %arg6: memref<2x10240x128xf32, #tpu.memory_space<hbm>>, %arg7: memref<10080xi32, #tpu.memory_space<vmem>>, %arg8: memref<10000xi32, #tpu.memory_space<vmem>>, %arg9: memref<112xi32, #tpu.memory_space<vmem>>, %arg10: memref<112xi32, #tpu.memory_space<vmem>>, %arg11: memref<112x128xf32, #tpu.memory_space<vmem>>, %arg12: memref<112x128xf32, #tpu.memory_space<vmem>>, %arg13: memref<10240x128xf32, #tpu.memory_space<vmem_shared>>, %arg14: memref<!tpu.dma_semaphore, #tpu.memory_space<semaphore_mem>>, %arg15: memref<!tpu.dma_semaphore, #tpu.memory_space<semaphore_mem>>) attributes {dimension_semantics = [#tpu.dimension_semantics<core_parallel>, #tpu.dimension_semantics<subcore_parallel>], iteration_bounds = array<i64: 2, 16>, scalar_prefetch = 0 : i64, scratch_operands = 9 : i64, tpu.core_type = #tpu.core_type<sc_vector_subcore>, window_params = [{transform_indices = #map}, {transform_indices = #map}, {transform_indices = #map1}, {transform_indices = #map1}, {transform_indices = #map2}]} {
    %mul3A = arith.constant 2 : i32
    %mul3A_0 = arith.muli %arg1, %mul3A : i32
    %add3A = arith.addi %mul3A_0, %arg0 : i32
    %mul3A_1 = arith.constant 640 : i32
    %mul3A_2 = arith.muli %arg1, %mul3A_1 : i32
    %dma_start3A = arith.constant 0 : i32
    %dma_start3A_3 = tpu.memref_slice %arg13[%mul3A_2, %dma_start3A] : memref<10240x128xf32, #tpu.memory_space<vmem_shared>> -> memref<640x128xf32, #tpu.memory_space<vmem_shared>>
    %dma_start3A_4 = arith.constant 0 : i32
    %dma_start3A_5 = tpu.memref_slice %arg5[%mul3A_2, %dma_start3A_4] : memref<10240x128xf32, #tpu.memory_space<hbm>> -> memref<640x128xf32, #tpu.memory_space<hbm>>
    tpu.enqueue_dma source(%dma_start3A_5 : memref<640x128xf32, #tpu.memory_space<hbm>>) target(%dma_start3A_3 : memref<640x128xf32, #tpu.memory_space<vmem_shared>>) target_semaphore(%arg14 : memref<!tpu.dma_semaphore, #tpu.memory_space<semaphore_mem>>)
    %mul3A_6 = arith.constant 10000 : i32
    %mul3A_7 = arith.muli %add3A, %mul3A_6 : i32
    %dma_start3A_8 = tpu.memref_slice %arg2[%mul3A_7] : memref<320112xi32, #tpu.memory_space<hbm>> -> memref<10080xi32, #tpu.memory_space<hbm>>
    %dma_start3A_9 = tpu.memref_slice %arg2[%mul3A_7] : memref<320112xi32, #tpu.memory_space<hbm>> -> memref<10080xi32, #tpu.memory_space<hbm>>
    tpu.enqueue_dma source(%dma_start3A_9 : memref<10080xi32, #tpu.memory_space<hbm>>) target(%arg7 : memref<10080xi32, #tpu.memory_space<vmem>>) target_semaphore(%arg15 : memref<!tpu.dma_semaphore, #tpu.memory_space<semaphore_mem>>)
    %mul3A_10 = arith.constant 10000 : i32
    %mul3A_11 = arith.muli %add3A, %mul3A_10 : i32
    "tpu.region"() ({
      %run_scoped3A = tpu.sem_alloc : memref<!tpu.dma_semaphore, #tpu.memory_space<semaphore_mem>>
      %dma_start3A_146 = tpu.memref_slice %arg3[%mul3A_11] : memref<320000xi32, #tpu.memory_space<hbm>> -> memref<10000xi32, #tpu.memory_space<hbm>>
      %dma_start3A_147 = tpu.memref_slice %arg3[%mul3A_11] : memref<320000xi32, #tpu.memory_space<hbm>> -> memref<10000xi32, #tpu.memory_space<hbm>>
      tpu.enqueue_dma source(%dma_start3A_147 : memref<10000xi32, #tpu.memory_space<hbm>>) target(%arg8 : memref<10000xi32, #tpu.memory_space<vmem>>) target_semaphore(%run_scoped3A : memref<!tpu.dma_semaphore, #tpu.memory_space<semaphore_mem>>)
      %dma_wait3A_148 = tpu.memref_slice %arg3[%mul3A_11] : memref<320000xi32, #tpu.memory_space<hbm>> -> memref<10000xi32, #tpu.memory_space<hbm>>
      %dma_wait3A_149 = tpu.memref_slice %arg3[%mul3A_11] : memref<320000xi32, #tpu.memory_space<hbm>> -> memref<10000xi32, #tpu.memory_space<hbm>>
      tpu.wait_dma2 semaphore(%run_scoped3A : memref<!tpu.dma_semaphore, #tpu.memory_space<semaphore_mem>>) src(%dma_wait3A_149 : memref<10000xi32, #tpu.memory_space<hbm>>) dst(%arg8 : memref<10000xi32, #tpu.memory_space<vmem>>)
      tpu.yield
    }) : () -> ()
    %dma_wait3A = arith.constant 0 : i32
    %dma_wait3A_12 = tpu.memref_slice %arg13[%mul3A_2, %dma_wait3A] : memref<10240x128xf32, #tpu.memory_space<vmem_shared>> -> memref<640x128xf32, #tpu.memory_space<vmem_shared>>
    %dma_wait3A_13 = arith.constant 0 : i32
    %dma_wait3A_14 = tpu.memref_slice %arg5[%mul3A_2, %dma_wait3A_13] : memref<10240x128xf32, #tpu.memory_space<hbm>> -> memref<640x128xf32, #tpu.memory_space<hbm>>
    tpu.wait_dma2 semaphore(%arg14 : memref<!tpu.dma_semaphore, #tpu.memory_space<semaphore_mem>>) src(%dma_wait3A_14 : memref<640x128xf32, #tpu.memory_space<hbm>>) dst(%dma_wait3A_12 : memref<640x128xf32, #tpu.memory_space<vmem_shared>>)
    %mul3A_15 = arith.constant 10000 : i32
    %mul3A_16 = arith.muli %add3A, %mul3A_15 : i32
    %dma_wait3A_17 = tpu.memref_slice %arg2[%mul3A_16] : memref<320112xi32, #tpu.memory_space<hbm>> -> memref<10080xi32, #tpu.memory_space<hbm>>
    %dma_wait3A_18 = tpu.memref_slice %arg2[%mul3A_16] : memref<320112xi32, #tpu.memory_space<hbm>> -> memref<10080xi32, #tpu.memory_space<hbm>>
    tpu.wait_dma2 semaphore(%arg15 : memref<!tpu.dma_semaphore, #tpu.memory_space<semaphore_mem>>) src(%dma_wait3A_18 : memref<10080xi32, #tpu.memory_space<hbm>>) dst(%arg7 : memref<10080xi32, #tpu.memory_space<vmem>>)
    %barrier3A = arith.constant 0 : index
    tpu.barrier barrier_id(%barrier3A)
    %dma_start3A_19 = arith.constant 0 : i32
    %dma_start3A_20 = tpu.memref_slice %arg7[%dma_start3A_19] : memref<10080xi32, #tpu.memory_space<vmem>> -> memref<112xi32, #tpu.memory_space<vmem>>
    %dma_start3A_21 = arith.constant 0 : i32
    %dma_start3A_22 = arith.constant 0 : i32
    %dma_start3A_23 = tpu.memref_slice %arg4[%dma_start3A_21, %dma_start3A_22] : memref<10000x128xf32, #tpu.memory_space<hbm>> -> memref<10000x128xf32, #tpu.memory_space<hbm>>
    tpu.enqueue_indirect_dma source(%dma_start3A_23 : memref<10000x128xf32, #tpu.memory_space<hbm>>) target(%arg11 : memref<112x128xf32, #tpu.memory_space<vmem>>) offsets(%dma_start3A_20 : memref<112xi32, #tpu.memory_space<vmem>>) semaphore(%arg14 : memref<!tpu.dma_semaphore, #tpu.memory_space<semaphore_mem>>)
    %get3A = arith.constant 0 : index
    %get3A_24 = tpu.vector_load %arg8[%get3A] {strides = array<i32>} : memref<10000xi32, #tpu.memory_space<vmem>>, vector<16xi32>,
    %get3A_25 = vector.shape_cast %get3A_24 : vector<16xi32> to vector<16xi32>
    %swap3A = arith.constant 0 : index
    %swap3A_26 = tpu.vector_load %arg9[%swap3A] {strides = array<i32>} : memref<112xi32, #tpu.memory_space<vmem>>, vector<16xi32>,
    %swap3A_27 = vector.shape_cast %swap3A_26 : vector<16xi32> to vector<16xi32>
    %swap3A_28 = vector.shape_cast %get3A_25 : vector<16xi32> to vector<16xi32>
    tpu.vector_store %arg9[%swap3A], %swap3A_28 {strides = array<i32>} : memref<112xi32, #tpu.memory_space<vmem>>, vector<16xi32>,
    %get3A_29 = arith.constant 16 : index
    %get3A_30 = tpu.vector_load %arg8[%get3A_29] {strides = array<i32>} : memref<10000xi32, #tpu.memory_space<vmem>>, vector<16xi32>,
    %get3A_31 = vector.shape_cast %get3A_30 : vector<16xi32> to vector<16xi32>
    %swap3A_32 = arith.constant 16 : index
    %swap3A_33 = tpu.vector_load %arg9[%swap3A_32] {strides = array<i32>} : memref<112xi32, #tpu.memory_space<vmem>>, vector<16xi32>,
    %swap3A_34 = vector.shape_cast %swap3A_33 : vector<16xi32> to vector<16xi32>
    %swap3A_35 = vector.shape_cast %get3A_31 : vector<16xi32> to vector<16xi32>
    tpu.vector_store %arg9[%swap3A_32], %swap3A_35 {strides = array<i32>} : memref<112xi32, #tpu.memory_space<vmem>>, vector<16xi32>,
    %get3A_36 = arith.constant 32 : index
    %get3A_37 = tpu.vector_load %arg8[%get3A_36] {strides = array<i32>} : memref<10000xi32, #tpu.memory_space<vmem>>, vector<16xi32>,
    %get3A_38 = vector.shape_cast %get3A_37 : vector<16xi32> to vector<16xi32>
    %swap3A_39 = arith.constant 32 : index
    %swap3A_40 = tpu.vector_load %arg9[%swap3A_39] {strides = array<i32>} : memref<112xi32, #tpu.memory_space<vmem>>, vector<16xi32>,
    %swap3A_41 = vector.shape_cast %swap3A_40 : vector<16xi32> to vector<16xi32>
    %swap3A_42 = vector.shape_cast %get3A_38 : vector<16xi32> to vector<16xi32>
    tpu.vector_store %arg9[%swap3A_39], %swap3A_42 {strides = array<i32>} : memref<112xi32, #tpu.memory_space<vmem>>, vector<16xi32>,
    %get3A_43 = arith.constant 48 : index
    %get3A_44 = tpu.vector_load %arg8[%get3A_43] {strides = array<i32>} : memref<10000xi32, #tpu.memory_space<vmem>>, vector<16xi32>,
    %get3A_45 = vector.shape_cast %get3A_44 : vector<16xi32> to vector<16xi32>
    %swap3A_46 = arith.constant 48 : index
    %swap3A_47 = tpu.vector_load %arg9[%swap3A_46] {strides = array<i32>} : memref<112xi32, #tpu.memory_space<vmem>>, vector<16xi32>,
    %swap3A_48 = vector.shape_cast %swap3A_47 : vector<16xi32> to vector<16xi32>
    %swap3A_49 = vector.shape_cast %get3A_45 : vector<16xi32> to vector<16xi32>
    tpu.vector_store %arg9[%swap3A_46], %swap3A_49 {strides = array<i32>} : memref<112xi32, #tpu.memory_space<vmem>>, vector<16xi32>,
    %get3A_50 = arith.constant 64 : index
    %get3A_51 = tpu.vector_load %arg8[%get3A_50] {strides = array<i32>} : memref<10000xi32, #tpu.memory_space<vmem>>, vector<16xi32>,
    %get3A_52 = vector.shape_cast %get3A_51 : vector<16xi32> to vector<16xi32>
    %swap3A_53 = arith.constant 64 : index
    %swap3A_54 = tpu.vector_load %arg9[%swap3A_53] {strides = array<i32>} : memref<112xi32, #tpu.memory_space<vmem>>, vector<16xi32>,
    %swap3A_55 = vector.shape_cast %swap3A_54 : vector<16xi32> to vector<16xi32>
    %swap3A_56 = vector.shape_cast %get3A_52 : vector<16xi32> to vector<16xi32>
    tpu.vector_store %arg9[%swap3A_53], %swap3A_56 {strides = array<i32>} : memref<112xi32, #tpu.memory_space<vmem>>, vector<16xi32>,
    %get3A_57 = arith.constant 80 : index
    %get3A_58 = tpu.vector_load %arg8[%get3A_57] {strides = array<i32>} : memref<10000xi32, #tpu.memory_space<vmem>>, vector<16xi32>,
    %get3A_59 = vector.shape_cast %get3A_58 : vector<16xi32> to vector<16xi32>
    %swap3A_60 = arith.constant 80 : index
    %swap3A_61 = tpu.vector_load %arg9[%swap3A_60] {strides = array<i32>} : memref<112xi32, #tpu.memory_space<vmem>>, vector<16xi32>,
    %swap3A_62 = vector.shape_cast %swap3A_61 : vector<16xi32> to vector<16xi32>
    %swap3A_63 = vector.shape_cast %get3A_59 : vector<16xi32> to vector<16xi32>
    tpu.vector_store %arg9[%swap3A_60], %swap3A_63 {strides = array<i32>} : memref<112xi32, #tpu.memory_space<vmem>>, vector<16xi32>,
    %get3A_64 = arith.constant 96 : index
    %get3A_65 = tpu.vector_load %arg8[%get3A_64] {strides = array<i32>} : memref<10000xi32, #tpu.memory_space<vmem>>, vector<16xi32>,
    %get3A_66 = vector.shape_cast %get3A_65 : vector<16xi32> to vector<16xi32>
    %swap3A_67 = arith.constant 96 : index
    %swap3A_68 = tpu.vector_load %arg9[%swap3A_67] {strides = array<i32>} : memref<112xi32, #tpu.memory_space<vmem>>, vector<16xi32>,
    %swap3A_69 = vector.shape_cast %swap3A_68 : vector<16xi32> to vector<16xi32>
    %swap3A_70 = vector.shape_cast %get3A_66 : vector<16xi32> to vector<16xi32>
    tpu.vector_store %arg9[%swap3A_67], %swap3A_70 {strides = array<i32>} : memref<112xi32, #tpu.memory_space<vmem>>, vector<16xi32>,
    %scan3A = arith.constant 0 : i32
    %scan3A_71 = arith.constant 44 : i32
    %scan3A_72 = arith.addi %scan3A, %scan3A_71 : i32
    %scan3A_73 = arith.constant 1 : i32
    scf.for %scan3A_146 = %scan3A to %scan3A_72 step %scan3A_73  : i32 {
      %mul3A_147 = arith.constant 2 : i32
      %mul3A_148 = arith.muli %scan3A_146, %mul3A_147 : i32
      %add3A_149 = arith.constant 1 : i32
      %add3A_150 = arith.addi %add3A_149, %mul3A_148 : i32
      %mul3A_151 = arith.constant 112 : i32
      %mul3A_152 = arith.muli %add3A_150, %mul3A_151 : i32
      %dma_start3A_153 = tpu.memref_slice %arg7[%mul3A_152] : memref<10080xi32, #tpu.memory_space<vmem>> -> memref<112xi32, #tpu.memory_space<vmem>>
      %dma_start3A_154 = arith.constant 0 : i32
      %dma_start3A_155 = arith.constant 0 : i32
      %dma_start3A_156 = tpu.memref_slice %arg4[%dma_start3A_154, %dma_start3A_155] : memref<10000x128xf32, #tpu.memory_space<hbm>> -> memref<10000x128xf32, #tpu.memory_space<hbm>>
      tpu.enqueue_indirect_dma source(%dma_start3A_156 : memref<10000x128xf32, #tpu.memory_space<hbm>>) target(%arg12 : memref<112x128xf32, #tpu.memory_space<vmem>>) offsets(%dma_start3A_153 : memref<112xi32, #tpu.memory_space<vmem>>) semaphore(%arg15 : memref<!tpu.dma_semaphore, #tpu.memory_space<semaphore_mem>>)
      %mul3A_157 = arith.constant 112 : i32
      %mul3A_158 = arith.muli %add3A_150, %mul3A_157 : i32
      %add3A_159 = arith.constant 0 : i32
      %add3A_160 = arith.addi %mul3A_158, %add3A_159 : i32
      %get3A_161 = arith.index_cast %add3A_160 : i32 to index
      %get3A_162 = tpu.vector_load %arg8[%get3A_161] {strides = array<i32>} : memref<10000xi32, #tpu.memory_space<vmem>>, vector<16xi32>,
      %get3A_163 = vector.shape_cast %get3A_162 : vector<16xi32> to vector<16xi32>
      %swap3A_164 = arith.constant 0 : index
      %swap3A_165 = tpu.vector_load %arg10[%swap3A_164] {strides = array<i32>} : memref<112xi32, #tpu.memory_space<vmem>>, vector<16xi32>,
      %swap3A_166 = vector.shape_cast %swap3A_165 : vector<16xi32> to vector<16xi32>
      %swap3A_167 = vector.shape_cast %get3A_163 : vector<16xi32> to vector<16xi32>
      tpu.vector_store %arg10[%swap3A_164], %swap3A_167 {strides = array<i32>} : memref<112xi32, #tpu.memory_space<vmem>>, vector<16xi32>,
      %mul3A_168 = arith.constant 112 : i32
      %mul3A_169 = arith.muli %add3A_150, %mul3A_168 : i32
      %add3A_170 = arith.constant 16 : i32
      %add3A_171 = arith.addi %mul3A_169, %add3A_170 : i32
      %get3A_172 = arith.index_cast %add3A_171 : i32 to index
      %get3A_173 = tpu.vector_load %arg8[%get3A_172] {strides = array<i32>} : memref<10000xi32, #tpu.memory_space<vmem>>, vector<16xi32>,
      %get3A_174 = vector.shape_cast %get3A_173 : vector<16xi32> to vector<16xi32>
      %swap3A_175 = arith.constant 16 : index
      %swap3A_176 = tpu.vector_load %arg10[%swap3A_175] {strides = array<i32>} : memref<112xi32, #tpu.memory_space<vmem>>, vector<16xi32>,
      %swap3A_177 = vector.shape_cast %swap3A_176 : vector<16xi32> to vector<16xi32>
      %swap3A_178 = vector.shape_cast %get3A_174 : vector<16xi32> to vector<16xi32>
      tpu.vector_store %arg10[%swap3A_175], %swap3A_178 {strides = array<i32>} : memref<112xi32, #tpu.memory_space<vmem>>, vector<16xi32>,
      %mul3A_179 = arith.constant 112 : i32
      %mul3A_180 = arith.muli %add3A_150, %mul3A_179 : i32
      %add3A_181 = arith.constant 32 : i32
      %add3A_182 = arith.addi %mul3A_180, %add3A_181 : i32
      %get3A_183 = arith.index_cast %add3A_182 : i32 to index
      %get3A_184 = tpu.vector_load %arg8[%get3A_183] {strides = array<i32>} : memref<10000xi32, #tpu.memory_space<vmem>>, vector<16xi32>,
      %get3A_185 = vector.shape_cast %get3A_184 : vector<16xi32> to vector<16xi32>
      %swap3A_186 = arith.constant 32 : index
      %swap3A_187 = tpu.vector_load %arg10[%swap3A_186] {strides = array<i32>} : memref<112xi32, #tpu.memory_space<vmem>>, vector<16xi32>,
      %swap3A_188 = vector.shape_cast %swap3A_187 : vector<16xi32> to vector<16xi32>
      %swap3A_189 = vector.shape_cast %get3A_185 : vector<16xi32> to vector<16xi32>
      tpu.vector_store %arg10[%swap3A_186], %swap3A_189 {strides = array<i32>} : memref<112xi32, #tpu.memory_space<vmem>>, vector<16xi32>,
      %mul3A_190 = arith.constant 112 : i32
      %mul3A_191 = arith.muli %add3A_150, %mul3A_190 : i32
      %add3A_192 = arith.constant 48 : i32
      %add3A_193 = arith.addi %mul3A_191, %add3A_192 : i32
      %get3A_194 = arith.index_cast %add3A_193 : i32 to index
      %get3A_195 = tpu.vector_load %arg8[%get3A_194] {strides = array<i32>} : memref<10000xi32, #tpu.memory_space<vmem>>, vector<16xi32>,
      %get3A_196 = vector.shape_cast %get3A_195 : vector<16xi32> to vector<16xi32>
      %swap3A_197 = arith.constant 48 : index
      %swap3A_198 = tpu.vector_load %arg10[%swap3A_197] {strides = array<i32>} : memref<112xi32, #tpu.memory_space<vmem>>, vector<16xi32>,
      %swap3A_199 = vector.shape_cast %swap3A_198 : vector<16xi32> to vector<16xi32>
      %swap3A_200 = vector.shape_cast %get3A_196 : vector<16xi32> to vector<16xi32>
      tpu.vector_store %arg10[%swap3A_197], %swap3A_200 {strides = array<i32>} : memref<112xi32, #tpu.memory_space<vmem>>, vector<16xi32>,
      %mul3A_201 = arith.constant 112 : i32
      %mul3A_202 = arith.muli %add3A_150, %mul3A_201 : i32
      %add3A_203 = arith.constant 64 : i32
      %add3A_204 = arith.addi %mul3A_202, %add3A_203 : i32
      %get3A_205 = arith.index_cast %add3A_204 : i32 to index
      %get3A_206 = tpu.vector_load %arg8[%get3A_205] {strides = array<i32>} : memref<10000xi32, #tpu.memory_space<vmem>>, vector<16xi32>,
      %get3A_207 = vector.shape_cast %get3A_206 : vector<16xi32> to vector<16xi32>
      %swap3A_208 = arith.constant 64 : index
      %swap3A_209 = tpu.vector_load %arg10[%swap3A_208] {strides = array<i32>} : memref<112xi32, #tpu.memory_space<vmem>>, vector<16xi32>,
      %swap3A_210 = vector.shape_cast %swap3A_209 : vector<16xi32> to vector<16xi32>
      %swap3A_211 = vector.shape_cast %get3A_207 : vector<16xi32> to vector<16xi32>
      tpu.vector_store %arg10[%swap3A_208], %swap3A_211 {strides = array<i32>} : memref<112xi32, #tpu.memory_space<vmem>>, vector<16xi32>,
      %mul3A_212 = arith.constant 112 : i32
      %mul3A_213 = arith.muli %add3A_150, %mul3A_212 : i32
      %add3A_214 = arith.constant 80 : i32
      %add3A_215 = arith.addi %mul3A_213, %add3A_214 : i32
      %get3A_216 = arith.index_cast %add3A_215 : i32 to index
      %get3A_217 = tpu.vector_load %arg8[%get3A_216] {strides = array<i32>} : memref<10000xi32, #tpu.memory_space<vmem>>, vector<16xi32>,
      %get3A_218 = vector.shape_cast %get3A_217 : vector<16xi32> to vector<16xi32>
      %swap3A_219 = arith.constant 80 : index
      %swap3A_220 = tpu.vector_load %arg10[%swap3A_219] {strides = array<i32>} : memref<112xi32, #tpu.memory_space<vmem>>, vector<16xi32>,
      %swap3A_221 = vector.shape_cast %swap3A_220 : vector<16xi32> to vector<16xi32>
      %swap3A_222 = vector.shape_cast %get3A_218 : vector<16xi32> to vector<16xi32>
      tpu.vector_store %arg10[%swap3A_219], %swap3A_222 {strides = array<i32>} : memref<112xi32, #tpu.memory_space<vmem>>, vector<16xi32>,
      %mul3A_223 = arith.constant 112 : i32
      %mul3A_224 = arith.muli %add3A_150, %mul3A_223 : i32
      %add3A_225 = arith.constant 96 : i32
      %add3A_226 = arith.addi %mul3A_224, %add3A_225 : i32
      %get3A_227 = arith.index_cast %add3A_226 : i32 to index
      %get3A_228 = tpu.vector_load %arg8[%get3A_227] {strides = array<i32>} : memref<10000xi32, #tpu.memory_space<vmem>>, vector<16xi32>,
      %get3A_229 = vector.shape_cast %get3A_228 : vector<16xi32> to vector<16xi32>
      %swap3A_230 = arith.constant 96 : index
      %swap3A_231 = tpu.vector_load %arg10[%swap3A_230] {strides = array<i32>} : memref<112xi32, #tpu.memory_space<vmem>>, vector<16xi32>,
      %swap3A_232 = vector.shape_cast %swap3A_231 : vector<16xi32> to vector<16xi32>
      %swap3A_233 = vector.shape_cast %get3A_229 : vector<16xi32> to vector<16xi32>
      tpu.vector_store %arg10[%swap3A_230], %swap3A_233 {strides = array<i32>} : memref<112xi32, #tpu.memory_space<vmem>>, vector<16xi32>,
      %dma_wait3A_234 = arith.constant 0 : i32
      %dma_wait3A_235 = arith.constant 0 : i32
      %dma_wait3A_236 = tpu.memref_slice %arg4[%dma_wait3A_234, %dma_wait3A_235] : memref<10000x128xf32, #tpu.memory_space<hbm>> -> memref<112x128xf32, #tpu.memory_space<hbm>>
      %dma_wait3A_237 = arith.constant 0 : i32
      %dma_wait3A_238 = arith.constant 0 : i32
      %dma_wait3A_239 = tpu.memref_slice %arg4[%dma_wait3A_237, %dma_wait3A_238] : memref<10000x128xf32, #tpu.memory_space<hbm>> -> memref<112x128xf32, #tpu.memory_space<hbm>>
      tpu.wait_dma2 semaphore(%arg14 : memref<!tpu.dma_semaphore, #tpu.memory_space<semaphore_mem>>) src(%dma_wait3A_239 : memref<112x128xf32, #tpu.memory_space<hbm>>) dst(%arg11 : memref<112x128xf32, #tpu.memory_space<vmem>>)
      "tpu.region"() ({
        %run_scoped3A = tpu.sem_alloc : memref<!tpu.dma_semaphore, #tpu.memory_space<semaphore_mem>>
        %dma_start3A_333 = arith.constant 0 : i32
        %dma_start3A_334 = arith.constant 0 : i32
        %dma_start3A_335 = tpu.memref_slice %arg13[%dma_start3A_333, %dma_start3A_334] : memref<10240x128xf32, #tpu.memory_space<vmem_shared>> -> memref<10240x128xf32, #tpu.memory_space<vmem_shared>>
        tpu.enqueue_indirect_dma source(%arg11 : memref<112x128xf32, #tpu.memory_space<vmem>>) target(%dma_start3A_335 : memref<10240x128xf32, #tpu.memory_space<vmem_shared>>) offsets(%arg9 : memref<112xi32, #tpu.memory_space<vmem>>) semaphore(%run_scoped3A : memref<!tpu.dma_semaphore, #tpu.memory_space<semaphore_mem>>) {add = true}
        %dma_wait3A_336 = arith.constant 0 : i32
        %dma_wait3A_337 = arith.constant 0 : i32
        %dma_wait3A_338 = tpu.memref_slice %arg13[%dma_wait3A_336, %dma_wait3A_337] : memref<10240x128xf32, #tpu.memory_space<vmem_shared>> -> memref<10240x128xf32, #tpu.memory_space<vmem_shared>>
        tpu.wait_indirect_dma semaphore(%run_scoped3A : memref<!tpu.dma_semaphore, #tpu.memory_space<semaphore_mem>>) src(%arg11 : memref<112x128xf32, #tpu.memory_space<vmem>>) dst(%dma_wait3A_338 : memref<10240x128xf32, #tpu.memory_space<vmem_shared>>)
        tpu.yield
      }) : () -> ()
      %add3A_240 = arith.constant 1 : i32
      %add3A_241 = arith.addi %add3A_150, %add3A_240 : i32
      %mul3A_242 = arith.constant 112 : i32
      %mul3A_243 = arith.muli %add3A_241, %mul3A_242 : i32
      %dma_start3A_244 = tpu.memref_slice %arg7[%mul3A_243] : memref<10080xi32, #tpu.memory_space<vmem>> -> memref<112xi32, #tpu.memory_space<vmem>>
      %dma_start3A_245 = arith.constant 0 : i32
      %dma_start3A_246 = arith.constant 0 : i32
      %dma_start3A_247 = tpu.memref_slice %arg4[%dma_start3A_245, %dma_start3A_246] : memref<10000x128xf32, #tpu.memory_space<hbm>> -> memref<10000x128xf32, #tpu.memory_space<hbm>>
      tpu.enqueue_indirect_dma source(%dma_start3A_247 : memref<10000x128xf32, #tpu.memory_space<hbm>>) target(%arg11 : memref<112x128xf32, #tpu.memory_space<vmem>>) offsets(%dma_start3A_244 : memref<112xi32, #tpu.memory_space<vmem>>) semaphore(%arg14 : memref<!tpu.dma_semaphore, #tpu.memory_space<semaphore_mem>>)
      %add3A_248 = arith.constant 1 : i32
      %add3A_249 = arith.addi %add3A_150, %add3A_248 : i32
      %mul3A_250 = arith.constant 112 : i32
      %mul3A_251 = arith.muli %add3A_249, %mul3A_250 : i32
      %add3A_252 = arith.constant 0 : i32
      %add3A_253 = arith.addi %mul3A_251, %add3A_252 : i32
      %get3A_254 = arith.index_cast %add3A_253 : i32 to index
      %get3A_255 = tpu.vector_load %arg8[%get3A_254] {strides = array<i32>} : memref<10000xi32, #tpu.memory_space<vmem>>, vector<16xi32>,
      %get3A_256 = vector.shape_cast %get3A_255 : vector<16xi32> to vector<16xi32>
      %swap3A_257 = arith.constant 0 : index
      %swap3A_258 = tpu.vector_load %arg9[%swap3A_257] {strides = array<i32>} : memref<112xi32, #tpu.memory_space<vmem>>, vector<16xi32>,
      %swap3A_259 = vector.shape_cast %swap3A_258 : vector<16xi32> to vector<16xi32>
      %swap3A_260 = vector.shape_cast %get3A_256 : vector<16xi32> to vector<16xi32>
      tpu.vector_store %arg9[%swap3A_257], %swap3A_260 {strides = array<i32>} : memref<112xi32, #tpu.memory_space<vmem>>, vector<16xi32>,
      %mul3A_261 = arith.constant 112 : i32
      %mul3A_262 = arith.muli %add3A_249, %mul3A_261 : i32
      %add3A_263 = arith.constant 16 : i32
      %add3A_264 = arith.addi %mul3A_262, %add3A_263 : i32
      %get3A_265 = arith.index_cast %add3A_264 : i32 to index
      %get3A_266 = tpu.vector_load %arg8[%get3A_265] {strides = array<i32>} : memref<10000xi32, #tpu.memory_space<vmem>>, vector<16xi32>,
      %get3A_267 = vector.shape_cast %get3A_266 : vector<16xi32> to vector<16xi32>
      %swap3A_268 = arith.constant 16 : index
      %swap3A_269 = tpu.vector_load %arg9[%swap3A_268] {strides = array<i32>} : memref<112xi32, #tpu.memory_space<vmem>>, vector<16xi32>,
      %swap3A_270 = vector.shape_cast %swap3A_269 : vector<16xi32> to vector<16xi32>
      %swap3A_271 = vector.shape_cast %get3A_267 : vector<16xi32> to vector<16xi32>
      tpu.vector_store %arg9[%swap3A_268], %swap3A_271 {strides = array<i32>} : memref<112xi32, #tpu.memory_space<vmem>>, vector<16xi32>,
      %mul3A_272 = arith.constant 112 : i32
      %mul3A_273 = arith.muli %add3A_249, %mul3A_272 : i32
      %add3A_274 = arith.constant 32 : i32
      %add3A_275 = arith.addi %mul3A_273, %add3A_274 : i32
      %get3A_276 = arith.index_cast %add3A_275 : i32 to index
      %get3A_277 = tpu.vector_load %arg8[%get3A_276] {strides = array<i32>} : memref<10000xi32, #tpu.memory_space<vmem>>, vector<16xi32>,
      %get3A_278 = vector.shape_cast %get3A_277 : vector<16xi32> to vector<16xi32>
      %swap3A_279 = arith.constant 32 : index
      %swap3A_280 = tpu.vector_load %arg9[%swap3A_279] {strides = array<i32>} : memref<112xi32, #tpu.memory_space<vmem>>, vector<16xi32>,
      %swap3A_281 = vector.shape_cast %swap3A_280 : vector<16xi32> to vector<16xi32>
      %swap3A_282 = vector.shape_cast %get3A_278 : vector<16xi32> to vector<16xi32>
      tpu.vector_store %arg9[%swap3A_279], %swap3A_282 {strides = array<i32>} : memref<112xi32, #tpu.memory_space<vmem>>, vector<16xi32>,
      %mul3A_283 = arith.constant 112 : i32
      %mul3A_284 = arith.muli %add3A_249, %mul3A_283 : i32
      %add3A_285 = arith.constant 48 : i32
      %add3A_286 = arith.addi %mul3A_284, %add3A_285 : i32
      %get3A_287 = arith.index_cast %add3A_286 : i32 to index
      %get3A_288 = tpu.vector_load %arg8[%get3A_287] {strides = array<i32>} : memref<10000xi32, #tpu.memory_space<vmem>>, vector<16xi32>,
      %get3A_289 = vector.shape_cast %get3A_288 : vector<16xi32> to vector<16xi32>
      %swap3A_290 = arith.constant 48 : index
      %swap3A_291 = tpu.vector_load %arg9[%swap3A_290] {strides = array<i32>} : memref<112xi32, #tpu.memory_space<vmem>>, vector<16xi32>,
      %swap3A_292 = vector.shape_cast %swap3A_291 : vector<16xi32> to vector<16xi32>
      %swap3A_293 = vector.shape_cast %get3A_289 : vector<16xi32> to vector<16xi32>
      tpu.vector_store %arg9[%swap3A_290], %swap3A_293 {strides = array<i32>} : memref<112xi32, #tpu.memory_space<vmem>>, vector<16xi32>,
      %mul3A_294 = arith.constant 112 : i32
      %mul3A_295 = arith.muli %add3A_249, %mul3A_294 : i32
      %add3A_296 = arith.constant 64 : i32
      %add3A_297 = arith.addi %mul3A_295, %add3A_296 : i32
      %get3A_298 = arith.index_cast %add3A_297 : i32 to index
      %get3A_299 = tpu.vector_load %arg8[%get3A_298] {strides = array<i32>} : memref<10000xi32, #tpu.memory_space<vmem>>, vector<16xi32>,
      %get3A_300 = vector.shape_cast %get3A_299 : vector<16xi32> to vector<16xi32>
      %swap3A_301 = arith.constant 64 : index
      %swap3A_302 = tpu.vector_load %arg9[%swap3A_301] {strides = array<i32>} : memref<112xi32, #tpu.memory_space<vmem>>, vector<16xi32>,
      %swap3A_303 = vector.shape_cast %swap3A_302 : vector<16xi32> to vector<16xi32>
      %swap3A_304 = vector.shape_cast %get3A_300 : vector<16xi32> to vector<16xi32>
      tpu.vector_store %arg9[%swap3A_301], %swap3A_304 {strides = array<i32>} : memref<112xi32, #tpu.memory_space<vmem>>, vector<16xi32>,
      %mul3A_305 = arith.constant 112 : i32
      %mul3A_306 = arith.muli %add3A_249, %mul3A_305 : i32
      %add3A_307 = arith.constant 80 : i32
      %add3A_308 = arith.addi %mul3A_306, %add3A_307 : i32
      %get3A_309 = arith.index_cast %add3A_308 : i32 to index
      %get3A_310 = tpu.vector_load %arg8[%get3A_309] {strides = array<i32>} : memref<10000xi32, #tpu.memory_space<vmem>>, vector<16xi32>,
      %get3A_311 = vector.shape_cast %get3A_310 : vector<16xi32> to vector<16xi32>
      %swap3A_312 = arith.constant 80 : index
      %swap3A_313 = tpu.vector_load %arg9[%swap3A_312] {strides = array<i32>} : memref<112xi32, #tpu.memory_space<vmem>>, vector<16xi32>,
      %swap3A_314 = vector.shape_cast %swap3A_313 : vector<16xi32> to vector<16xi32>
      %swap3A_315 = vector.shape_cast %get3A_311 : vector<16xi32> to vector<16xi32>
      tpu.vector_store %arg9[%swap3A_312], %swap3A_315 {strides = array<i32>} : memref<112xi32, #tpu.memory_space<vmem>>, vector<16xi32>,
      %mul3A_316 = arith.constant 112 : i32
      %mul3A_317 = arith.muli %add3A_249, %mul3A_316 : i32
      %add3A_318 = arith.constant 96 : i32
      %add3A_319 = arith.addi %mul3A_317, %add3A_318 : i32
      %get3A_320 = arith.index_cast %add3A_319 : i32 to index
      %get3A_321 = tpu.vector_load %arg8[%get3A_320] {strides = array<i32>} : memref<10000xi32, #tpu.memory_space<vmem>>, vector<16xi32>,
      %get3A_322 = vector.shape_cast %get3A_321 : vector<16xi32> to vector<16xi32>
      %swap3A_323 = arith.constant 96 : index
      %swap3A_324 = tpu.vector_load %arg9[%swap3A_323] {strides = array<i32>} : memref<112xi32, #tpu.memory_space<vmem>>, vector<16xi32>,
      %swap3A_325 = vector.shape_cast %swap3A_324 : vector<16xi32> to vector<16xi32>
      %swap3A_326 = vector.shape_cast %get3A_322 : vector<16xi32> to vector<16xi32>
      tpu.vector_store %arg9[%swap3A_323], %swap3A_326 {strides = array<i32>} : memref<112xi32, #tpu.memory_space<vmem>>, vector<16xi32>,
      %dma_wait3A_327 = arith.constant 0 : i32
      %dma_wait3A_328 = arith.constant 0 : i32
      %dma_wait3A_329 = tpu.memref_slice %arg4[%dma_wait3A_327, %dma_wait3A_328] : memref<10000x128xf32, #tpu.memory_space<hbm>> -> memref<112x128xf32, #tpu.memory_space<hbm>>
      %dma_wait3A_330 = arith.constant 0 : i32
      %dma_wait3A_331 = arith.constant 0 : i32
      %dma_wait3A_332 = tpu.memref_slice %arg4[%dma_wait3A_330, %dma_wait3A_331] : memref<10000x128xf32, #tpu.memory_space<hbm>> -> memref<112x128xf32, #tpu.memory_space<hbm>>
      tpu.wait_dma2 semaphore(%arg15 : memref<!tpu.dma_semaphore, #tpu.memory_space<semaphore_mem>>) src(%dma_wait3A_332 : memref<112x128xf32, #tpu.memory_space<hbm>>) dst(%arg12 : memref<112x128xf32, #tpu.memory_space<vmem>>)
      "tpu.region"() ({
        %run_scoped3A = tpu.sem_alloc : memref<!tpu.dma_semaphore, #tpu.memory_space<semaphore_mem>>
        %dma_start3A_333 = arith.constant 0 : i32
        %dma_start3A_334 = arith.constant 0 : i32
        %dma_start3A_335 = tpu.memref_slice %arg13[%dma_start3A_333, %dma_start3A_334] : memref<10240x128xf32, #tpu.memory_space<vmem_shared>> -> memref<10240x128xf32, #tpu.memory_space<vmem_shared>>
        tpu.enqueue_indirect_dma source(%arg12 : memref<112x128xf32, #tpu.memory_space<vmem>>) target(%dma_start3A_335 : memref<10240x128xf32, #tpu.memory_space<vmem_shared>>) offsets(%arg10 : memref<112xi32, #tpu.memory_space<vmem>>) semaphore(%run_scoped3A : memref<!tpu.dma_semaphore, #tpu.memory_space<semaphore_mem>>) {add = true}
        %dma_wait3A_336 = arith.constant 0 : i32
        %dma_wait3A_337 = arith.constant 0 : i32
        %dma_wait3A_338 = tpu.memref_slice %arg13[%dma_wait3A_336, %dma_wait3A_337] : memref<10240x128xf32, #tpu.memory_space<vmem_shared>> -> memref<10240x128xf32, #tpu.memory_space<vmem_shared>>
        tpu.wait_indirect_dma semaphore(%run_scoped3A : memref<!tpu.dma_semaphore, #tpu.memory_space<semaphore_mem>>) src(%arg12 : memref<112x128xf32, #tpu.memory_space<vmem>>) dst(%dma_wait3A_338 : memref<10240x128xf32, #tpu.memory_space<vmem_shared>>)
        tpu.yield
      }) : () -> ()
    }
    %scan3A_74 = arith.constant 44 : i32
    %dma_start3A_75 = arith.constant 9968 : i32
    %dma_start3A_76 = tpu.memref_slice %arg7[%dma_start3A_75] : memref<10080xi32, #tpu.memory_space<vmem>> -> memref<112xi32, #tpu.memory_space<vmem>>
    %dma_start3A_77 = arith.constant 0 : i32
    %dma_start3A_78 = arith.constant 0 : i32
    %dma_start3A_79 = tpu.memref_slice %arg4[%dma_start3A_77, %dma_start3A_78] : memref<10000x128xf32, #tpu.memory_space<hbm>> -> memref<10000x128xf32, #tpu.memory_space<hbm>>
    tpu.enqueue_indirect_dma source(%dma_start3A_79 : memref<10000x128xf32, #tpu.memory_space<hbm>>) target(%arg12 : memref<112x128xf32, #tpu.memory_space<vmem>>) offsets(%dma_start3A_76 : memref<112xi32, #tpu.memory_space<vmem>>) semaphore(%arg15 : memref<!tpu.dma_semaphore, #tpu.memory_space<semaphore_mem>>)
    %get3A_80 = arith.constant 9968 : index
    %get3A_81 = tpu.vector_load %arg8[%get3A_80] {strides = array<i32>} : memref<10000xi32, #tpu.memory_space<vmem>>, vector<16xi32>,
    %get3A_82 = vector.shape_cast %get3A_81 : vector<16xi32> to vector<16xi32>
    %swap3A_83 = arith.constant 0 : index
    %swap3A_84 = tpu.vector_load %arg10[%swap3A_83] {strides = array<i32>} : memref<112xi32, #tpu.memory_space<vmem>>, vector<16xi32>,
    %swap3A_85 = vector.shape_cast %swap3A_84 : vector<16xi32> to vector<16xi32>
    %swap3A_86 = vector.shape_cast %get3A_82 : vector<16xi32> to vector<16xi32>
    tpu.vector_store %arg10[%swap3A_83], %swap3A_86 {strides = array<i32>} : memref<112xi32, #tpu.memory_space<vmem>>, vector<16xi32>,
    %get3A_87 = arith.constant 9984 : index
    %get3A_88 = tpu.vector_load %arg8[%get3A_87] {strides = array<i32>} : memref<10000xi32, #tpu.memory_space<vmem>>, vector<16xi32>,
    %get3A_89 = vector.shape_cast %get3A_88 : vector<16xi32> to vector<16xi32>
    %swap3A_90 = arith.constant 16 : index
    %swap3A_91 = tpu.vector_load %arg10[%swap3A_90] {strides = array<i32>} : memref<112xi32, #tpu.memory_space<vmem>>, vector<16xi32>,
    %swap3A_92 = vector.shape_cast %swap3A_91 : vector<16xi32> to vector<16xi32>
    %swap3A_93 = vector.shape_cast %get3A_89 : vector<16xi32> to vector<16xi32>
    tpu.vector_store %arg10[%swap3A_90], %swap3A_93 {strides = array<i32>} : memref<112xi32, #tpu.memory_space<vmem>>, vector<16xi32>,
    %iota3A = tpu.iota {dimensions = array<i32: 0>} : vector<16xi32>
    %add3A_94 = arith.constant 10000 : i32
    %add3A_95 = vector.broadcast %add3A_94 : i32 to vector<16xi32>
    %add3A_96 = arith.addi %iota3A, %add3A_95 : vector<16xi32>
    %swap3A_97 = arith.constant 32 : index
    %swap3A_98 = tpu.vector_load %arg10[%swap3A_97] {strides = array<i32>} : memref<112xi32, #tpu.memory_space<vmem>>, vector<16xi32>,
    %swap3A_99 = vector.shape_cast %swap3A_98 : vector<16xi32> to vector<16xi32>
    %swap3A_100 = vector.shape_cast %add3A_96 : vector<16xi32> to vector<16xi32>
    tpu.vector_store %arg10[%swap3A_97], %swap3A_100 {strides = array<i32>} : memref<112xi32, #tpu.memory_space<vmem>>, vector<16xi32>,
    %iota3A_101 = tpu.iota {dimensions = array<i32: 0>} : vector<16xi32>
    %add3A_102 = arith.constant 10016 : i32
    %add3A_103 = vector.broadcast %add3A_102 : i32 to vector<16xi32>
    %add3A_104 = arith.addi %iota3A_101, %add3A_103 : vector<16xi32>
    %swap3A_105 = arith.constant 48 : index
    %swap3A_106 = tpu.vector_load %arg10[%swap3A_105] {strides = array<i32>} : memref<112xi32, #tpu.memory_space<vmem>>, vector<16xi32>,
    %swap3A_107 = vector.shape_cast %swap3A_106 : vector<16xi32> to vector<16xi32>
    %swap3A_108 = vector.shape_cast %add3A_104 : vector<16xi32> to vector<16xi32>
    tpu.vector_store %arg10[%swap3A_105], %swap3A_108 {strides = array<i32>} : memref<112xi32, #tpu.memory_space<vmem>>, vector<16xi32>,
    %iota3A_109 = tpu.iota {dimensions = array<i32: 0>} : vector<16xi32>
    %add3A_110 = arith.constant 10032 : i32
    %add3A_111 = vector.broadcast %add3A_110 : i32 to vector<16xi32>
    %add3A_112 = arith.addi %iota3A_109, %add3A_111 : vector<16xi32>
    %swap3A_113 = arith.constant 64 : index
    %swap3A_114 = tpu.vector_load %arg10[%swap3A_113] {strides = array<i32>} : memref<112xi32, #tpu.memory_space<vmem>>, vector<16xi32>,
    %swap3A_115 = vector.shape_cast %swap3A_114 : vector<16xi32> to vector<16xi32>
    %swap3A_116 = vector.shape_cast %add3A_112 : vector<16xi32> to vector<16xi32>
    tpu.vector_store %arg10[%swap3A_113], %swap3A_116 {strides = array<i32>} : memref<112xi32, #tpu.memory_space<vmem>>, vector<16xi32>,
    %iota3A_117 = tpu.iota {dimensions = array<i32: 0>} : vector<16xi32>
    %add3A_118 = arith.constant 10048 : i32
    %add3A_119 = vector.broadcast %add3A_118 : i32 to vector<16xi32>
    %add3A_120 = arith.addi %iota3A_117, %add3A_119 : vector<16xi32>
    %swap3A_121 = arith.constant 80 : index
    %swap3A_122 = tpu.vector_load %arg10[%swap3A_121] {strides = array<i32>} : memref<112xi32, #tpu.memory_space<vmem>>, vector<16xi32>,
    %swap3A_123 = vector.shape_cast %swap3A_122 : vector<16xi32> to vector<16xi32>
    %swap3A_124 = vector.shape_cast %add3A_120 : vector<16xi32> to vector<16xi32>
    tpu.vector_store %arg10[%swap3A_121], %swap3A_124 {strides = array<i32>} : memref<112xi32, #tpu.memory_space<vmem>>, vector<16xi32>,
    %iota3A_125 = tpu.iota {dimensions = array<i32: 0>} : vector<16xi32>
    %add3A_126 = arith.constant 10064 : i32
    %add3A_127 = vector.broadcast %add3A_126 : i32 to vector<16xi32>
    %add3A_128 = arith.addi %iota3A_125, %add3A_127 : vector<16xi32>
    %swap3A_129 = arith.constant 96 : index
    %swap3A_130 = tpu.vector_load %arg10[%swap3A_129] {strides = array<i32>} : memref<112xi32, #tpu.memory_space<vmem>>, vector<16xi32>,
    %swap3A_131 = vector.shape_cast %swap3A_130 : vector<16xi32> to vector<16xi32>
    %swap3A_132 = vector.shape_cast %add3A_128 : vector<16xi32> to vector<16xi32>
    tpu.vector_store %arg10[%swap3A_129], %swap3A_132 {strides = array<i32>} : memref<112xi32, #tpu.memory_space<vmem>>, vector<16xi32>,
    %dma_wait3A_133 = arith.constant 0 : i32
    %dma_wait3A_134 = arith.constant 0 : i32
    %dma_wait3A_135 = tpu.memref_slice %arg4[%dma_wait3A_133, %dma_wait3A_134] : memref<10000x128xf32, #tpu.memory_space<hbm>> -> memref<112x128xf32, #tpu.memory_space<hbm>>
    %dma_wait3A_136 = arith.constant 0 : i32
    %dma_wait3A_137 = arith.constant 0 : i32
    %dma_wait3A_138 = tpu.memref_slice %arg4[%dma_wait3A_136, %dma_wait3A_137] : memref<10000x128xf32, #tpu.memory_space<hbm>> -> memref<112x128xf32, #tpu.memory_space<hbm>>
    tpu.wait_dma2 semaphore(%arg14 : memref<!tpu.dma_semaphore, #tpu.memory_space<semaphore_mem>>) src(%dma_wait3A_138 : memref<112x128xf32, #tpu.memory_space<hbm>>) dst(%arg11 : memref<112x128xf32, #tpu.memory_space<vmem>>)
    "tpu.region"() ({
      %run_scoped3A = tpu.sem_alloc : memref<!tpu.dma_semaphore, #tpu.memory_space<semaphore_mem>>
      %dma_start3A_146 = arith.constant 0 : i32
      %dma_start3A_147 = arith.constant 0 : i32
      %dma_start3A_148 = tpu.memref_slice %arg13[%dma_start3A_146, %dma_start3A_147] : memref<10240x128xf32, #tpu.memory_space<vmem_shared>> -> memref<10240x128xf32, #tpu.memory_space<vmem_shared>>
      tpu.enqueue_indirect_dma source(%arg11 : memref<112x128xf32, #tpu.memory_space<vmem>>) target(%dma_start3A_148 : memref<10240x128xf32, #tpu.memory_space<vmem_shared>>) offsets(%arg9 : memref<112xi32, #tpu.memory_space<vmem>>) semaphore(%run_scoped3A : memref<!tpu.dma_semaphore, #tpu.memory_space<semaphore_mem>>) {add = true}
      %dma_wait3A_149 = arith.constant 0 : i32
      %dma_wait3A_150 = arith.constant 0 : i32
      %dma_wait3A_151 = tpu.memref_slice %arg13[%dma_wait3A_149, %dma_wait3A_150] : memref<10240x128xf32, #tpu.memory_space<vmem_shared>> -> memref<10240x128xf32, #tpu.memory_space<vmem_shared>>
      tpu.wait_indirect_dma semaphore(%run_scoped3A : memref<!tpu.dma_semaphore, #tpu.memory_space<semaphore_mem>>) src(%arg11 : memref<112x128xf32, #tpu.memory_space<vmem>>) dst(%dma_wait3A_151 : memref<10240x128xf32, #tpu.memory_space<vmem_shared>>)
      tpu.yield
    }) : () -> ()
    %dma_wait3A_139 = arith.constant 0 : i32
    %dma_wait3A_140 = arith.constant 0 : i32
    %dma_wait3A_141 = tpu.memref_slice %arg4[%dma_wait3A_139, %dma_wait3A_140] : memref<10000x128xf32, #tpu.memory_space<hbm>> -> memref<112x128xf32, #tpu.memory_space<hbm>>
    %dma_wait3A_142 = arith.constant 0 : i32
    %dma_wait3A_143 = arith.constant 0 : i32
    %dma_wait3A_144 = tpu.memref_slice %arg4[%dma_wait3A_142, %dma_wait3A_143] : memref<10000x128xf32, #tpu.memory_space<hbm>> -> memref<112x128xf32, #tpu.memory_space<hbm>>
    tpu.wait_dma2 semaphore(%arg15 : memref<!tpu.dma_semaphore, #tpu.memory_space<semaphore_mem>>) src(%dma_wait3A_144 : memref<112x128xf32, #tpu.memory_space<hbm>>) dst(%arg12 : memref<112x128xf32, #tpu.memory_space<vmem>>)
    "tpu.region"() ({
      %run_scoped3A = tpu.sem_alloc : memref<!tpu.dma_semaphore, #tpu.memory_space<semaphore_mem>>
      %dma_start3A_146 = arith.constant 0 : i32
      %dma_start3A_147 = arith.constant 0 : i32
      %dma_start3A_148 = tpu.memref_slice %arg13[%dma_start3A_146, %dma_start3A_147] : memref<10240x128xf32, #tpu.memory_space<vmem_shared>> -> memref<10240x128xf32, #tpu.memory_space<vmem_shared>>
      tpu.enqueue_indirect_dma source(%arg12 : memref<112x128xf32, #tpu.memory_space<vmem>>) target(%dma_start3A_148 : memref<10240x128xf32, #tpu.memory_space<vmem_shared>>) offsets(%arg10 : memref<112xi32, #tpu.memory_space<vmem>>) semaphore(%run_scoped3A : memref<!tpu.dma_semaphore, #tpu.memory_space<semaphore_mem>>) {add = true}
      %dma_wait3A_149 = arith.constant 0 : i32
      %dma_wait3A_150 = arith.constant 0 : i32
      %dma_wait3A_151 = tpu.memref_slice %arg13[%dma_wait3A_149, %dma_wait3A_150] : memref<10240x128xf32, #tpu.memory_space<vmem_shared>> -> memref<10240x128xf32, #tpu.memory_space<vmem_shared>>
      tpu.wait_indirect_dma semaphore(%run_scoped3A : memref<!tpu.dma_semaphore, #tpu.memory_space<semaphore_mem>>) src(%arg12 : memref<112x128xf32, #tpu.memory_space<vmem>>) dst(%dma_wait3A_151 : memref<10240x128xf32, #tpu.memory_space<vmem_shared>>)
      tpu.yield
    }) : () -> ()
    %barrier3A_145 = arith.constant 0 : index
    tpu.barrier barrier_id(%barrier3A_145)
    "tpu.region"() ({
      %run_scoped3A = tpu.sem_alloc : memref<!tpu.dma_semaphore, #tpu.memory_space<semaphore_mem>>
      %dma_start3A_146 = arith.constant 0 : i32
      %dma_start3A_147 = tpu.memref_slice %arg6[%arg0, %mul3A_2, %dma_start3A_146] : memref<2x10240x128xf32, #tpu.memory_space<hbm>> -> memref<1x640x128xf32, #tpu.memory_space<hbm>>
      %dma_start3A_148 = tpu.memref_squeeze %dma_start3A_147 : memref<1x640x128xf32, #tpu.memory_space<hbm>> -> memref<640x128xf32, #tpu.memory_space<hbm>>
      %dma_start3A_149 = arith.constant 0 : i32
      %dma_start3A_150 = tpu.memref_slice %arg13[%mul3A_2, %dma_start3A_149] : memref<10240x128xf32, #tpu.memory_space<vmem_shared>> -> memref<640x128xf32, #tpu.memory_space<vmem_shared>>
      tpu.enqueue_dma source(%dma_start3A_150 : memref<640x128xf32, #tpu.memory_space<vmem_shared>>) target(%dma_start3A_148 : memref<640x128xf32, #tpu.memory_space<hbm>>) target_semaphore(%run_scoped3A : memref<!tpu.dma_semaphore, #tpu.memory_space<semaphore_mem>>)
      %dma_wait3A_151 = arith.constant 0 : i32
      %dma_wait3A_152 = tpu.memref_slice %arg6[%arg0, %mul3A_2, %dma_wait3A_151] : memref<2x10240x128xf32, #tpu.memory_space<hbm>> -> memref<1x640x128xf32, #tpu.memory_space<hbm>>
      %dma_wait3A_153 = tpu.memref_squeeze %dma_wait3A_152 : memref<1x640x128xf32, #tpu.memory_space<hbm>> -> memref<640x128xf32, #tpu.memory_space<hbm>>
      %dma_wait3A_154 = arith.constant 0 : i32
      %dma_wait3A_155 = tpu.memref_slice %arg13[%mul3A_2, %dma_wait3A_154] : memref<10240x128xf32, #tpu.memory_space<vmem_shared>> -> memref<640x128xf32, #tpu.memory_space<vmem_shared>>
      tpu.wait_dma2 semaphore(%run_scoped3A : memref<!tpu.dma_semaphore, #tpu.memory_space<semaphore_mem>>) src(%dma_wait3A_155 : memref<640x128xf32, #tpu.memory_space<vmem_shared>>) dst(%dma_wait3A_153 : memref<640x128xf32, #tpu.memory_space<hbm>>)
      tpu.yield
    }) : () -> ()
    return
  }
}

#map = affine_map<(d0, d1) -> (0)>
#map1 = affine_map<(d0, d1) -> (0, 0)>
#map2 = affine_map<(d0, d1) -> (0, 0, 0)>
module attributes {stable_mosaic.version = 14 : i64} {
  func.func @agg(%arg0: i32, %arg1: i32, %arg2: memref<320112xi32, #tpu.memory_space<hbm>>, %arg3: memref<320000xi32, #tpu.memory_space<hbm>>, %arg4: memref<10000x128xf32, #tpu.memory_space<hbm>>, %arg5: memref<10240x128xf32, #tpu.memory_space<hbm>>, %arg6: memref<2x10240x128xf32, #tpu.memory_space<hbm>>, %arg7: memref<10080xi32, #tpu.memory_space<vmem>>, %arg8: memref<10000xi32, #tpu.memory_space<vmem>>, %arg9: memref<112xi32, #tpu.memory_space<vmem>>, %arg10: memref<112xi32, #tpu.memory_space<vmem>>, %arg11: memref<112x128xf32, #tpu.memory_space<vmem>>, %arg12: memref<112x128xf32, #tpu.memory_space<vmem>>, %arg13: memref<10240x128xf32, #tpu.memory_space<vmem_shared>>, %arg14: memref<!tpu.dma_semaphore, #tpu.memory_space<semaphore_mem>>, %arg15: memref<!tpu.dma_semaphore, #tpu.memory_space<semaphore_mem>>) attributes {dimension_semantics = [#tpu.dimension_semantics<core_parallel>, #tpu.dimension_semantics<subcore_parallel>], iteration_bounds = array<i64: 2, 16>, scalar_prefetch = 0 : i64, scratch_operands = 9 : i64, tpu.core_type = #tpu.core_type<sc_vector_subcore>, window_params = [{transform_indices = #map}, {transform_indices = #map}, {transform_indices = #map1}, {transform_indices = #map1}, {transform_indices = #map2}]} {
    %mul3A = arith.constant 2 : i32
    %mul3A_0 = arith.muli %arg1, %mul3A : i32
    %add3A = arith.addi %mul3A_0, %arg0 : i32
    %mul3A_1 = arith.constant 640 : i32
    %mul3A_2 = arith.muli %arg1, %mul3A_1 : i32
    %dma_start3A = arith.constant 0 : i32
    %dma_start3A_3 = tpu.memref_slice %arg13[%mul3A_2, %dma_start3A] : memref<10240x128xf32, #tpu.memory_space<vmem_shared>> -> memref<640x128xf32, #tpu.memory_space<vmem_shared>>
    %dma_start3A_4 = arith.constant 0 : i32
    %dma_start3A_5 = tpu.memref_slice %arg5[%mul3A_2, %dma_start3A_4] : memref<10240x128xf32, #tpu.memory_space<hbm>> -> memref<640x128xf32, #tpu.memory_space<hbm>>
    tpu.enqueue_dma source(%dma_start3A_5 : memref<640x128xf32, #tpu.memory_space<hbm>>) target(%dma_start3A_3 : memref<640x128xf32, #tpu.memory_space<vmem_shared>>) target_semaphore(%arg14 : memref<!tpu.dma_semaphore, #tpu.memory_space<semaphore_mem>>)
    %mul3A_6 = arith.constant 10000 : i32
    %mul3A_7 = arith.muli %add3A, %mul3A_6 : i32
    %dma_start3A_8 = tpu.memref_slice %arg2[%mul3A_7] : memref<320112xi32, #tpu.memory_space<hbm>> -> memref<10080xi32, #tpu.memory_space<hbm>>
    %dma_start3A_9 = tpu.memref_slice %arg2[%mul3A_7] : memref<320112xi32, #tpu.memory_space<hbm>> -> memref<10080xi32, #tpu.memory_space<hbm>>
    tpu.enqueue_dma source(%dma_start3A_9 : memref<10080xi32, #tpu.memory_space<hbm>>) target(%arg7 : memref<10080xi32, #tpu.memory_space<vmem>>) target_semaphore(%arg15 : memref<!tpu.dma_semaphore, #tpu.memory_space<semaphore_mem>>)
    %mul3A_10 = arith.constant 10000 : i32
    %mul3A_11 = arith.muli %add3A, %mul3A_10 : i32
    "tpu.region"() ({
      %run_scoped3A = tpu.sem_alloc : memref<!tpu.dma_semaphore, #tpu.memory_space<semaphore_mem>>
      %dma_start3A_146 = tpu.memref_slice %arg3[%mul3A_11] : memref<320000xi32, #tpu.memory_space<hbm>> -> memref<10000xi32, #tpu.memory_space<hbm>>
      %dma_start3A_147 = tpu.memref_slice %arg3[%mul3A_11] : memref<320000xi32, #tpu.memory_space<hbm>> -> memref<10000xi32, #tpu.memory_space<hbm>>
      tpu.enqueue_dma source(%dma_start3A_147 : memref<10000xi32, #tpu.memory_space<hbm>>) target(%arg8 : memref<10000xi32, #tpu.memory_space<vmem>>) target_semaphore(%run_scoped3A : memref<!tpu.dma_semaphore, #tpu.memory_space<semaphore_mem>>)
      %dma_wait3A_148 = tpu.memref_slice %arg3[%mul3A_11] : memref<320000xi32, #tpu.memory_space<hbm>> -> memref<10000xi32, #tpu.memory_space<hbm>>
      %dma_wait3A_149 = tpu.memref_slice %arg3[%mul3A_11] : memref<320000xi32, #tpu.memory_space<hbm>> -> memref<10000xi32, #tpu.memory_space<hbm>>
      tpu.wait_dma2 semaphore(%run_scoped3A : memref<!tpu.dma_semaphore, #tpu.memory_space<semaphore_mem>>) src(%dma_wait3A_149 : memref<10000xi32, #tpu.memory_space<hbm>>) dst(%arg8 : memref<10000xi32, #tpu.memory_space<vmem>>)
      tpu.yield
    }) : () -> ()
    %dma_wait3A = arith.constant 0 : i32
    %dma_wait3A_12 = tpu.memref_slice %arg13[%mul3A_2, %dma_wait3A] : memref<10240x128xf32, #tpu.memory_space<vmem_shared>> -> memref<640x128xf32, #tpu.memory_space<vmem_shared>>
    %dma_wait3A_13 = arith.constant 0 : i32
    %dma_wait3A_14 = tpu.memref_slice %arg5[%mul3A_2, %dma_wait3A_13] : memref<10240x128xf32, #tpu.memory_space<hbm>> -> memref<640x128xf32, #tpu.memory_space<hbm>>
    tpu.wait_dma2 semaphore(%arg14 : memref<!tpu.dma_semaphore, #tpu.memory_space<semaphore_mem>>) src(%dma_wait3A_14 : memref<640x128xf32, #tpu.memory_space<hbm>>) dst(%dma_wait3A_12 : memref<640x128xf32, #tpu.memory_space<vmem_shared>>)
    %mul3A_15 = arith.constant 10000 : i32
    %mul3A_16 = arith.muli %add3A, %mul3A_15 : i32
    %dma_wait3A_17 = tpu.memref_slice %arg2[%mul3A_16] : memref<320112xi32, #tpu.memory_space<hbm>> -> memref<10080xi32, #tpu.memory_space<hbm>>
    %dma_wait3A_18 = tpu.memref_slice %arg2[%mul3A_16] : memref<320112xi32, #tpu.memory_space<hbm>> -> memref<10080xi32, #tpu.memory_space<hbm>>
    tpu.wait_dma2 semaphore(%arg15 : memref<!tpu.dma_semaphore, #tpu.memory_space<semaphore_mem>>) src(%dma_wait3A_18 : memref<10080xi32, #tpu.memory_space<hbm>>) dst(%arg7 : memref<10080xi32, #tpu.memory_space<vmem>>)
    %barrier3A = arith.constant 0 : index
    tpu.barrier barrier_id(%barrier3A)
    %dma_start3A_19 = arith.constant 0 : i32
    %dma_start3A_20 = tpu.memref_slice %arg7[%dma_start3A_19] : memref<10080xi32, #tpu.memory_space<vmem>> -> memref<112xi32, #tpu.memory_space<vmem>>
    %dma_start3A_21 = arith.constant 0 : i32
    %dma_start3A_22 = arith.constant 0 : i32
    %dma_start3A_23 = tpu.memref_slice %arg4[%dma_start3A_21, %dma_start3A_22] : memref<10000x128xf32, #tpu.memory_space<hbm>> -> memref<10000x128xf32, #tpu.memory_space<hbm>>
    tpu.enqueue_indirect_dma source(%dma_start3A_23 : memref<10000x128xf32, #tpu.memory_space<hbm>>) target(%arg11 : memref<112x128xf32, #tpu.memory_space<vmem>>) offsets(%dma_start3A_20 : memref<112xi32, #tpu.memory_space<vmem>>) semaphore(%arg14 : memref<!tpu.dma_semaphore, #tpu.memory_space<semaphore_mem>>)
    %get3A = arith.constant 0 : index
    %get3A_24 = tpu.vector_load %arg8[%get3A] {strides = array<i32>} : memref<10000xi32, #tpu.memory_space<vmem>>, vector<16xi32>,
    %get3A_25 = vector.shape_cast %get3A_24 : vector<16xi32> to vector<16xi32>
    %swap3A = arith.constant 0 : index
    %swap3A_26 = tpu.vector_load %arg9[%swap3A] {strides = array<i32>} : memref<112xi32, #tpu.memory_space<vmem>>, vector<16xi32>,
    %swap3A_27 = vector.shape_cast %swap3A_26 : vector<16xi32> to vector<16xi32>
    %swap3A_28 = vector.shape_cast %get3A_25 : vector<16xi32> to vector<16xi32>
    tpu.vector_store %arg9[%swap3A], %swap3A_28 {strides = array<i32>} : memref<112xi32, #tpu.memory_space<vmem>>, vector<16xi32>,
    %get3A_29 = arith.constant 16 : index
    %get3A_30 = tpu.vector_load %arg8[%get3A_29] {strides = array<i32>} : memref<10000xi32, #tpu.memory_space<vmem>>, vector<16xi32>,
    %get3A_31 = vector.shape_cast %get3A_30 : vector<16xi32> to vector<16xi32>
    %swap3A_32 = arith.constant 16 : index
    %swap3A_33 = tpu.vector_load %arg9[%swap3A_32] {strides = array<i32>} : memref<112xi32, #tpu.memory_space<vmem>>, vector<16xi32>,
    %swap3A_34 = vector.shape_cast %swap3A_33 : vector<16xi32> to vector<16xi32>
    %swap3A_35 = vector.shape_cast %get3A_31 : vector<16xi32> to vector<16xi32>
    tpu.vector_store %arg9[%swap3A_32], %swap3A_35 {strides = array<i32>} : memref<112xi32, #tpu.memory_space<vmem>>, vector<16xi32>,
    %get3A_36 = arith.constant 32 : index
    %get3A_37 = tpu.vector_load %arg8[%get3A_36] {strides = array<i32>} : memref<10000xi32, #tpu.memory_space<vmem>>, vector<16xi32>,
    %get3A_38 = vector.shape_cast %get3A_37 : vector<16xi32> to vector<16xi32>
    %swap3A_39 = arith.constant 32 : index
    %swap3A_40 = tpu.vector_load %arg9[%swap3A_39] {strides = array<i32>} : memref<112xi32, #tpu.memory_space<vmem>>, vector<16xi32>,
    %swap3A_41 = vector.shape_cast %swap3A_40 : vector<16xi32> to vector<16xi32>
    %swap3A_42 = vector.shape_cast %get3A_38 : vector<16xi32> to vector<16xi32>
    tpu.vector_store %arg9[%swap3A_39], %swap3A_42 {strides = array<i32>} : memref<112xi32, #tpu.memory_space<vmem>>, vector<16xi32>,
    %get3A_43 = arith.constant 48 : index
    %get3A_44 = tpu.vector_load %arg8[%get3A_43] {strides = array<i32>} : memref<10000xi32, #tpu.memory_space<vmem>>, vector<16xi32>,
    %get3A_45 = vector.shape_cast %get3A_44 : vector<16xi32> to vector<16xi32>
    %swap3A_46 = arith.constant 48 : index
    %swap3A_47 = tpu.vector_load %arg9[%swap3A_46] {strides = array<i32>} : memref<112xi32, #tpu.memory_space<vmem>>, vector<16xi32>,
    %swap3A_48 = vector.shape_cast %swap3A_47 : vector<16xi32> to vector<16xi32>
    %swap3A_49 = vector.shape_cast %get3A_45 : vector<16xi32> to vector<16xi32>
    tpu.vector_store %arg9[%swap3A_46], %swap3A_49 {strides = array<i32>} : memref<112xi32, #tpu.memory_space<vmem>>, vector<16xi32>,
    %get3A_50 = arith.constant 64 : index
    %get3A_51 = tpu.vector_load %arg8[%get3A_50] {strides = array<i32>} : memref<10000xi32, #tpu.memory_space<vmem>>, vector<16xi32>,
    %get3A_52 = vector.shape_cast %get3A_51 : vector<16xi32> to vector<16xi32>
    %swap3A_53 = arith.constant 64 : index
    %swap3A_54 = tpu.vector_load %arg9[%swap3A_53] {strides = array<i32>} : memref<112xi32, #tpu.memory_space<vmem>>, vector<16xi32>,
    %swap3A_55 = vector.shape_cast %swap3A_54 : vector<16xi32> to vector<16xi32>
    %swap3A_56 = vector.shape_cast %get3A_52 : vector<16xi32> to vector<16xi32>
    tpu.vector_store %arg9[%swap3A_53], %swap3A_56 {strides = array<i32>} : memref<112xi32, #tpu.memory_space<vmem>>, vector<16xi32>,
    %get3A_57 = arith.constant 80 : index
    %get3A_58 = tpu.vector_load %arg8[%get3A_57] {strides = array<i32>} : memref<10000xi32, #tpu.memory_space<vmem>>, vector<16xi32>,
    %get3A_59 = vector.shape_cast %get3A_58 : vector<16xi32> to vector<16xi32>
    %swap3A_60 = arith.constant 80 : index
    %swap3A_61 = tpu.vector_load %arg9[%swap3A_60] {strides = array<i32>} : memref<112xi32, #tpu.memory_space<vmem>>, vector<16xi32>,
    %swap3A_62 = vector.shape_cast %swap3A_61 : vector<16xi32> to vector<16xi32>
    %swap3A_63 = vector.shape_cast %get3A_59 : vector<16xi32> to vector<16xi32>
    tpu.vector_store %arg9[%swap3A_60], %swap3A_63 {strides = array<i32>} : memref<112xi32, #tpu.memory_space<vmem>>, vector<16xi32>,
    %get3A_64 = arith.constant 96 : index
    %get3A_65 = tpu.vector_load %arg8[%get3A_64] {strides = array<i32>} : memref<10000xi32, #tpu.memory_space<vmem>>, vector<16xi32>,
    %get3A_66 = vector.shape_cast %get3A_65 : vector<16xi32> to vector<16xi32>
    %swap3A_67 = arith.constant 96 : index
    %swap3A_68 = tpu.vector_load %arg9[%swap3A_67] {strides = array<i32>} : memref<112xi32, #tpu.memory_space<vmem>>, vector<16xi32>,
    %swap3A_69 = vector.shape_cast %swap3A_68 : vector<16xi32> to vector<16xi32>
    %swap3A_70 = vector.shape_cast %get3A_66 : vector<16xi32> to vector<16xi32>
    tpu.vector_store %arg9[%swap3A_67], %swap3A_70 {strides = array<i32>} : memref<112xi32, #tpu.memory_space<vmem>>, vector<16xi32>,
    %scan3A = arith.constant 0 : i32
    %scan3A_71 = arith.constant 44 : i32
    %scan3A_72 = arith.addi %scan3A, %scan3A_71 : i32
    %scan3A_73 = arith.constant 1 : i32
    scf.for %scan3A_146 = %scan3A to %scan3A_72 step %scan3A_73  : i32 {
      %mul3A_147 = arith.constant 2 : i32
      %mul3A_148 = arith.muli %scan3A_146, %mul3A_147 : i32
      %add3A_149 = arith.constant 1 : i32
      %add3A_150 = arith.addi %add3A_149, %mul3A_148 : i32
      %mul3A_151 = arith.constant 112 : i32
      %mul3A_152 = arith.muli %add3A_150, %mul3A_151 : i32
      %dma_start3A_153 = tpu.memref_slice %arg7[%mul3A_152] : memref<10080xi32, #tpu.memory_space<vmem>> -> memref<112xi32, #tpu.memory_space<vmem>>
      %dma_start3A_154 = arith.constant 0 : i32
      %dma_start3A_155 = arith.constant 0 : i32
      %dma_start3A_156 = tpu.memref_slice %arg4[%dma_start3A_154, %dma_start3A_155] : memref<10000x128xf32, #tpu.memory_space<hbm>> -> memref<10000x128xf32, #tpu.memory_space<hbm>>
      tpu.enqueue_indirect_dma source(%dma_start3A_156 : memref<10000x128xf32, #tpu.memory_space<hbm>>) target(%arg12 : memref<112x128xf32, #tpu.memory_space<vmem>>) offsets(%dma_start3A_153 : memref<112xi32, #tpu.memory_space<vmem>>) semaphore(%arg15 : memref<!tpu.dma_semaphore, #tpu.memory_space<semaphore_mem>>)
      %mul3A_157 = arith.constant 112 : i32
      %mul3A_158 = arith.muli %add3A_150, %mul3A_157 : i32
      %add3A_159 = arith.constant 0 : i32
      %add3A_160 = arith.addi %mul3A_158, %add3A_159 : i32
      %get3A_161 = arith.index_cast %add3A_160 : i32 to index
      %get3A_162 = tpu.vector_load %arg8[%get3A_161] {strides = array<i32>} : memref<10000xi32, #tpu.memory_space<vmem>>, vector<16xi32>,
      %get3A_163 = vector.shape_cast %get3A_162 : vector<16xi32> to vector<16xi32>
      %swap3A_164 = arith.constant 0 : index
      %swap3A_165 = tpu.vector_load %arg10[%swap3A_164] {strides = array<i32>} : memref<112xi32, #tpu.memory_space<vmem>>, vector<16xi32>,
      %swap3A_166 = vector.shape_cast %swap3A_165 : vector<16xi32> to vector<16xi32>
      %swap3A_167 = vector.shape_cast %get3A_163 : vector<16xi32> to vector<16xi32>
      tpu.vector_store %arg10[%swap3A_164], %swap3A_167 {strides = array<i32>} : memref<112xi32, #tpu.memory_space<vmem>>, vector<16xi32>,
      %mul3A_168 = arith.constant 112 : i32
      %mul3A_169 = arith.muli %add3A_150, %mul3A_168 : i32
      %add3A_170 = arith.constant 16 : i32
      %add3A_171 = arith.addi %mul3A_169, %add3A_170 : i32
      %get3A_172 = arith.index_cast %add3A_171 : i32 to index
      %get3A_173 = tpu.vector_load %arg8[%get3A_172] {strides = array<i32>} : memref<10000xi32, #tpu.memory_space<vmem>>, vector<16xi32>,
      %get3A_174 = vector.shape_cast %get3A_173 : vector<16xi32> to vector<16xi32>
      %swap3A_175 = arith.constant 16 : index
      %swap3A_176 = tpu.vector_load %arg10[%swap3A_175] {strides = array<i32>} : memref<112xi32, #tpu.memory_space<vmem>>, vector<16xi32>,
      %swap3A_177 = vector.shape_cast %swap3A_176 : vector<16xi32> to vector<16xi32>
      %swap3A_178 = vector.shape_cast %get3A_174 : vector<16xi32> to vector<16xi32>
      tpu.vector_store %arg10[%swap3A_175], %swap3A_178 {strides = array<i32>} : memref<112xi32, #tpu.memory_space<vmem>>, vector<16xi32>,
      %mul3A_179 = arith.constant 112 : i32
      %mul3A_180 = arith.muli %add3A_150, %mul3A_179 : i32
      %add3A_181 = arith.constant 32 : i32
      %add3A_182 = arith.addi %mul3A_180, %add3A_181 : i32
      %get3A_183 = arith.index_cast %add3A_182 : i32 to index
      %get3A_184 = tpu.vector_load %arg8[%get3A_183] {strides = array<i32>} : memref<10000xi32, #tpu.memory_space<vmem>>, vector<16xi32>,
      %get3A_185 = vector.shape_cast %get3A_184 : vector<16xi32> to vector<16xi32>
      %swap3A_186 = arith.constant 32 : index
      %swap3A_187 = tpu.vector_load %arg10[%swap3A_186] {strides = array<i32>} : memref<112xi32, #tpu.memory_space<vmem>>, vector<16xi32>,
      %swap3A_188 = vector.shape_cast %swap3A_187 : vector<16xi32> to vector<16xi32>
      %swap3A_189 = vector.shape_cast %get3A_185 : vector<16xi32> to vector<16xi32>
      tpu.vector_store %arg10[%swap3A_186], %swap3A_189 {strides = array<i32>} : memref<112xi32, #tpu.memory_space<vmem>>, vector<16xi32>,
      %mul3A_190 = arith.constant 112 : i32
      %mul3A_191 = arith.muli %add3A_150, %mul3A_190 : i32
      %add3A_192 = arith.constant 48 : i32
      %add3A_193 = arith.addi %mul3A_191, %add3A_192 : i32
      %get3A_194 = arith.index_cast %add3A_193 : i32 to index
      %get3A_195 = tpu.vector_load %arg8[%get3A_194] {strides = array<i32>} : memref<10000xi32, #tpu.memory_space<vmem>>, vector<16xi32>,
      %get3A_196 = vector.shape_cast %get3A_195 : vector<16xi32> to vector<16xi32>
      %swap3A_197 = arith.constant 48 : index
      %swap3A_198 = tpu.vector_load %arg10[%swap3A_197] {strides = array<i32>} : memref<112xi32, #tpu.memory_space<vmem>>, vector<16xi32>,
      %swap3A_199 = vector.shape_cast %swap3A_198 : vector<16xi32> to vector<16xi32>
      %swap3A_200 = vector.shape_cast %get3A_196 : vector<16xi32> to vector<16xi32>
      tpu.vector_store %arg10[%swap3A_197], %swap3A_200 {strides = array<i32>} : memref<112xi32, #tpu.memory_space<vmem>>, vector<16xi32>,
      %mul3A_201 = arith.constant 112 : i32
      %mul3A_202 = arith.muli %add3A_150, %mul3A_201 : i32
      %add3A_203 = arith.constant 64 : i32
      %add3A_204 = arith.addi %mul3A_202, %add3A_203 : i32
      %get3A_205 = arith.index_cast %add3A_204 : i32 to index
      %get3A_206 = tpu.vector_load %arg8[%get3A_205] {strides = array<i32>} : memref<10000xi32, #tpu.memory_space<vmem>>, vector<16xi32>,
      %get3A_207 = vector.shape_cast %get3A_206 : vector<16xi32> to vector<16xi32>
      %swap3A_208 = arith.constant 64 : index
      %swap3A_209 = tpu.vector_load %arg10[%swap3A_208] {strides = array<i32>} : memref<112xi32, #tpu.memory_space<vmem>>, vector<16xi32>,
      %swap3A_210 = vector.shape_cast %swap3A_209 : vector<16xi32> to vector<16xi32>
      %swap3A_211 = vector.shape_cast %get3A_207 : vector<16xi32> to vector<16xi32>
      tpu.vector_store %arg10[%swap3A_208], %swap3A_211 {strides = array<i32>} : memref<112xi32, #tpu.memory_space<vmem>>, vector<16xi32>,
      %mul3A_212 = arith.constant 112 : i32
      %mul3A_213 = arith.muli %add3A_150, %mul3A_212 : i32
      %add3A_214 = arith.constant 80 : i32
      %add3A_215 = arith.addi %mul3A_213, %add3A_214 : i32
      %get3A_216 = arith.index_cast %add3A_215 : i32 to index
      %get3A_217 = tpu.vector_load %arg8[%get3A_216] {strides = array<i32>} : memref<10000xi32, #tpu.memory_space<vmem>>, vector<16xi32>,
      %get3A_218 = vector.shape_cast %get3A_217 : vector<16xi32> to vector<16xi32>
      %swap3A_219 = arith.constant 80 : index
      %swap3A_220 = tpu.vector_load %arg10[%swap3A_219] {strides = array<i32>} : memref<112xi32, #tpu.memory_space<vmem>>, vector<16xi32>,
      %swap3A_221 = vector.shape_cast %swap3A_220 : vector<16xi32> to vector<16xi32>
      %swap3A_222 = vector.shape_cast %get3A_218 : vector<16xi32> to vector<16xi32>
      tpu.vector_store %arg10[%swap3A_219], %swap3A_222 {strides = array<i32>} : memref<112xi32, #tpu.memory_space<vmem>>, vector<16xi32>,
      %mul3A_223 = arith.constant 112 : i32
      %mul3A_224 = arith.muli %add3A_150, %mul3A_223 : i32
      %add3A_225 = arith.constant 96 : i32
      %add3A_226 = arith.addi %mul3A_224, %add3A_225 : i32
      %get3A_227 = arith.index_cast %add3A_226 : i32 to index
      %get3A_228 = tpu.vector_load %arg8[%get3A_227] {strides = array<i32>} : memref<10000xi32, #tpu.memory_space<vmem>>, vector<16xi32>,
      %get3A_229 = vector.shape_cast %get3A_228 : vector<16xi32> to vector<16xi32>
      %swap3A_230 = arith.constant 96 : index
      %swap3A_231 = tpu.vector_load %arg10[%swap3A_230] {strides = array<i32>} : memref<112xi32, #tpu.memory_space<vmem>>, vector<16xi32>,
      %swap3A_232 = vector.shape_cast %swap3A_231 : vector<16xi32> to vector<16xi32>
      %swap3A_233 = vector.shape_cast %get3A_229 : vector<16xi32> to vector<16xi32>
      tpu.vector_store %arg10[%swap3A_230], %swap3A_233 {strides = array<i32>} : memref<112xi32, #tpu.memory_space<vmem>>, vector<16xi32>,
      %dma_wait3A_234 = arith.constant 0 : i32
      %dma_wait3A_235 = arith.constant 0 : i32
      %dma_wait3A_236 = tpu.memref_slice %arg4[%dma_wait3A_234, %dma_wait3A_235] : memref<10000x128xf32, #tpu.memory_space<hbm>> -> memref<112x128xf32, #tpu.memory_space<hbm>>
      %dma_wait3A_237 = arith.constant 0 : i32
      %dma_wait3A_238 = arith.constant 0 : i32
      %dma_wait3A_239 = tpu.memref_slice %arg4[%dma_wait3A_237, %dma_wait3A_238] : memref<10000x128xf32, #tpu.memory_space<hbm>> -> memref<112x128xf32, #tpu.memory_space<hbm>>
      tpu.wait_dma2 semaphore(%arg14 : memref<!tpu.dma_semaphore, #tpu.memory_space<semaphore_mem>>) src(%dma_wait3A_239 : memref<112x128xf32, #tpu.memory_space<hbm>>) dst(%arg11 : memref<112x128xf32, #tpu.memory_space<vmem>>)
      "tpu.region"() ({
        %run_scoped3A = tpu.sem_alloc : memref<!tpu.dma_semaphore, #tpu.memory_space<semaphore_mem>>
        %dma_start3A_333 = arith.constant 0 : i32
        %dma_start3A_334 = arith.constant 0 : i32
        %dma_start3A_335 = tpu.memref_slice %arg13[%dma_start3A_333, %dma_start3A_334] : memref<10240x128xf32, #tpu.memory_space<vmem_shared>> -> memref<10240x128xf32, #tpu.memory_space<vmem_shared>>
        tpu.enqueue_indirect_dma source(%arg11 : memref<112x128xf32, #tpu.memory_space<vmem>>) target(%dma_start3A_335 : memref<10240x128xf32, #tpu.memory_space<vmem_shared>>) offsets(%arg9 : memref<112xi32, #tpu.memory_space<vmem>>) semaphore(%run_scoped3A : memref<!tpu.dma_semaphore, #tpu.memory_space<semaphore_mem>>) {add = true}
        %dma_wait3A_336 = arith.constant 0 : i32
        %dma_wait3A_337 = arith.constant 0 : i32
        %dma_wait3A_338 = tpu.memref_slice %arg13[%dma_wait3A_336, %dma_wait3A_337] : memref<10240x128xf32, #tpu.memory_space<vmem_shared>> -> memref<10240x128xf32, #tpu.memory_space<vmem_shared>>
        tpu.wait_indirect_dma semaphore(%run_scoped3A : memref<!tpu.dma_semaphore, #tpu.memory_space<semaphore_mem>>) src(%arg11 : memref<112x128xf32, #tpu.memory_space<vmem>>) dst(%dma_wait3A_338 : memref<10240x128xf32, #tpu.memory_space<vmem_shared>>)
        tpu.yield
      }) : () -> ()
      %add3A_240 = arith.constant 1 : i32
      %add3A_241 = arith.addi %add3A_150, %add3A_240 : i32
      %mul3A_242 = arith.constant 112 : i32
      %mul3A_243 = arith.muli %add3A_241, %mul3A_242 : i32
      %dma_start3A_244 = tpu.memref_slice %arg7[%mul3A_243] : memref<10080xi32, #tpu.memory_space<vmem>> -> memref<112xi32, #tpu.memory_space<vmem>>
      %dma_start3A_245 = arith.constant 0 : i32
      %dma_start3A_246 = arith.constant 0 : i32
      %dma_start3A_247 = tpu.memref_slice %arg4[%dma_start3A_245, %dma_start3A_246] : memref<10000x128xf32, #tpu.memory_space<hbm>> -> memref<10000x128xf32, #tpu.memory_space<hbm>>
      tpu.enqueue_indirect_dma source(%dma_start3A_247 : memref<10000x128xf32, #tpu.memory_space<hbm>>) target(%arg11 : memref<112x128xf32, #tpu.memory_space<vmem>>) offsets(%dma_start3A_244 : memref<112xi32, #tpu.memory_space<vmem>>) semaphore(%arg14 : memref<!tpu.dma_semaphore, #tpu.memory_space<semaphore_mem>>)
      %add3A_248 = arith.constant 1 : i32
      %add3A_249 = arith.addi %add3A_150, %add3A_248 : i32
      %mul3A_250 = arith.constant 112 : i32
      %mul3A_251 = arith.muli %add3A_249, %mul3A_250 : i32
      %add3A_252 = arith.constant 0 : i32
      %add3A_253 = arith.addi %mul3A_251, %add3A_252 : i32
      %get3A_254 = arith.index_cast %add3A_253 : i32 to index
      %get3A_255 = tpu.vector_load %arg8[%get3A_254] {strides = array<i32>} : memref<10000xi32, #tpu.memory_space<vmem>>, vector<16xi32>,
      %get3A_256 = vector.shape_cast %get3A_255 : vector<16xi32> to vector<16xi32>
      %swap3A_257 = arith.constant 0 : index
      %swap3A_258 = tpu.vector_load %arg9[%swap3A_257] {strides = array<i32>} : memref<112xi32, #tpu.memory_space<vmem>>, vector<16xi32>,
      %swap3A_259 = vector.shape_cast %swap3A_258 : vector<16xi32> to vector<16xi32>
      %swap3A_260 = vector.shape_cast %get3A_256 : vector<16xi32> to vector<16xi32>
      tpu.vector_store %arg9[%swap3A_257], %swap3A_260 {strides = array<i32>} : memref<112xi32, #tpu.memory_space<vmem>>, vector<16xi32>,
      %mul3A_261 = arith.constant 112 : i32
      %mul3A_262 = arith.muli %add3A_249, %mul3A_261 : i32
      %add3A_263 = arith.constant 16 : i32
      %add3A_264 = arith.addi %mul3A_262, %add3A_263 : i32
      %get3A_265 = arith.index_cast %add3A_264 : i32 to index
      %get3A_266 = tpu.vector_load %arg8[%get3A_265] {strides = array<i32>} : memref<10000xi32, #tpu.memory_space<vmem>>, vector<16xi32>,
      %get3A_267 = vector.shape_cast %get3A_266 : vector<16xi32> to vector<16xi32>
      %swap3A_268 = arith.constant 16 : index
      %swap3A_269 = tpu.vector_load %arg9[%swap3A_268] {strides = array<i32>} : memref<112xi32, #tpu.memory_space<vmem>>, vector<16xi32>,
      %swap3A_270 = vector.shape_cast %swap3A_269 : vector<16xi32> to vector<16xi32>
      %swap3A_271 = vector.shape_cast %get3A_267 : vector<16xi32> to vector<16xi32>
      tpu.vector_store %arg9[%swap3A_268], %swap3A_271 {strides = array<i32>} : memref<112xi32, #tpu.memory_space<vmem>>, vector<16xi32>,
      %mul3A_272 = arith.constant 112 : i32
      %mul3A_273 = arith.muli %add3A_249, %mul3A_272 : i32
      %add3A_274 = arith.constant 32 : i32
      %add3A_275 = arith.addi %mul3A_273, %add3A_274 : i32
      %get3A_276 = arith.index_cast %add3A_275 : i32 to index
      %get3A_277 = tpu.vector_load %arg8[%get3A_276] {strides = array<i32>} : memref<10000xi32, #tpu.memory_space<vmem>>, vector<16xi32>,
      %get3A_278 = vector.shape_cast %get3A_277 : vector<16xi32> to vector<16xi32>
      %swap3A_279 = arith.constant 32 : index
      %swap3A_280 = tpu.vector_load %arg9[%swap3A_279] {strides = array<i32>} : memref<112xi32, #tpu.memory_space<vmem>>, vector<16xi32>,
      %swap3A_281 = vector.shape_cast %swap3A_280 : vector<16xi32> to vector<16xi32>
      %swap3A_282 = vector.shape_cast %get3A_278 : vector<16xi32> to vector<16xi32>
      tpu.vector_store %arg9[%swap3A_279], %swap3A_282 {strides = array<i32>} : memref<112xi32, #tpu.memory_space<vmem>>, vector<16xi32>,
      %mul3A_283 = arith.constant 112 : i32
      %mul3A_284 = arith.muli %add3A_249, %mul3A_283 : i32
      %add3A_285 = arith.constant 48 : i32
      %add3A_286 = arith.addi %mul3A_284, %add3A_285 : i32
      %get3A_287 = arith.index_cast %add3A_286 : i32 to index
      %get3A_288 = tpu.vector_load %arg8[%get3A_287] {strides = array<i32>} : memref<10000xi32, #tpu.memory_space<vmem>>, vector<16xi32>,
      %get3A_289 = vector.shape_cast %get3A_288 : vector<16xi32> to vector<16xi32>
      %swap3A_290 = arith.constant 48 : index
      %swap3A_291 = tpu.vector_load %arg9[%swap3A_290] {strides = array<i32>} : memref<112xi32, #tpu.memory_space<vmem>>, vector<16xi32>,
      %swap3A_292 = vector.shape_cast %swap3A_291 : vector<16xi32> to vector<16xi32>
      %swap3A_293 = vector.shape_cast %get3A_289 : vector<16xi32> to vector<16xi32>
      tpu.vector_store %arg9[%swap3A_290], %swap3A_293 {strides = array<i32>} : memref<112xi32, #tpu.memory_space<vmem>>, vector<16xi32>,
      %mul3A_294 = arith.constant 112 : i32
      %mul3A_295 = arith.muli %add3A_249, %mul3A_294 : i32
      %add3A_296 = arith.constant 64 : i32
      %add3A_297 = arith.addi %mul3A_295, %add3A_296 : i32
      %get3A_298 = arith.index_cast %add3A_297 : i32 to index
      %get3A_299 = tpu.vector_load %arg8[%get3A_298] {strides = array<i32>} : memref<10000xi32, #tpu.memory_space<vmem>>, vector<16xi32>,
      %get3A_300 = vector.shape_cast %get3A_299 : vector<16xi32> to vector<16xi32>
      %swap3A_301 = arith.constant 64 : index
      %swap3A_302 = tpu.vector_load %arg9[%swap3A_301] {strides = array<i32>} : memref<112xi32, #tpu.memory_space<vmem>>, vector<16xi32>,
      %swap3A_303 = vector.shape_cast %swap3A_302 : vector<16xi32> to vector<16xi32>
      %swap3A_304 = vector.shape_cast %get3A_300 : vector<16xi32> to vector<16xi32>
      tpu.vector_store %arg9[%swap3A_301], %swap3A_304 {strides = array<i32>} : memref<112xi32, #tpu.memory_space<vmem>>, vector<16xi32>,
      %mul3A_305 = arith.constant 112 : i32
      %mul3A_306 = arith.muli %add3A_249, %mul3A_305 : i32
      %add3A_307 = arith.constant 80 : i32
      %add3A_308 = arith.addi %mul3A_306, %add3A_307 : i32
      %get3A_309 = arith.index_cast %add3A_308 : i32 to index
      %get3A_310 = tpu.vector_load %arg8[%get3A_309] {strides = array<i32>} : memref<10000xi32, #tpu.memory_space<vmem>>, vector<16xi32>,
      %get3A_311 = vector.shape_cast %get3A_310 : vector<16xi32> to vector<16xi32>
      %swap3A_312 = arith.constant 80 : index
      %swap3A_313 = tpu.vector_load %arg9[%swap3A_312] {strides = array<i32>} : memref<112xi32, #tpu.memory_space<vmem>>, vector<16xi32>,
      %swap3A_314 = vector.shape_cast %swap3A_313 : vector<16xi32> to vector<16xi32>
      %swap3A_315 = vector.shape_cast %get3A_311 : vector<16xi32> to vector<16xi32>
      tpu.vector_store %arg9[%swap3A_312], %swap3A_315 {strides = array<i32>} : memref<112xi32, #tpu.memory_space<vmem>>, vector<16xi32>,
      %mul3A_316 = arith.constant 112 : i32
      %mul3A_317 = arith.muli %add3A_249, %mul3A_316 : i32
      %add3A_318 = arith.constant 96 : i32
      %add3A_319 = arith.addi %mul3A_317, %add3A_318 : i32
      %get3A_320 = arith.index_cast %add3A_319 : i32 to index
      %get3A_321 = tpu.vector_load %arg8[%get3A_320] {strides = array<i32>} : memref<10000xi32, #tpu.memory_space<vmem>>, vector<16xi32>,
      %get3A_322 = vector.shape_cast %get3A_321 : vector<16xi32> to vector<16xi32>
      %swap3A_323 = arith.constant 96 : index
      %swap3A_324 = tpu.vector_load %arg9[%swap3A_323] {strides = array<i32>} : memref<112xi32, #tpu.memory_space<vmem>>, vector<16xi32>,
      %swap3A_325 = vector.shape_cast %swap3A_324 : vector<16xi32> to vector<16xi32>
      %swap3A_326 = vector.shape_cast %get3A_322 : vector<16xi32> to vector<16xi32>
      tpu.vector_store %arg9[%swap3A_323], %swap3A_326 {strides = array<i32>} : memref<112xi32, #tpu.memory_space<vmem>>, vector<16xi32>,
      %dma_wait3A_327 = arith.constant 0 : i32
      %dma_wait3A_328 = arith.constant 0 : i32
      %dma_wait3A_329 = tpu.memref_slice %arg4[%dma_wait3A_327, %dma_wait3A_328] : memref<10000x128xf32, #tpu.memory_space<hbm>> -> memref<112x128xf32, #tpu.memory_space<hbm>>
      %dma_wait3A_330 = arith.constant 0 : i32
      %dma_wait3A_331 = arith.constant 0 : i32
      %dma_wait3A_332 = tpu.memref_slice %arg4[%dma_wait3A_330, %dma_wait3A_331] : memref<10000x128xf32, #tpu.memory_space<hbm>> -> memref<112x128xf32, #tpu.memory_space<hbm>>
      tpu.wait_dma2 semaphore(%arg15 : memref<!tpu.dma_semaphore, #tpu.memory_space<semaphore_mem>>) src(%dma_wait3A_332 : memref<112x128xf32, #tpu.memory_space<hbm>>) dst(%arg12 : memref<112x128xf32, #tpu.memory_space<vmem>>)
      "tpu.region"() ({
        %run_scoped3A = tpu.sem_alloc : memref<!tpu.dma_semaphore, #tpu.memory_space<semaphore_mem>>
        %dma_start3A_333 = arith.constant 0 : i32
        %dma_start3A_334 = arith.constant 0 : i32
        %dma_start3A_335 = tpu.memref_slice %arg13[%dma_start3A_333, %dma_start3A_334] : memref<10240x128xf32, #tpu.memory_space<vmem_shared>> -> memref<10240x128xf32, #tpu.memory_space<vmem_shared>>
        tpu.enqueue_indirect_dma source(%arg12 : memref<112x128xf32, #tpu.memory_space<vmem>>) target(%dma_start3A_335 : memref<10240x128xf32, #tpu.memory_space<vmem_shared>>) offsets(%arg10 : memref<112xi32, #tpu.memory_space<vmem>>) semaphore(%run_scoped3A : memref<!tpu.dma_semaphore, #tpu.memory_space<semaphore_mem>>) {add = true}
        %dma_wait3A_336 = arith.constant 0 : i32
        %dma_wait3A_337 = arith.constant 0 : i32
        %dma_wait3A_338 = tpu.memref_slice %arg13[%dma_wait3A_336, %dma_wait3A_337] : memref<10240x128xf32, #tpu.memory_space<vmem_shared>> -> memref<10240x128xf32, #tpu.memory_space<vmem_shared>>
        tpu.wait_indirect_dma semaphore(%run_scoped3A : memref<!tpu.dma_semaphore, #tpu.memory_space<semaphore_mem>>) src(%arg12 : memref<112x128xf32, #tpu.memory_space<vmem>>) dst(%dma_wait3A_338 : memref<10240x128xf32, #tpu.memory_space<vmem_shared>>)
        tpu.yield
      }) : () -> ()
    }
    %scan3A_74 = arith.constant 44 : i32
    %dma_start3A_75 = arith.constant 9968 : i32
    %dma_start3A_76 = tpu.memref_slice %arg7[%dma_start3A_75] : memref<10080xi32, #tpu.memory_space<vmem>> -> memref<112xi32, #tpu.memory_space<vmem>>
    %dma_start3A_77 = arith.constant 0 : i32
    %dma_start3A_78 = arith.constant 0 : i32
    %dma_start3A_79 = tpu.memref_slice %arg4[%dma_start3A_77, %dma_start3A_78] : memref<10000x128xf32, #tpu.memory_space<hbm>> -> memref<10000x128xf32, #tpu.memory_space<hbm>>
    tpu.enqueue_indirect_dma source(%dma_start3A_79 : memref<10000x128xf32, #tpu.memory_space<hbm>>) target(%arg12 : memref<112x128xf32, #tpu.memory_space<vmem>>) offsets(%dma_start3A_76 : memref<112xi32, #tpu.memory_space<vmem>>) semaphore(%arg15 : memref<!tpu.dma_semaphore, #tpu.memory_space<semaphore_mem>>)
    %get3A_80 = arith.constant 9968 : index
    %get3A_81 = tpu.vector_load %arg8[%get3A_80] {strides = array<i32>} : memref<10000xi32, #tpu.memory_space<vmem>>, vector<16xi32>,
    %get3A_82 = vector.shape_cast %get3A_81 : vector<16xi32> to vector<16xi32>
    %swap3A_83 = arith.constant 0 : index
    %swap3A_84 = tpu.vector_load %arg10[%swap3A_83] {strides = array<i32>} : memref<112xi32, #tpu.memory_space<vmem>>, vector<16xi32>,
    %swap3A_85 = vector.shape_cast %swap3A_84 : vector<16xi32> to vector<16xi32>
    %swap3A_86 = vector.shape_cast %get3A_82 : vector<16xi32> to vector<16xi32>
    tpu.vector_store %arg10[%swap3A_83], %swap3A_86 {strides = array<i32>} : memref<112xi32, #tpu.memory_space<vmem>>, vector<16xi32>,
    %get3A_87 = arith.constant 9984 : index
    %get3A_88 = tpu.vector_load %arg8[%get3A_87] {strides = array<i32>} : memref<10000xi32, #tpu.memory_space<vmem>>, vector<16xi32>,
    %get3A_89 = vector.shape_cast %get3A_88 : vector<16xi32> to vector<16xi32>
    %swap3A_90 = arith.constant 16 : index
    %swap3A_91 = tpu.vector_load %arg10[%swap3A_90] {strides = array<i32>} : memref<112xi32, #tpu.memory_space<vmem>>, vector<16xi32>,
    %swap3A_92 = vector.shape_cast %swap3A_91 : vector<16xi32> to vector<16xi32>
    %swap3A_93 = vector.shape_cast %get3A_89 : vector<16xi32> to vector<16xi32>
    tpu.vector_store %arg10[%swap3A_90], %swap3A_93 {strides = array<i32>} : memref<112xi32, #tpu.memory_space<vmem>>, vector<16xi32>,
    %iota3A = tpu.iota {dimensions = array<i32: 0>} : vector<16xi32>
    %add3A_94 = arith.constant 10000 : i32
    %add3A_95 = vector.broadcast %add3A_94 : i32 to vector<16xi32>
    %add3A_96 = arith.addi %iota3A, %add3A_95 : vector<16xi32>
    %swap3A_97 = arith.constant 32 : index
    %swap3A_98 = tpu.vector_load %arg10[%swap3A_97] {strides = array<i32>} : memref<112xi32, #tpu.memory_space<vmem>>, vector<16xi32>,
    %swap3A_99 = vector.shape_cast %swap3A_98 : vector<16xi32> to vector<16xi32>
    %swap3A_100 = vector.shape_cast %add3A_96 : vector<16xi32> to vector<16xi32>
    tpu.vector_store %arg10[%swap3A_97], %swap3A_100 {strides = array<i32>} : memref<112xi32, #tpu.memory_space<vmem>>, vector<16xi32>,
    %iota3A_101 = tpu.iota {dimensions = array<i32: 0>} : vector<16xi32>
    %add3A_102 = arith.constant 10016 : i32
    %add3A_103 = vector.broadcast %add3A_102 : i32 to vector<16xi32>
    %add3A_104 = arith.addi %iota3A_101, %add3A_103 : vector<16xi32>
    %swap3A_105 = arith.constant 48 : index
    %swap3A_106 = tpu.vector_load %arg10[%swap3A_105] {strides = array<i32>} : memref<112xi32, #tpu.memory_space<vmem>>, vector<16xi32>,
    %swap3A_107 = vector.shape_cast %swap3A_106 : vector<16xi32> to vector<16xi32>
    %swap3A_108 = vector.shape_cast %add3A_104 : vector<16xi32> to vector<16xi32>
    tpu.vector_store %arg10[%swap3A_105], %swap3A_108 {strides = array<i32>} : memref<112xi32, #tpu.memory_space<vmem>>, vector<16xi32>,
    %iota3A_109 = tpu.iota {dimensions = array<i32: 0>} : vector<16xi32>
    %add3A_110 = arith.constant 10032 : i32
    %add3A_111 = vector.broadcast %add3A_110 : i32 to vector<16xi32>
    %add3A_112 = arith.addi %iota3A_109, %add3A_111 : vector<16xi32>
    %swap3A_113 = arith.constant 64 : index
    %swap3A_114 = tpu.vector_load %arg10[%swap3A_113] {strides = array<i32>} : memref<112xi32, #tpu.memory_space<vmem>>, vector<16xi32>,
    %swap3A_115 = vector.shape_cast %swap3A_114 : vector<16xi32> to vector<16xi32>
    %swap3A_116 = vector.shape_cast %add3A_112 : vector<16xi32> to vector<16xi32>
    tpu.vector_store %arg10[%swap3A_113], %swap3A_116 {strides = array<i32>} : memref<112xi32, #tpu.memory_space<vmem>>, vector<16xi32>,
    %iota3A_117 = tpu.iota {dimensions = array<i32: 0>} : vector<16xi32>
    %add3A_118 = arith.constant 10048 : i32
    %add3A_119 = vector.broadcast %add3A_118 : i32 to vector<16xi32>
    %add3A_120 = arith.addi %iota3A_117, %add3A_119 : vector<16xi32>
    %swap3A_121 = arith.constant 80 : index
    %swap3A_122 = tpu.vector_load %arg10[%swap3A_121] {strides = array<i32>} : memref<112xi32, #tpu.memory_space<vmem>>, vector<16xi32>,
    %swap3A_123 = vector.shape_cast %swap3A_122 : vector<16xi32> to vector<16xi32>
    %swap3A_124 = vector.shape_cast %add3A_120 : vector<16xi32> to vector<16xi32>
    tpu.vector_store %arg10[%swap3A_121], %swap3A_124 {strides = array<i32>} : memref<112xi32, #tpu.memory_space<vmem>>, vector<16xi32>,
    %iota3A_125 = tpu.iota {dimensions = array<i32: 0>} : vector<16xi32>
    %add3A_126 = arith.constant 10064 : i32
    %add3A_127 = vector.broadcast %add3A_126 : i32 to vector<16xi32>
    %add3A_128 = arith.addi %iota3A_125, %add3A_127 : vector<16xi32>
    %swap3A_129 = arith.constant 96 : index
    %swap3A_130 = tpu.vector_load %arg10[%swap3A_129] {strides = array<i32>} : memref<112xi32, #tpu.memory_space<vmem>>, vector<16xi32>,
    %swap3A_131 = vector.shape_cast %swap3A_130 : vector<16xi32> to vector<16xi32>
    %swap3A_132 = vector.shape_cast %add3A_128 : vector<16xi32> to vector<16xi32>
    tpu.vector_store %arg10[%swap3A_129], %swap3A_132 {strides = array<i32>} : memref<112xi32, #tpu.memory_space<vmem>>, vector<16xi32>,
    %dma_wait3A_133 = arith.constant 0 : i32
    %dma_wait3A_134 = arith.constant 0 : i32
    %dma_wait3A_135 = tpu.memref_slice %arg4[%dma_wait3A_133, %dma_wait3A_134] : memref<10000x128xf32, #tpu.memory_space<hbm>> -> memref<112x128xf32, #tpu.memory_space<hbm>>
    %dma_wait3A_136 = arith.constant 0 : i32
    %dma_wait3A_137 = arith.constant 0 : i32
    %dma_wait3A_138 = tpu.memref_slice %arg4[%dma_wait3A_136, %dma_wait3A_137] : memref<10000x128xf32, #tpu.memory_space<hbm>> -> memref<112x128xf32, #tpu.memory_space<hbm>>
    tpu.wait_dma2 semaphore(%arg14 : memref<!tpu.dma_semaphore, #tpu.memory_space<semaphore_mem>>) src(%dma_wait3A_138 : memref<112x128xf32, #tpu.memory_space<hbm>>) dst(%arg11 : memref<112x128xf32, #tpu.memory_space<vmem>>)
    "tpu.region"() ({
      %run_scoped3A = tpu.sem_alloc : memref<!tpu.dma_semaphore, #tpu.memory_space<semaphore_mem>>
      %dma_start3A_146 = arith.constant 0 : i32
      %dma_start3A_147 = arith.constant 0 : i32
      %dma_start3A_148 = tpu.memref_slice %arg13[%dma_start3A_146, %dma_start3A_147] : memref<10240x128xf32, #tpu.memory_space<vmem_shared>> -> memref<10240x128xf32, #tpu.memory_space<vmem_shared>>
      tpu.enqueue_indirect_dma source(%arg11 : memref<112x128xf32, #tpu.memory_space<vmem>>) target(%dma_start3A_148 : memref<10240x128xf32, #tpu.memory_space<vmem_shared>>) offsets(%arg9 : memref<112xi32, #tpu.memory_space<vmem>>) semaphore(%run_scoped3A : memref<!tpu.dma_semaphore, #tpu.memory_space<semaphore_mem>>) {add = true}
      %dma_wait3A_149 = arith.constant 0 : i32
      %dma_wait3A_150 = arith.constant 0 : i32
      %dma_wait3A_151 = tpu.memref_slice %arg13[%dma_wait3A_149, %dma_wait3A_150] : memref<10240x128xf32, #tpu.memory_space<vmem_shared>> -> memref<10240x128xf32, #tpu.memory_space<vmem_shared>>
      tpu.wait_indirect_dma semaphore(%run_scoped3A : memref<!tpu.dma_semaphore, #tpu.memory_space<semaphore_mem>>) src(%arg11 : memref<112x128xf32, #tpu.memory_space<vmem>>) dst(%dma_wait3A_151 : memref<10240x128xf32, #tpu.memory_space<vmem_shared>>)
      tpu.yield
    }) : () -> ()
    %dma_wait3A_139 = arith.constant 0 : i32
    %dma_wait3A_140 = arith.constant 0 : i32
    %dma_wait3A_141 = tpu.memref_slice %arg4[%dma_wait3A_139, %dma_wait3A_140] : memref<10000x128xf32, #tpu.memory_space<hbm>> -> memref<112x128xf32, #tpu.memory_space<hbm>>
    %dma_wait3A_142 = arith.constant 0 : i32
    %dma_wait3A_143 = arith.constant 0 : i32
    %dma_wait3A_144 = tpu.memref_slice %arg4[%dma_wait3A_142, %dma_wait3A_143] : memref<10000x128xf32, #tpu.memory_space<hbm>> -> memref<112x128xf32, #tpu.memory_space<hbm>>
    tpu.wait_dma2 semaphore(%arg15 : memref<!tpu.dma_semaphore, #tpu.memory_space<semaphore_mem>>) src(%dma_wait3A_144 : memref<112x128xf32, #tpu.memory_space<hbm>>) dst(%arg12 : memref<112x128xf32, #tpu.memory_space<vmem>>)
    "tpu.region"() ({
      %run_scoped3A = tpu.sem_alloc : memref<!tpu.dma_semaphore, #tpu.memory_space<semaphore_mem>>
      %dma_start3A_146 = arith.constant 0 : i32
      %dma_start3A_147 = arith.constant 0 : i32
      %dma_start3A_148 = tpu.memref_slice %arg13[%dma_start3A_146, %dma_start3A_147] : memref<10240x128xf32, #tpu.memory_space<vmem_shared>> -> memref<10240x128xf32, #tpu.memory_space<vmem_shared>>
      tpu.enqueue_indirect_dma source(%arg12 : memref<112x128xf32, #tpu.memory_space<vmem>>) target(%dma_start3A_148 : memref<10240x128xf32, #tpu.memory_space<vmem_shared>>) offsets(%arg10 : memref<112xi32, #tpu.memory_space<vmem>>) semaphore(%run_scoped3A : memref<!tpu.dma_semaphore, #tpu.memory_space<semaphore_mem>>) {add = true}
      %dma_wait3A_149 = arith.constant 0 : i32
      %dma_wait3A_150 = arith.constant 0 : i32
      %dma_wait3A_151 = tpu.memref_slice %arg13[%dma_wait3A_149, %dma_wait3A_150] : memref<10240x128xf32, #tpu.memory_space<vmem_shared>> -> memref<10240x128xf32, #tpu.memory_space<vmem_shared>>
      tpu.wait_indirect_dma semaphore(%run_scoped3A : memref<!tpu.dma_semaphore, #tpu.memory_space<semaphore_mem>>) src(%arg12 : memref<112x128xf32, #tpu.memory_space<vmem>>) dst(%dma_wait3A_151 : memref<10240x128xf32, #tpu.memory_space<vmem_shared>>)
      tpu.yield
    }) : () -> ()
    %barrier3A_145 = arith.constant 0 : index
    tpu.barrier barrier_id(%barrier3A_145)
    "tpu.region"() ({
      %run_scoped3A = tpu.sem_alloc : memref<!tpu.dma_semaphore, #tpu.memory_space<semaphore_mem>>
      %dma_start3A_146 = arith.constant 0 : i32
      %dma_start3A_147 = tpu.memref_slice %arg6[%arg0, %mul3A_2, %dma_start3A_146] : memref<2x10240x128xf32, #tpu.memory_space<hbm>> -> memref<1x640x128xf32, #tpu.memory_space<hbm>>
      %dma_start3A_148 = tpu.memref_squeeze %dma_start3A_147 : memref<1x640x128xf32, #tpu.memory_space<hbm>> -> memref<640x128xf32, #tpu.memory_space<hbm>>
      %dma_start3A_149 = arith.constant 0 : i32
      %dma_start3A_150 = tpu.memref_slice %arg13[%mul3A_2, %dma_start3A_149] : memref<10240x128xf32, #tpu.memory_space<vmem_shared>> -> memref<640x128xf32, #tpu.memory_space<vmem_shared>>
      tpu.enqueue_dma source(%dma_start3A_150 : memref<640x128xf32, #tpu.memory_space<vmem_shared>>) target(%dma_start3A_148 : memref<640x128xf32, #tpu.memory_space<hbm>>) target_semaphore(%run_scoped3A : memref<!tpu.dma_semaphore, #tpu.memory_space<semaphore_mem>>)
      %dma_wait3A_151 = arith.constant 0 : i32
      %dma_wait3A_152 = tpu.memref_slice %arg6[%arg0, %mul3A_2, %dma_wait3A_151] : memref<2x10240x128xf32, #tpu.memory_space<hbm>> -> memref<1x640x128xf32, #tpu.memory_space<hbm>>
      %dma_wait3A_153 = tpu.memref_squeeze %dma_wait3A_152 : memref<1x640x128xf32, #tpu.memory_space<hbm>> -> memref<640x128xf32, #tpu.memory_space<hbm>>
      %dma_wait3A_154 = arith.constant 0 : i32
      %dma_wait3A_155 = tpu.memref_slice %arg13[%mul3A_2, %dma_wait3A_154] : memref<10240x128xf32, #tpu.memory_space<vmem_shared>> -> memref<640x128xf32, #tpu.memory_space<vmem_shared>>
      tpu.wait_dma2 semaphore(%run_scoped3A : memref<!tpu.dma_semaphore, #tpu.memory_space<semaphore_mem>>) src(%dma_wait3A_155 : memref<640x128xf32, #tpu.memory_space<vmem_shared>>) dst(%dma_wait3A_153 : memref<640x128xf32, #tpu.memory_space<hbm>>)
      tpu.yield
    }) : () -> ()
    return
  }
}

module attributes {stable_mosaic.version = 14 : i64} {
  func.func @_k2(%arg0: i32, %arg1: memref<2x1000x128xf32, #tpu.memory_space<vmem>>, %arg2: memref<1000x128xf32, #tpu.memory_space<vmem>>, %arg3: memref<2x1000x1xf32, #tpu.memory_space<vmem>>, %arg4: memref<1x128xf32, #tpu.memory_space<vmem>>, %arg5: memref<128x128xf32, #tpu.memory_space<vmem>>, %arg6: memref<1000x128xf32, #tpu.memory_space<vmem>>, %arg7: memref<1000x128xf32, #tpu.memory_space<vmem>>) attributes {dimension_semantics = [#tpu.dimension_semantics<arbitrary>], iteration_bounds = array<i64: 10>, scalar_prefetch = 0 : i64, scratch_operands = 0 : i64, tpu.core_type = #tpu.core_type<tc>, window_params = [{transform_indices = @transform_0, window_bounds = array<i64: 2, 1000, 128>}, {transform_indices = @transform_1, window_bounds = array<i64: 1000, 128>}, {transform_indices = @transform_2, window_bounds = array<i64: 2, 1000, 1>}, {pipeline_mode = #tpu.pipeline_mode<synchronous>, transform_indices = @transform_3, window_bounds = array<i64: 1, 128>}, {pipeline_mode = #tpu.pipeline_mode<synchronous>, transform_indices = @transform_4, window_bounds = array<i64: 128, 128>}, {transform_indices = @transform_5, window_bounds = array<i64: 1000, 128>}, {transform_indices = @transform_6, window_bounds = array<i64: 1000, 128>}]} {
    %get3A = arith.constant 0 : index
    %get3A_0 = arith.constant 0 : index
    %get3A_1 = arith.constant 0 : index
    %get3A_2 = vector.load %arg3[%get3A, %get3A_0, %get3A_1] : memref<2x1000x1xf32, #tpu.memory_space<vmem>>, vector<1x1000x1xf32>
    %get3A_3 = vector.shape_cast %get3A_2 : vector<1x1000x1xf32> to vector<1000x1xf32>
    %get3A_4 = arith.constant 1 : index
    %get3A_5 = arith.constant 0 : index
    %get3A_6 = arith.constant 0 : index
    %get3A_7 = vector.load %arg3[%get3A_4, %get3A_5, %get3A_6] : memref<2x1000x1xf32, #tpu.memory_space<vmem>>, vector<1x1000x1xf32>
    %get3A_8 = vector.shape_cast %get3A_7 : vector<1x1000x1xf32> to vector<1000x1xf32>
    %add3A = arith.addf %get3A_3, %get3A_8 : vector<1000x1xf32>
    %add3A_9 = arith.constant 1.000000e+00 : f32
    %add3A_10 = vector.broadcast %add3A_9 : f32 to vector<1000x1xf32>
    %add3A_11 = arith.addf %add3A, %add3A_10 : vector<1000x1xf32>
    %rsqrt3A = math.rsqrt %add3A_11 : vector<1000x1xf32>
    %get3A_12 = arith.constant 0 : index
    %get3A_13 = arith.constant 0 : index
    %get3A_14 = arith.constant 0 : index
    %get3A_15 = vector.load %arg1[%get3A_12, %get3A_13, %get3A_14] : memref<2x1000x128xf32, #tpu.memory_space<vmem>>, vector<1x1000x128xf32>
    %get3A_16 = vector.shape_cast %get3A_15 : vector<1x1000x128xf32> to vector<1000x128xf32>
    %get3A_17 = arith.constant 1 : index
    %get3A_18 = arith.constant 0 : index
    %get3A_19 = arith.constant 0 : index
    %get3A_20 = vector.load %arg1[%get3A_17, %get3A_18, %get3A_19] : memref<2x1000x128xf32, #tpu.memory_space<vmem>>, vector<1x1000x128xf32>
    %get3A_21 = vector.shape_cast %get3A_20 : vector<1x1000x128xf32> to vector<1000x128xf32>
    %add3A_22 = arith.addf %get3A_16, %get3A_21 : vector<1000x128xf32>
    %get3A_23 = arith.constant 0 : index
    %get3A_24 = arith.constant 0 : index
    %get3A_25 = vector.load %arg2[%get3A_23, %get3A_24] : memref<1000x128xf32, #tpu.memory_space<vmem>>, vector<1000x128xf32>
    %add3A_26 = arith.addf %add3A_22, %get3A_25 : vector<1000x128xf32>
    %mul3A = vector.broadcast %rsqrt3A : vector<1000x1xf32> to vector<1000x128xf32>
    %mul3A_27 = arith.mulf %mul3A, %add3A_26 : vector<1000x128xf32>
    %get3A_28 = arith.constant 0 : index
    %get3A_29 = arith.constant 0 : index
    %get3A_30 = vector.load %arg4[%get3A_28, %get3A_29] : memref<1x128xf32, #tpu.memory_space<vmem>>, vector<1x128xf32>
    %add3A_31 = vector.broadcast %get3A_30 : vector<1x128xf32> to vector<1000x128xf32>
    %add3A_32 = arith.addf %mul3A_27, %add3A_31 : vector<1000x128xf32>
    %max3A = arith.constant 0.000000e+00 : f32
    %max3A_33 = vector.broadcast %max3A : f32 to vector<1000x128xf32>
    %max3A_34 = arith.maximumf %add3A_32, %max3A_33 : vector<1000x128xf32>
    %swap3A = arith.constant 0 : index
    %swap3A_35 = arith.constant 0 : index
    %swap3A_36 = vector.load %arg6[%swap3A, %swap3A_35] : memref<1000x128xf32, #tpu.memory_space<vmem>>, vector<1000x128xf32>
    tpu.vector_store %arg6[%swap3A, %swap3A_35], %max3A_34 {strides = array<i32>} : memref<1000x128xf32, #tpu.memory_space<vmem>>, vector<1000x128xf32>,
    %get3A_37 = arith.constant 0 : index
    %get3A_38 = arith.constant 0 : index
    %get3A_39 = vector.load %arg5[%get3A_37, %get3A_38] : memref<128x128xf32, #tpu.memory_space<vmem>>, vector<128x128xf32>
    %dot_general3A = arith.constant dense<0.000000e+00> : vector<1000x128xf32>
    %dot_general3A_40 = tpu.matmul %max3A_34, %get3A_39, %dot_general3A {dimension_numbers = #tpu.dot_dimension_numbers<[1], [0], [0], [1], [0, 0, 1, 1], [], []>, transpose_lhs_hint = false} : vector<1000x128xf32>, vector<128x128xf32>, vector<1000x128xf32> -> vector<1000x128xf32>
    %mul3A_41 = vector.broadcast %rsqrt3A : vector<1000x1xf32> to vector<1000x128xf32>
    %mul3A_42 = arith.mulf %dot_general3A_40, %mul3A_41 : vector<1000x128xf32>
    %swap3A_43 = arith.constant 0 : index
    %swap3A_44 = arith.constant 0 : index
    %swap3A_45 = vector.load %arg7[%swap3A_43, %swap3A_44] : memref<1000x128xf32, #tpu.memory_space<vmem>>, vector<1000x128xf32>
    tpu.vector_store %arg7[%swap3A_43, %swap3A_44], %mul3A_42 {strides = array<i32>} : memref<1000x128xf32, #tpu.memory_space<vmem>>, vector<1000x128xf32>,
    return
  }
  func.func @transform_0(%arg0: i32) -> (i32, i32, i32) {
    %c0_i32 = arith.constant 0 : i32
    %c0_i32_0 = arith.constant 0 : i32
    %c0_i32_1 = arith.constant 0 : i32
    return %c0_i32, %arg0, %c0_i32_0 : i32, i32, i32
  }
  func.func @transform_1(%arg0: i32) -> (i32, i32) {
    %c0_i32 = arith.constant 0 : i32
    %c0_i32_0 = arith.constant 0 : i32
    return %arg0, %c0_i32 : i32, i32
  }
  func.func @transform_2(%arg0: i32) -> (i32, i32, i32) {
    %c0_i32 = arith.constant 0 : i32
    %c0_i32_0 = arith.constant 0 : i32
    %c0_i32_1 = arith.constant 0 : i32
    return %c0_i32, %arg0, %c0_i32_0 : i32, i32, i32
  }
  func.func @transform_3(%arg0: i32) -> (i32, i32) {
    %c0_i32 = arith.constant 0 : i32
    %c0_i32_0 = arith.constant 0 : i32
    %c0_i32_1 = arith.constant 0 : i32
    return %c0_i32, %c0_i32_0 : i32, i32
  }
  func.func @transform_4(%arg0: i32) -> (i32, i32) {
    %c0_i32 = arith.constant 0 : i32
    %c0_i32_0 = arith.constant 0 : i32
    %c0_i32_1 = arith.constant 0 : i32
    return %c0_i32, %c0_i32_0 : i32, i32
  }
  func.func @transform_5(%arg0: i32) -> (i32, i32) {
    %c0_i32 = arith.constant 0 : i32
    %c0_i32_0 = arith.constant 0 : i32
    return %arg0, %c0_i32 : i32, i32
  }
  func.func @transform_6(%arg0: i32) -> (i32, i32) {
    %c0_i32 = arith.constant 0 : i32
    %c0_i32_0 = arith.constant 0 : i32
    return %arg0, %c0_i32 : i32, i32
  }
}

module attributes {stable_mosaic.version = 14 : i64} {
  func.func @_k1(%arg0: i32, %arg1: memref<1000x128xf32, #tpu.memory_space<vmem>>, %arg2: memref<128x128xf32, #tpu.memory_space<vmem>>, %arg3: memref<2x1000x1xf32, #tpu.memory_space<vmem>>, %arg4: memref<1000x128xf32, #tpu.memory_space<vmem>>) attributes {dimension_semantics = [#tpu.dimension_semantics<arbitrary>], iteration_bounds = array<i64: 10>, scalar_prefetch = 0 : i64, scratch_operands = 0 : i64, tpu.core_type = #tpu.core_type<tc>, window_params = [{transform_indices = @transform_0, window_bounds = array<i64: 1000, 128>}, {pipeline_mode = #tpu.pipeline_mode<synchronous>, transform_indices = @transform_1, window_bounds = array<i64: 128, 128>}, {transform_indices = @transform_2, window_bounds = array<i64: 2, 1000, 1>}, {transform_indices = @transform_3, window_bounds = array<i64: 1000, 128>}]} {
    %get3A = arith.constant 0 : index
    %get3A_0 = arith.constant 0 : index
    %get3A_1 = arith.constant 0 : index
    %get3A_2 = vector.load %arg3[%get3A, %get3A_0, %get3A_1] : memref<2x1000x1xf32, #tpu.memory_space<vmem>>, vector<1x1000x1xf32>
    %get3A_3 = vector.shape_cast %get3A_2 : vector<1x1000x1xf32> to vector<1000x1xf32>
    %get3A_4 = arith.constant 1 : index
    %get3A_5 = arith.constant 0 : index
    %get3A_6 = arith.constant 0 : index
    %get3A_7 = vector.load %arg3[%get3A_4, %get3A_5, %get3A_6] : memref<2x1000x1xf32, #tpu.memory_space<vmem>>, vector<1x1000x1xf32>
    %get3A_8 = vector.shape_cast %get3A_7 : vector<1x1000x1xf32> to vector<1000x1xf32>
    %add3A = arith.addf %get3A_3, %get3A_8 : vector<1000x1xf32>
    %add3A_9 = arith.constant 1.000000e+00 : f32
    %add3A_10 = vector.broadcast %add3A_9 : f32 to vector<1000x1xf32>
    %add3A_11 = arith.addf %add3A, %add3A_10 : vector<1000x1xf32>
    %rsqrt3A = math.rsqrt %add3A_11 : vector<1000x1xf32>
    %get3A_12 = arith.constant 0 : index
    %get3A_13 = arith.constant 0 : index
    %get3A_14 = vector.load %arg1[%get3A_12, %get3A_13] : memref<1000x128xf32, #tpu.memory_space<vmem>>, vector<1000x128xf32>
    %get3A_15 = arith.constant 0 : index
    %get3A_16 = arith.constant 0 : index
    %get3A_17 = vector.load %arg2[%get3A_15, %get3A_16] : memref<128x128xf32, #tpu.memory_space<vmem>>, vector<128x128xf32>
    %dot_general3A = arith.constant dense<0.000000e+00> : vector<1000x128xf32>
    %dot_general3A_18 = tpu.matmul %get3A_14, %get3A_17, %dot_general3A {dimension_numbers = #tpu.dot_dimension_numbers<[1], [0], [0], [1], [0, 0, 1, 1], [], []>, transpose_lhs_hint = false} : vector<1000x128xf32>, vector<128x128xf32>, vector<1000x128xf32> -> vector<1000x128xf32>
    %mul3A = vector.broadcast %rsqrt3A : vector<1000x1xf32> to vector<1000x128xf32>
    %mul3A_19 = arith.mulf %dot_general3A_18, %mul3A : vector<1000x128xf32>
    %swap3A = arith.constant 0 : index
    %swap3A_20 = arith.constant 0 : index
    %swap3A_21 = vector.load %arg4[%swap3A, %swap3A_20] : memref<1000x128xf32, #tpu.memory_space<vmem>>, vector<1000x128xf32>
    tpu.vector_store %arg4[%swap3A, %swap3A_20], %mul3A_19 {strides = array<i32>} : memref<1000x128xf32, #tpu.memory_space<vmem>>, vector<1000x128xf32>,
    return
  }
  func.func @transform_0(%arg0: i32) -> (i32, i32) {
    %c0_i32 = arith.constant 0 : i32
    %c0_i32_0 = arith.constant 0 : i32
    return %arg0, %c0_i32 : i32, i32
  }
  func.func @transform_1(%arg0: i32) -> (i32, i32) {
    %c0_i32 = arith.constant 0 : i32
    %c0_i32_0 = arith.constant 0 : i32
    %c0_i32_1 = arith.constant 0 : i32
    return %c0_i32, %c0_i32_0 : i32, i32
  }
  func.func @transform_2(%arg0: i32) -> (i32, i32, i32) {
    %c0_i32 = arith.constant 0 : i32
    %c0_i32_0 = arith.constant 0 : i32
    %c0_i32_1 = arith.constant 0 : i32
    return %c0_i32, %arg0, %c0_i32_0 : i32, i32, i32
  }
  func.func @transform_3(%arg0: i32) -> (i32, i32) {
    %c0_i32 = arith.constant 0 : i32
    %c0_i32_0 = arith.constant 0 : i32
    return %arg0, %c0_i32 : i32, i32
  }
}

module attributes {stable_mosaic.version = 14 : i64} {
  func.func @_k3(%arg0: i32, %arg1: memref<2x1000x128xf32, #tpu.memory_space<vmem>>, %arg2: memref<1000x128xf32, #tpu.memory_space<vmem>>, %arg3: memref<1000x128xf32, #tpu.memory_space<vmem>>, %arg4: memref<2x1000x1xf32, #tpu.memory_space<vmem>>, %arg5: memref<1x128xf32, #tpu.memory_space<vmem>>, %arg6: memref<128x512xf32, #tpu.memory_space<vmem>>, %arg7: memref<128x512xf32, #tpu.memory_space<vmem>>, %arg8: memref<1x512xf32, #tpu.memory_space<vmem>>, %arg9: memref<128x512xf32, #tpu.memory_space<vmem>>, %arg10: memref<128x512xf32, #tpu.memory_space<vmem>>, %arg11: memref<1x512xf32, #tpu.memory_space<vmem>>, %arg12: memref<1x128xf32, #tpu.memory_space<vmem>>, %arg13: memref<1x128xf32, #tpu.memory_space<vmem>>, %arg14: memref<1000x128xf32, #tpu.memory_space<vmem>>) attributes {dimension_semantics = [#tpu.dimension_semantics<arbitrary>], iteration_bounds = array<i64: 10>, scalar_prefetch = 0 : i64, scratch_operands = 0 : i64, tpu.core_type = #tpu.core_type<tc>, window_params = [{transform_indices = @transform_0, window_bounds = array<i64: 2, 1000, 128>}, {transform_indices = @transform_1, window_bounds = array<i64: 1000, 128>}, {transform_indices = @transform_2, window_bounds = array<i64: 1000, 128>}, {transform_indices = @transform_3, window_bounds = array<i64: 2, 1000, 1>}, {pipeline_mode = #tpu.pipeline_mode<synchronous>, transform_indices = @transform_4, window_bounds = array<i64: 1, 128>}, {pipeline_mode = #tpu.pipeline_mode<synchronous>, transform_indices = @transform_5, window_bounds = array<i64: 128, 512>}, {pipeline_mode = #tpu.pipeline_mode<synchronous>, transform_indices = @transform_6, window_bounds = array<i64: 128, 512>}, {pipeline_mode = #tpu.pipeline_mode<synchronous>, transform_indices = @transform_7, window_bounds = array<i64: 1, 512>}, {pipeline_mode = #tpu.pipeline_mode<synchronous>, transform_indices = @transform_8, window_bounds = array<i64: 128, 512>}, {pipeline_mode = #tpu.pipeline_mode<synchronous>, transform_indices = @transform_9, window_bounds = array<i64: 128, 512>}, {pipeline_mode = #tpu.pipeline_mode<synchronous>, transform_indices = @transform_10, window_bounds = array<i64: 1, 512>}, {pipeline_mode = #tpu.pipeline_mode<synchronous>, transform_indices = @transform_11, window_bounds = array<i64: 1, 128>}, {pipeline_mode = #tpu.pipeline_mode<synchronous>, transform_indices = @transform_12, window_bounds = array<i64: 1, 128>}, {transform_indices = @transform_13, window_bounds = array<i64: 1000, 128>}]} {
    %get3A = arith.constant 0 : index
    %get3A_0 = arith.constant 0 : index
    %get3A_1 = arith.constant 0 : index
    %get3A_2 = vector.load %arg4[%get3A, %get3A_0, %get3A_1] : memref<2x1000x1xf32, #tpu.memory_space<vmem>>, vector<1x1000x1xf32>
    %get3A_3 = vector.shape_cast %get3A_2 : vector<1x1000x1xf32> to vector<1000x1xf32>
    %get3A_4 = arith.constant 1 : index
    %get3A_5 = arith.constant 0 : index
    %get3A_6 = arith.constant 0 : index
    %get3A_7 = vector.load %arg4[%get3A_4, %get3A_5, %get3A_6] : memref<2x1000x1xf32, #tpu.memory_space<vmem>>, vector<1x1000x1xf32>
    %get3A_8 = vector.shape_cast %get3A_7 : vector<1x1000x1xf32> to vector<1000x1xf32>
    %add3A = arith.addf %get3A_3, %get3A_8 : vector<1000x1xf32>
    %add3A_9 = arith.constant 1.000000e+00 : f32
    %add3A_10 = vector.broadcast %add3A_9 : f32 to vector<1000x1xf32>
    %add3A_11 = arith.addf %add3A, %add3A_10 : vector<1000x1xf32>
    %rsqrt3A = math.rsqrt %add3A_11 : vector<1000x1xf32>
    %get3A_12 = arith.constant 0 : index
    %get3A_13 = arith.constant 0 : index
    %get3A_14 = vector.load %arg3[%get3A_12, %get3A_13] : memref<1000x128xf32, #tpu.memory_space<vmem>>, vector<1000x128xf32>
    %get3A_15 = arith.constant 0 : index
    %get3A_16 = arith.constant 0 : index
    %get3A_17 = arith.constant 0 : index
    %get3A_18 = vector.load %arg1[%get3A_15, %get3A_16, %get3A_17] : memref<2x1000x128xf32, #tpu.memory_space<vmem>>, vector<1x1000x128xf32>
    %get3A_19 = vector.shape_cast %get3A_18 : vector<1x1000x128xf32> to vector<1000x128xf32>
    %get3A_20 = arith.constant 1 : index
    %get3A_21 = arith.constant 0 : index
    %get3A_22 = arith.constant 0 : index
    %get3A_23 = vector.load %arg1[%get3A_20, %get3A_21, %get3A_22] : memref<2x1000x128xf32, #tpu.memory_space<vmem>>, vector<1x1000x128xf32>
    %get3A_24 = vector.shape_cast %get3A_23 : vector<1x1000x128xf32> to vector<1000x128xf32>
    %add3A_25 = arith.addf %get3A_19, %get3A_24 : vector<1000x128xf32>
    %get3A_26 = arith.constant 0 : index
    %get3A_27 = arith.constant 0 : index
    %get3A_28 = vector.load %arg2[%get3A_26, %get3A_27] : memref<1000x128xf32, #tpu.memory_space<vmem>>, vector<1000x128xf32>
    %add3A_29 = arith.addf %add3A_25, %get3A_28 : vector<1000x128xf32>
    %mul3A = vector.broadcast %rsqrt3A : vector<1000x1xf32> to vector<1000x128xf32>
    %mul3A_30 = arith.mulf %mul3A, %add3A_29 : vector<1000x128xf32>
    %get3A_31 = arith.constant 0 : index
    %get3A_32 = arith.constant 0 : index
    %get3A_33 = vector.load %arg5[%get3A_31, %get3A_32] : memref<1x128xf32, #tpu.memory_space<vmem>>, vector<1x128xf32>
    %add3A_34 = vector.broadcast %get3A_33 : vector<1x128xf32> to vector<1000x128xf32>
    %add3A_35 = arith.addf %mul3A_30, %add3A_34 : vector<1000x128xf32>
    %max3A = arith.constant 0.000000e+00 : f32
    %max3A_36 = vector.broadcast %max3A : f32 to vector<1000x128xf32>
    %max3A_37 = arith.maximumf %add3A_35, %max3A_36 : vector<1000x128xf32>
    %get3A_38 = arith.constant 0 : index
    %get3A_39 = arith.constant 0 : index
    %get3A_40 = vector.load %arg6[%get3A_38, %get3A_39] : memref<128x512xf32, #tpu.memory_space<vmem>>, vector<128x512xf32>
    %get3A_41 = arith.constant 0 : index
    %get3A_42 = arith.constant 0 : index
    %get3A_43 = vector.load %arg8[%get3A_41, %get3A_42] : memref<1x512xf32, #tpu.memory_space<vmem>>, vector<1x512xf32>
    %dot_general3A = arith.constant dense<0.000000e+00> : vector<1000x512xf32>
    %dot_general3A_44 = tpu.matmul %get3A_14, %get3A_40, %dot_general3A {dimension_numbers = #tpu.dot_dimension_numbers<[1], [0], [0], [1], [0, 0, 1, 1], [], []>, transpose_lhs_hint = false} : vector<1000x128xf32>, vector<128x512xf32>, vector<1000x512xf32> -> vector<1000x512xf32>
    %add3A_45 = vector.broadcast %get3A_43 : vector<1x512xf32> to vector<1000x512xf32>
    %add3A_46 = arith.addf %dot_general3A_44, %add3A_45 : vector<1000x512xf32>
    %slice3A = vector.extract_strided_slice %add3A_46 {offsets = [0, 0], sizes = [1000, 128], strides = [1, 1]} : vector<1000x512xf32> to vector<1000x128xf32>
    %logistic3A = arith.negf %slice3A : vector<1000x128xf32>
    %logistic3A_47 = math.exp %logistic3A : vector<1000x128xf32>
    %logistic3A_48 = arith.constant 1.000000e+00 : f32
    %logistic3A_49 = vector.broadcast %logistic3A_48 : f32 to vector<1000x128xf32>
    %logistic3A_50 = arith.addf %logistic3A_49, %logistic3A_47 : vector<1000x128xf32>
    %logistic3A_51 = arith.divf %logistic3A_49, %logistic3A_50 : vector<1000x128xf32>
    %slice3A_52 = vector.extract_strided_slice %add3A_46 {offsets = [0, 256], sizes = [1000, 128], strides = [1, 1]} : vector<1000x512xf32> to vector<1000x128xf32>
    %tanh3A = math.tanh %slice3A_52 : vector<1000x128xf32>
    %mul3A_53 = arith.mulf %logistic3A_51, %tanh3A : vector<1000x128xf32>
    %slice3A_54 = vector.extract_strided_slice %add3A_46 {offsets = [0, 384], sizes = [1000, 128], strides = [1, 1]} : vector<1000x512xf32> to vector<1000x128xf32>
    %logistic3A_55 = arith.negf %slice3A_54 : vector<1000x128xf32>
    %logistic3A_56 = math.exp %logistic3A_55 : vector<1000x128xf32>
    %logistic3A_57 = arith.constant 1.000000e+00 : f32
    %logistic3A_58 = vector.broadcast %logistic3A_57 : f32 to vector<1000x128xf32>
    %logistic3A_59 = arith.addf %logistic3A_58, %logistic3A_56 : vector<1000x128xf32>
    %logistic3A_60 = arith.divf %logistic3A_58, %logistic3A_59 : vector<1000x128xf32>
    %tanh3A_61 = math.tanh %mul3A_53 : vector<1000x128xf32>
    %mul3A_62 = arith.mulf %logistic3A_60, %tanh3A_61 : vector<1000x128xf32>
    %get3A_63 = arith.constant 0 : index
    %get3A_64 = arith.constant 0 : index
    %get3A_65 = vector.load %arg6[%get3A_63, %get3A_64] : memref<128x512xf32, #tpu.memory_space<vmem>>, vector<128x512xf32>
    %get3A_66 = arith.constant 0 : index
    %get3A_67 = arith.constant 0 : index
    %get3A_68 = vector.load %arg7[%get3A_66, %get3A_67] : memref<128x512xf32, #tpu.memory_space<vmem>>, vector<128x512xf32>
    %get3A_69 = arith.constant 0 : index
    %get3A_70 = arith.constant 0 : index
    %get3A_71 = vector.load %arg8[%get3A_69, %get3A_70] : memref<1x512xf32, #tpu.memory_space<vmem>>, vector<1x512xf32>
    %dot_general3A_72 = arith.constant dense<0.000000e+00> : vector<1000x512xf32>
    %dot_general3A_73 = tpu.matmul %max3A_37, %get3A_65, %dot_general3A_72 {dimension_numbers = #tpu.dot_dimension_numbers<[1], [0], [0], [1], [0, 0, 1, 1], [], []>, transpose_lhs_hint = false} : vector<1000x128xf32>, vector<128x512xf32>, vector<1000x512xf32> -> vector<1000x512xf32>
    %dot_general3A_74 = arith.constant dense<0.000000e+00> : vector<1000x512xf32>
    %dot_general3A_75 = tpu.matmul %mul3A_62, %get3A_68, %dot_general3A_74 {dimension_numbers = #tpu.dot_dimension_numbers<[1], [0], [0], [1], [0, 0, 1, 1], [], []>, transpose_lhs_hint = false} : vector<1000x128xf32>, vector<128x512xf32>, vector<1000x512xf32> -> vector<1000x512xf32>
    %add3A_76 = arith.addf %dot_general3A_73, %dot_general3A_75 : vector<1000x512xf32>
    %add3A_77 = vector.broadcast %get3A_71 : vector<1x512xf32> to vector<1000x512xf32>
    %add3A_78 = arith.addf %add3A_76, %add3A_77 : vector<1000x512xf32>
    %slice3A_79 = vector.extract_strided_slice %add3A_78 {offsets = [0, 128], sizes = [1000, 128], strides = [1, 1]} : vector<1000x512xf32> to vector<1000x128xf32>
    %logistic3A_80 = arith.negf %slice3A_79 : vector<1000x128xf32>
    %logistic3A_81 = math.exp %logistic3A_80 : vector<1000x128xf32>
    %logistic3A_82 = arith.constant 1.000000e+00 : f32
    %logistic3A_83 = vector.broadcast %logistic3A_82 : f32 to vector<1000x128xf32>
    %logistic3A_84 = arith.addf %logistic3A_83, %logistic3A_81 : vector<1000x128xf32>
    %logistic3A_85 = arith.divf %logistic3A_83, %logistic3A_84 : vector<1000x128xf32>
    %mul3A_86 = arith.mulf %logistic3A_85, %mul3A_53 : vector<1000x128xf32>
    %slice3A_87 = vector.extract_strided_slice %add3A_78 {offsets = [0, 0], sizes = [1000, 128], strides = [1, 1]} : vector<1000x512xf32> to vector<1000x128xf32>
    %logistic3A_88 = arith.negf %slice3A_87 : vector<1000x128xf32>
    %logistic3A_89 = math.exp %logistic3A_88 : vector<1000x128xf32>
    %logistic3A_90 = arith.constant 1.000000e+00 : f32
    %logistic3A_91 = vector.broadcast %logistic3A_90 : f32 to vector<1000x128xf32>
    %logistic3A_92 = arith.addf %logistic3A_91, %logistic3A_89 : vector<1000x128xf32>
    %logistic3A_93 = arith.divf %logistic3A_91, %logistic3A_92 : vector<1000x128xf32>
    %slice3A_94 = vector.extract_strided_slice %add3A_78 {offsets = [0, 256], sizes = [1000, 128], strides = [1, 1]} : vector<1000x512xf32> to vector<1000x128xf32>
    %tanh3A_95 = math.tanh %slice3A_94 : vector<1000x128xf32>
    %mul3A_96 = arith.mulf %logistic3A_93, %tanh3A_95 : vector<1000x128xf32>
    %add3A_97 = arith.addf %mul3A_86, %mul3A_96 : vector<1000x128xf32>
    %slice3A_98 = vector.extract_strided_slice %add3A_78 {offsets = [0, 384], sizes = [1000, 128], strides = [1, 1]} : vector<1000x512xf32> to vector<1000x128xf32>
    %logistic3A_99 = arith.negf %slice3A_98 : vector<1000x128xf32>
    %logistic3A_100 = math.exp %logistic3A_99 : vector<1000x128xf32>
    %logistic3A_101 = arith.constant 1.000000e+00 : f32
    %logistic3A_102 = vector.broadcast %logistic3A_101 : f32 to vector<1000x128xf32>
    %logistic3A_103 = arith.addf %logistic3A_102, %logistic3A_100 : vector<1000x128xf32>
    %logistic3A_104 = arith.divf %logistic3A_102, %logistic3A_103 : vector<1000x128xf32>
    %tanh3A_105 = math.tanh %add3A_97 : vector<1000x128xf32>
    %mul3A_106 = arith.mulf %logistic3A_104, %tanh3A_105 : vector<1000x128xf32>
    %get3A_107 = arith.constant 0 : index
    %get3A_108 = arith.constant 0 : index
    %get3A_109 = vector.load %arg9[%get3A_107, %get3A_108] : memref<128x512xf32, #tpu.memory_space<vmem>>, vector<128x512xf32>
    %get3A_110 = arith.constant 0 : index
    %get3A_111 = arith.constant 0 : index
    %get3A_112 = vector.load %arg11[%get3A_110, %get3A_111] : memref<1x512xf32, #tpu.memory_space<vmem>>, vector<1x512xf32>
    %dot_general3A_113 = arith.constant dense<0.000000e+00> : vector<1000x512xf32>
    %dot_general3A_114 = tpu.matmul %max3A_37, %get3A_109, %dot_general3A_113 {dimension_numbers = #tpu.dot_dimension_numbers<[1], [0], [0], [1], [0, 0, 1, 1], [], []>, transpose_lhs_hint = false} : vector<1000x128xf32>, vector<128x512xf32>, vector<1000x512xf32> -> vector<1000x512xf32>
    %add3A_115 = vector.broadcast %get3A_112 : vector<1x512xf32> to vector<1000x512xf32>
    %add3A_116 = arith.addf %dot_general3A_114, %add3A_115 : vector<1000x512xf32>
    %slice3A_117 = vector.extract_strided_slice %add3A_116 {offsets = [0, 0], sizes = [1000, 128], strides = [1, 1]} : vector<1000x512xf32> to vector<1000x128xf32>
    %logistic3A_118 = arith.negf %slice3A_117 : vector<1000x128xf32>
    %logistic3A_119 = math.exp %logistic3A_118 : vector<1000x128xf32>
    %logistic3A_120 = arith.constant 1.000000e+00 : f32
    %logistic3A_121 = vector.broadcast %logistic3A_120 : f32 to vector<1000x128xf32>
    %logistic3A_122 = arith.addf %logistic3A_121, %logistic3A_119 : vector<1000x128xf32>
    %logistic3A_123 = arith.divf %logistic3A_121, %logistic3A_122 : vector<1000x128xf32>
    %slice3A_124 = vector.extract_strided_slice %add3A_116 {offsets = [0, 256], sizes = [1000, 128], strides = [1, 1]} : vector<1000x512xf32> to vector<1000x128xf32>
    %tanh3A_125 = math.tanh %slice3A_124 : vector<1000x128xf32>
    %mul3A_126 = arith.mulf %logistic3A_123, %tanh3A_125 : vector<1000x128xf32>
    %slice3A_127 = vector.extract_strided_slice %add3A_116 {offsets = [0, 384], sizes = [1000, 128], strides = [1, 1]} : vector<1000x512xf32> to vector<1000x128xf32>
    %logistic3A_128 = arith.negf %slice3A_127 : vector<1000x128xf32>
    %logistic3A_129 = math.exp %logistic3A_128 : vector<1000x128xf32>
    %logistic3A_130 = arith.constant 1.000000e+00 : f32
    %logistic3A_131 = vector.broadcast %logistic3A_130 : f32 to vector<1000x128xf32>
    %logistic3A_132 = arith.addf %logistic3A_131, %logistic3A_129 : vector<1000x128xf32>
    %logistic3A_133 = arith.divf %logistic3A_131, %logistic3A_132 : vector<1000x128xf32>
    %tanh3A_134 = math.tanh %mul3A_126 : vector<1000x128xf32>
    %mul3A_135 = arith.mulf %logistic3A_133, %tanh3A_134 : vector<1000x128xf32>
    %get3A_136 = arith.constant 0 : index
    %get3A_137 = arith.constant 0 : index
    %get3A_138 = vector.load %arg9[%get3A_136, %get3A_137] : memref<128x512xf32, #tpu.memory_space<vmem>>, vector<128x512xf32>
    %get3A_139 = arith.constant 0 : index
    %get3A_140 = arith.constant 0 : index
    %get3A_141 = vector.load %arg10[%get3A_139, %get3A_140] : memref<128x512xf32, #tpu.memory_space<vmem>>, vector<128x512xf32>
    %get3A_142 = arith.constant 0 : index
    %get3A_143 = arith.constant 0 : index
    %get3A_144 = vector.load %arg11[%get3A_142, %get3A_143] : memref<1x512xf32, #tpu.memory_space<vmem>>, vector<1x512xf32>
    %dot_general3A_145 = arith.constant dense<0.000000e+00> : vector<1000x512xf32>
    %dot_general3A_146 = tpu.matmul %get3A_14, %get3A_138, %dot_general3A_145 {dimension_numbers = #tpu.dot_dimension_numbers<[1], [0], [0], [1], [0, 0, 1, 1], [], []>, transpose_lhs_hint = false} : vector<1000x128xf32>, vector<128x512xf32>, vector<1000x512xf32> -> vector<1000x512xf32>
    %dot_general3A_147 = arith.constant dense<0.000000e+00> : vector<1000x512xf32>
    %dot_general3A_148 = tpu.matmul %mul3A_135, %get3A_141, %dot_general3A_147 {dimension_numbers = #tpu.dot_dimension_numbers<[1], [0], [0], [1], [0, 0, 1, 1], [], []>, transpose_lhs_hint = false} : vector<1000x128xf32>, vector<128x512xf32>, vector<1000x512xf32> -> vector<1000x512xf32>
    %add3A_149 = arith.addf %dot_general3A_146, %dot_general3A_148 : vector<1000x512xf32>
    %add3A_150 = vector.broadcast %get3A_144 : vector<1x512xf32> to vector<1000x512xf32>
    %add3A_151 = arith.addf %add3A_149, %add3A_150 : vector<1000x512xf32>
    %slice3A_152 = vector.extract_strided_slice %add3A_151 {offsets = [0, 128], sizes = [1000, 128], strides = [1, 1]} : vector<1000x512xf32> to vector<1000x128xf32>
    %logistic3A_153 = arith.negf %slice3A_152 : vector<1000x128xf32>
    %logistic3A_154 = math.exp %logistic3A_153 : vector<1000x128xf32>
    %logistic3A_155 = arith.constant 1.000000e+00 : f32
    %logistic3A_156 = vector.broadcast %logistic3A_155 : f32 to vector<1000x128xf32>
    %logistic3A_157 = arith.addf %logistic3A_156, %logistic3A_154 : vector<1000x128xf32>
    %logistic3A_158 = arith.divf %logistic3A_156, %logistic3A_157 : vector<1000x128xf32>
    %mul3A_159 = arith.mulf %logistic3A_158, %mul3A_126 : vector<1000x128xf32>
    %slice3A_160 = vector.extract_strided_slice %add3A_151 {offsets = [0, 0], sizes = [1000, 128], strides = [1, 1]} : vector<1000x512xf32> to vector<1000x128xf32>
    %logistic3A_161 = arith.negf %slice3A_160 : vector<1000x128xf32>
    %logistic3A_162 = math.exp %logistic3A_161 : vector<1000x128xf32>
    %logistic3A_163 = arith.constant 1.000000e+00 : f32
    %logistic3A_164 = vector.broadcast %logistic3A_163 : f32 to vector<1000x128xf32>
    %logistic3A_165 = arith.addf %logistic3A_164, %logistic3A_162 : vector<1000x128xf32>
    %logistic3A_166 = arith.divf %logistic3A_164, %logistic3A_165 : vector<1000x128xf32>
    %slice3A_167 = vector.extract_strided_slice %add3A_151 {offsets = [0, 256], sizes = [1000, 128], strides = [1, 1]} : vector<1000x512xf32> to vector<1000x128xf32>
    %tanh3A_168 = math.tanh %slice3A_167 : vector<1000x128xf32>
    %mul3A_169 = arith.mulf %logistic3A_166, %tanh3A_168 : vector<1000x128xf32>
    %add3A_170 = arith.addf %mul3A_159, %mul3A_169 : vector<1000x128xf32>
    %slice3A_171 = vector.extract_strided_slice %add3A_151 {offsets = [0, 384], sizes = [1000, 128], strides = [1, 1]} : vector<1000x512xf32> to vector<1000x128xf32>
    %logistic3A_172 = arith.negf %slice3A_171 : vector<1000x128xf32>
    %logistic3A_173 = math.exp %logistic3A_172 : vector<1000x128xf32>
    %logistic3A_174 = arith.constant 1.000000e+00 : f32
    %logistic3A_175 = vector.broadcast %logistic3A_174 : f32 to vector<1000x128xf32>
    %logistic3A_176 = arith.addf %logistic3A_175, %logistic3A_173 : vector<1000x128xf32>
    %logistic3A_177 = arith.divf %logistic3A_175, %logistic3A_176 : vector<1000x128xf32>
    %tanh3A_178 = math.tanh %add3A_170 : vector<1000x128xf32>
    %mul3A_179 = arith.mulf %logistic3A_177, %tanh3A_178 : vector<1000x128xf32>
    %get3A_180 = arith.constant 0 : index
    %get3A_181 = arith.constant 0 : index
    %get3A_182 = vector.load %arg12[%get3A_180, %get3A_181] : memref<1x128xf32, #tpu.memory_space<vmem>>, vector<1x128xf32>
    %get3A_183 = arith.constant 0 : index
    %get3A_184 = arith.constant 0 : index
    %get3A_185 = vector.load %arg13[%get3A_183, %get3A_184] : memref<1x128xf32, #tpu.memory_space<vmem>>, vector<1x128xf32>
    %mul3A_186 = vector.broadcast %get3A_182 : vector<1x128xf32> to vector<1000x128xf32>
    %mul3A_187 = arith.mulf %mul3A_62, %mul3A_186 : vector<1000x128xf32>
    %reduce_sum3A = arith.constant dense<0.000000e+00> : vector<1000xf32>
    %reduce_sum3A_188 = vector.multi_reduction <add>, %mul3A_187, %reduce_sum3A [1] : vector<1000x128xf32> to vector<1000xf32>
    %broadcast_in_dim3A = vector.shape_cast %reduce_sum3A_188 : vector<1000xf32> to vector<1000x1xf32>
    %mul3A_189 = vector.broadcast %get3A_185 : vector<1x128xf32> to vector<1000x128xf32>
    %mul3A_190 = arith.mulf %mul3A_179, %mul3A_189 : vector<1000x128xf32>
    %reduce_sum3A_191 = arith.constant dense<0.000000e+00> : vector<1000xf32>
    %reduce_sum3A_192 = vector.multi_reduction <add>, %mul3A_190, %reduce_sum3A_191 [1] : vector<1000x128xf32> to vector<1000xf32>
    %broadcast_in_dim3A_193 = vector.shape_cast %reduce_sum3A_192 : vector<1000xf32> to vector<1000x1xf32>
    %add3A_194 = arith.addf %broadcast_in_dim3A, %broadcast_in_dim3A_193 : vector<1000x1xf32>
    %mul3A_195 = vector.broadcast %get3A_182 : vector<1x128xf32> to vector<1000x128xf32>
    %mul3A_196 = arith.mulf %mul3A_106, %mul3A_195 : vector<1000x128xf32>
    %reduce_sum3A_197 = arith.constant dense<0.000000e+00> : vector<1000xf32>
    %reduce_sum3A_198 = vector.multi_reduction <add>, %mul3A_196, %reduce_sum3A_197 [1] : vector<1000x128xf32> to vector<1000xf32>
    %broadcast_in_dim3A_199 = vector.shape_cast %reduce_sum3A_198 : vector<1000xf32> to vector<1000x1xf32>
    %mul3A_200 = vector.broadcast %get3A_185 : vector<1x128xf32> to vector<1000x128xf32>
    %mul3A_201 = arith.mulf %mul3A_135, %mul3A_200 : vector<1000x128xf32>
    %reduce_sum3A_202 = arith.constant dense<0.000000e+00> : vector<1000xf32>
    %reduce_sum3A_203 = vector.multi_reduction <add>, %mul3A_201, %reduce_sum3A_202 [1] : vector<1000x128xf32> to vector<1000xf32>
    %broadcast_in_dim3A_204 = vector.shape_cast %reduce_sum3A_203 : vector<1000xf32> to vector<1000x1xf32>
    %add3A_205 = arith.addf %broadcast_in_dim3A_199, %broadcast_in_dim3A_204 : vector<1000x1xf32>
    %max3A_206 = arith.maximumf %add3A_194, %add3A_205 : vector<1000x1xf32>
    %sub3A = arith.subf %add3A_194, %max3A_206 : vector<1000x1xf32>
    %exp3A = math.exp %sub3A : vector<1000x1xf32>
    %sub3A_207 = arith.subf %add3A_205, %max3A_206 : vector<1000x1xf32>
    %exp3A_208 = math.exp %sub3A_207 : vector<1000x1xf32>
    %mul3A_209 = vector.broadcast %exp3A : vector<1000x1xf32> to vector<1000x128xf32>
    %mul3A_210 = arith.mulf %mul3A_209, %get3A_14 : vector<1000x128xf32>
    %mul3A_211 = vector.broadcast %exp3A_208 : vector<1000x1xf32> to vector<1000x128xf32>
    %mul3A_212 = arith.mulf %mul3A_211, %max3A_37 : vector<1000x128xf32>
    %add3A_213 = arith.addf %mul3A_210, %mul3A_212 : vector<1000x128xf32>
    %add3A_214 = arith.addf %exp3A, %exp3A_208 : vector<1000x1xf32>
    %div3A = vector.broadcast %add3A_214 : vector<1000x1xf32> to vector<1000x128xf32>
    %div3A_215 = arith.divf %add3A_213, %div3A : vector<1000x128xf32>
    %mul3A_216 = vector.broadcast %rsqrt3A : vector<1000x1xf32> to vector<1000x128xf32>
    %mul3A_217 = arith.mulf %div3A_215, %mul3A_216 : vector<1000x128xf32>
    %swap3A = arith.constant 0 : index
    %swap3A_218 = arith.constant 0 : index
    %swap3A_219 = vector.load %arg14[%swap3A, %swap3A_218] : memref<1000x128xf32, #tpu.memory_space<vmem>>, vector<1000x128xf32>
    tpu.vector_store %arg14[%swap3A, %swap3A_218], %mul3A_217 {strides = array<i32>} : memref<1000x128xf32, #tpu.memory_space<vmem>>, vector<1000x128xf32>,
    return
  }
  func.func @transform_0(%arg0: i32) -> (i32, i32, i32) {
    %c0_i32 = arith.constant 0 : i32
    %c0_i32_0 = arith.constant 0 : i32
    %c0_i32_1 = arith.constant 0 : i32
    return %c0_i32, %arg0, %c0_i32_0 : i32, i32, i32
  }
  func.func @transform_1(%arg0: i32) -> (i32, i32) {
    %c0_i32 = arith.constant 0 : i32
    %c0_i32_0 = arith.constant 0 : i32
    return %arg0, %c0_i32 : i32, i32
  }
  func.func @transform_2(%arg0: i32) -> (i32, i32) {
    %c0_i32 = arith.constant 0 : i32
    %c0_i32_0 = arith.constant 0 : i32
    return %arg0, %c0_i32 : i32, i32
  }
  func.func @transform_3(%arg0: i32) -> (i32, i32, i32) {
    %c0_i32 = arith.constant 0 : i32
    %c0_i32_0 = arith.constant 0 : i32
    %c0_i32_1 = arith.constant 0 : i32
    return %c0_i32, %arg0, %c0_i32_0 : i32, i32, i32
  }
  func.func @transform_4(%arg0: i32) -> (i32, i32) {
    %c0_i32 = arith.constant 0 : i32
    %c0_i32_0 = arith.constant 0 : i32
    %c0_i32_1 = arith.constant 0 : i32
    return %c0_i32, %c0_i32_0 : i32, i32
  }
  func.func @transform_5(%arg0: i32) -> (i32, i32) {
    %c0_i32 = arith.constant 0 : i32
    %c0_i32_0 = arith.constant 0 : i32
    %c0_i32_1 = arith.constant 0 : i32
    return %c0_i32, %c0_i32_0 : i32, i32
  }
  func.func @transform_6(%arg0: i32) -> (i32, i32) {
    %c0_i32 = arith.constant 0 : i32
    %c0_i32_0 = arith.constant 0 : i32
    %c0_i32_1 = arith.constant 0 : i32
    return %c0_i32, %c0_i32_0 : i32, i32
  }
  func.func @transform_7(%arg0: i32) -> (i32, i32) {
    %c0_i32 = arith.constant 0 : i32
    %c0_i32_0 = arith.constant 0 : i32
    %c0_i32_1 = arith.constant 0 : i32
    return %c0_i32, %c0_i32_0 : i32, i32
  }
  func.func @transform_8(%arg0: i32) -> (i32, i32) {
    %c0_i32 = arith.constant 0 : i32
    %c0_i32_0 = arith.constant 0 : i32
    %c0_i32_1 = arith.constant 0 : i32
    return %c0_i32, %c0_i32_0 : i32, i32
  }
  func.func @transform_9(%arg0: i32) -> (i32, i32) {
    %c0_i32 = arith.constant 0 : i32
    %c0_i32_0 = arith.constant 0 : i32
    %c0_i32_1 = arith.constant 0 : i32
    return %c0_i32, %c0_i32_0 : i32, i32
  }
  func.func @transform_10(%arg0: i32) -> (i32, i32) {
    %c0_i32 = arith.constant 0 : i32
    %c0_i32_0 = arith.constant 0 : i32
    %c0_i32_1 = arith.constant 0 : i32
    return %c0_i32, %c0_i32_0 : i32, i32
  }
  func.func @transform_11(%arg0: i32) -> (i32, i32) {
    %c0_i32 = arith.constant 0 : i32
    %c0_i32_0 = arith.constant 0 : i32
    %c0_i32_1 = arith.constant 0 : i32
    return %c0_i32, %c0_i32_0 : i32, i32
  }
  func.func @transform_12(%arg0: i32) -> (i32, i32) {
    %c0_i32 = arith.constant 0 : i32
    %c0_i32_0 = arith.constant 0 : i32
    %c0_i32_1 = arith.constant 0 : i32
    return %c0_i32, %c0_i32_0 : i32, i32
  }
  func.func @transform_13(%arg0: i32) -> (i32, i32) {
    %c0_i32 = arith.constant 0 : i32
    %c0_i32_0 = arith.constant 0 : i32
    return %arg0, %c0_i32 : i32, i32
  }
}

module attributes {stable_mosaic.version = 14 : i64} {
  func.func @_k4(%arg0: i32, %arg1: memref<2x1000x128xf32, #tpu.memory_space<vmem>>, %arg2: memref<1000x128xf32, #tpu.memory_space<vmem>>, %arg3: memref<2x1000x1xf32, #tpu.memory_space<vmem>>, %arg4: memref<128x40xf32, #tpu.memory_space<vmem>>, %arg5: memref<1x40xf32, #tpu.memory_space<vmem>>, %arg6: memref<1000x40xf32, #tpu.memory_space<vmem>>) attributes {dimension_semantics = [#tpu.dimension_semantics<arbitrary>], iteration_bounds = array<i64: 10>, scalar_prefetch = 0 : i64, scratch_operands = 0 : i64, tpu.core_type = #tpu.core_type<tc>, window_params = [{transform_indices = @transform_0, window_bounds = array<i64: 2, 1000, 128>}, {transform_indices = @transform_1, window_bounds = array<i64: 1000, 128>}, {transform_indices = @transform_2, window_bounds = array<i64: 2, 1000, 1>}, {pipeline_mode = #tpu.pipeline_mode<synchronous>, transform_indices = @transform_3, window_bounds = array<i64: 128, 40>}, {pipeline_mode = #tpu.pipeline_mode<synchronous>, transform_indices = @transform_4, window_bounds = array<i64: 1, 40>}, {transform_indices = @transform_5, window_bounds = array<i64: 1000, 40>}]} {
    %get3A = arith.constant 0 : index
    %get3A_0 = arith.constant 0 : index
    %get3A_1 = arith.constant 0 : index
    %get3A_2 = vector.load %arg3[%get3A, %get3A_0, %get3A_1] : memref<2x1000x1xf32, #tpu.memory_space<vmem>>, vector<1x1000x1xf32>
    %get3A_3 = vector.shape_cast %get3A_2 : vector<1x1000x1xf32> to vector<1000x1xf32>
    %get3A_4 = arith.constant 1 : index
    %get3A_5 = arith.constant 0 : index
    %get3A_6 = arith.constant 0 : index
    %get3A_7 = vector.load %arg3[%get3A_4, %get3A_5, %get3A_6] : memref<2x1000x1xf32, #tpu.memory_space<vmem>>, vector<1x1000x1xf32>
    %get3A_8 = vector.shape_cast %get3A_7 : vector<1x1000x1xf32> to vector<1000x1xf32>
    %add3A = arith.addf %get3A_3, %get3A_8 : vector<1000x1xf32>
    %add3A_9 = arith.constant 1.000000e+00 : f32
    %add3A_10 = vector.broadcast %add3A_9 : f32 to vector<1000x1xf32>
    %add3A_11 = arith.addf %add3A, %add3A_10 : vector<1000x1xf32>
    %rsqrt3A = math.rsqrt %add3A_11 : vector<1000x1xf32>
    %get3A_12 = arith.constant 0 : index
    %get3A_13 = arith.constant 0 : index
    %get3A_14 = arith.constant 0 : index
    %get3A_15 = vector.load %arg1[%get3A_12, %get3A_13, %get3A_14] : memref<2x1000x128xf32, #tpu.memory_space<vmem>>, vector<1x1000x128xf32>
    %get3A_16 = vector.shape_cast %get3A_15 : vector<1x1000x128xf32> to vector<1000x128xf32>
    %get3A_17 = arith.constant 1 : index
    %get3A_18 = arith.constant 0 : index
    %get3A_19 = arith.constant 0 : index
    %get3A_20 = vector.load %arg1[%get3A_17, %get3A_18, %get3A_19] : memref<2x1000x128xf32, #tpu.memory_space<vmem>>, vector<1x1000x128xf32>
    %get3A_21 = vector.shape_cast %get3A_20 : vector<1x1000x128xf32> to vector<1000x128xf32>
    %add3A_22 = arith.addf %get3A_16, %get3A_21 : vector<1000x128xf32>
    %get3A_23 = arith.constant 0 : index
    %get3A_24 = arith.constant 0 : index
    %get3A_25 = vector.load %arg2[%get3A_23, %get3A_24] : memref<1000x128xf32, #tpu.memory_space<vmem>>, vector<1000x128xf32>
    %add3A_26 = arith.addf %add3A_22, %get3A_25 : vector<1000x128xf32>
    %mul3A = vector.broadcast %rsqrt3A : vector<1000x1xf32> to vector<1000x128xf32>
    %mul3A_27 = arith.mulf %mul3A, %add3A_26 : vector<1000x128xf32>
    %get3A_28 = arith.constant 0 : index
    %get3A_29 = arith.constant 0 : index
    %get3A_30 = vector.load %arg4[%get3A_28, %get3A_29] : memref<128x40xf32, #tpu.memory_space<vmem>>, vector<128x40xf32>
    %dot_general3A = arith.constant dense<0.000000e+00> : vector<1000x40xf32>
    %dot_general3A_31 = tpu.matmul %mul3A_27, %get3A_30, %dot_general3A {dimension_numbers = #tpu.dot_dimension_numbers<[1], [0], [0], [1], [0, 0, 1, 1], [], []>, transpose_lhs_hint = false} : vector<1000x128xf32>, vector<128x40xf32>, vector<1000x40xf32> -> vector<1000x40xf32>
    %get3A_32 = arith.constant 0 : index
    %get3A_33 = arith.constant 0 : index
    %get3A_34 = vector.load %arg5[%get3A_32, %get3A_33] : memref<1x40xf32, #tpu.memory_space<vmem>>, vector<1x40xf32>
    %add3A_35 = vector.broadcast %get3A_34 : vector<1x40xf32> to vector<1000x40xf32>
    %add3A_36 = arith.addf %dot_general3A_31, %add3A_35 : vector<1000x40xf32>
    %reduce_max3A = arith.constant dense<0xFF800000> : vector<1000xf32>
    %reduce_max3A_37 = vector.multi_reduction <maximumf>, %add3A_36, %reduce_max3A [1] : vector<1000x40xf32> to vector<1000xf32>
    %broadcast_in_dim3A = vector.shape_cast %reduce_max3A_37 : vector<1000xf32> to vector<1000x1xf32>
    %sub3A = vector.broadcast %broadcast_in_dim3A : vector<1000x1xf32> to vector<1000x40xf32>
    %sub3A_38 = arith.subf %add3A_36, %sub3A : vector<1000x40xf32>
    %exp3A = math.exp %sub3A_38 : vector<1000x40xf32>
    %reduce_sum3A = arith.constant dense<0.000000e+00> : vector<1000xf32>
    %reduce_sum3A_39 = vector.multi_reduction <add>, %exp3A, %reduce_sum3A [1] : vector<1000x40xf32> to vector<1000xf32>
    %broadcast_in_dim3A_40 = vector.shape_cast %reduce_sum3A_39 : vector<1000xf32> to vector<1000x1xf32>
    %log3A = math.log %broadcast_in_dim3A_40 : vector<1000x1xf32>
    %sub3A_41 = vector.broadcast %broadcast_in_dim3A : vector<1000x1xf32> to vector<1000x40xf32>
    %sub3A_42 = arith.subf %add3A_36, %sub3A_41 : vector<1000x40xf32>
    %sub3A_43 = vector.broadcast %log3A : vector<1000x1xf32> to vector<1000x40xf32>
    %sub3A_44 = arith.subf %sub3A_42, %sub3A_43 : vector<1000x40xf32>
    %swap3A = arith.constant 0 : index
    %swap3A_45 = arith.constant 0 : index
    %swap3A_46 = vector.load %arg6[%swap3A, %swap3A_45] : memref<1000x40xf32, #tpu.memory_space<vmem>>, vector<1000x40xf32>
    tpu.vector_store %arg6[%swap3A, %swap3A_45], %sub3A_44 {strides = array<i32>} : memref<1000x40xf32, #tpu.memory_space<vmem>>, vector<1000x40xf32>,
    return
  }
  func.func @transform_0(%arg0: i32) -> (i32, i32, i32) {
    %c0_i32 = arith.constant 0 : i32
    %c0_i32_0 = arith.constant 0 : i32
    %c0_i32_1 = arith.constant 0 : i32
    return %c0_i32, %arg0, %c0_i32_0 : i32, i32, i32
  }
  func.func @transform_1(%arg0: i32) -> (i32, i32) {
    %c0_i32 = arith.constant 0 : i32
    %c0_i32_0 = arith.constant 0 : i32
    return %arg0, %c0_i32 : i32, i32
  }
  func.func @transform_2(%arg0: i32) -> (i32, i32, i32) {
    %c0_i32 = arith.constant 0 : i32
    %c0_i32_0 = arith.constant 0 : i32
    %c0_i32_1 = arith.constant 0 : i32
    return %c0_i32, %arg0, %c0_i32_0 : i32, i32, i32
  }
  func.func @transform_3(%arg0: i32) -> (i32, i32) {
    %c0_i32 = arith.constant 0 : i32
    %c0_i32_0 = arith.constant 0 : i32
    %c0_i32_1 = arith.constant 0 : i32
    return %c0_i32, %c0_i32_0 : i32, i32
  }
  func.func @transform_4(%arg0: i32) -> (i32, i32) {
    %c0_i32 = arith.constant 0 : i32
    %c0_i32_0 = arith.constant 0 : i32
    %c0_i32_1 = arith.constant 0 : i32
    return %c0_i32, %c0_i32_0 : i32, i32
  }
  func.func @transform_5(%arg0: i32) -> (i32, i32) {
    %c0_i32 = arith.constant 0 : i32
    %c0_i32_0 = arith.constant 0 : i32
    return %arg0, %c0_i32 : i32, i32
  }
}

</mosaic_0001>

<sc_bundles>
// kernel: kernel.10.cloned.1.call-start
scs
__scs_entry_jumppad:
0x0: {  	(pc) =	sbr.rel $0x88, $3  }
0x1: {  	(tag) =	ssettag $0x0;
	lr =	simm.s32 $0x1  }
0x2: {  	[smem:$0x3F90] =	sst lr;
	_ =	strace $0xD0000000  }
0x3: {  	_ = 	snop  }
0x4: {  	_ = 	snop  }
0x5: {  	_ = 	snop  }
0x6: {  	_ = 	snop  }
0x7: {  	_ = 	snop  }
__scs_overlays_trampoline_lowered:
0x8: {  	[smem:$0x3F9F] =	sst s0  }
0x9: {  	[smem:$0x3FA0] =	sst s1  }
0xa: {  	[smem:$0x3FA1] =	sst s2  }
0xb: {  	[smem:$0x3FA2] =	sst s3  }
0xc: {  	[smem:$0x3FA3] =	sst s4  }
0xd: {  	[smem:$0x3FA4] =	sst s5  }
0xe: {  	[smem:$0x3FA5] =	sst s6  }
0xf: {  	[smem:$0x3FA6] =	sst s7  }
0x10: {  	[smem:$0x3FA7] =	sst s8  }
0x11: {  	[smem:$0x3FA8] =	sst s9;
	s0 =	simm.s32 @!p0 $0x0  }
0x12: {  	s1 =	sld [smem:$0x3F8E];
	s0 =	simm.s32 @p0 $0x1  }
0x13: {  	[smem:$0x3FA9] =	sst s0;
	s0 =	simm.s32 @!p1 $0x0  }
0x14: {  	s2 =	sld [smem:$0x3F8D];
	s0 =	simm.s32 @p1 $0x1  }
0x15: {  	[smem:$0x3FAA] =	sst s0;
	s0 =	simm.s32 @!p2 $0x0  }
0x16: {  	s3 =	sld [smem:$0x3FDB];
	s0 =	simm.s32 @p2 $0x1  }
0x17: {  	s4 =	simm.s32 $0x1BF5;
	[smem:$0x3FAC] =	sst s0  }
0x18: {  	s0 =	sld [smem:$0x3F8F];
	_ =	swait.ge [sflag:s4], $0x0  }
0x19: {  	s7 =	sld [smem:$0x3F90]  }
0x1a: {  	s8 =	sadd.s32 $0xFFFFE003, lr  }
0x1b: {  	s9 =	sadd.s32 $0xFFFFFEF7, lr;
	s5 =	simm.s32 $0xFFFFFFFF;
	p2 =	slt.u32 s8, $0xFFFFF086  }
0x1c: {  	p1 =	slt.u32 s9, $0xF7A;
	s5 =	simm.s32 @!p2 $0x0  }
0x1d: {  	s5 =	simm.s32 @p1 $0x1;
	p0 =	seq.s32 s7, s2  }
0x1e: {  	s7 =	smul.u32 @!p0 $0xF7A, s2;
	p2 =	seq.s32 @!p0 s5, $0x0  }
0x1f: {  	s9 =	smul.u32 $0xF7A, s1;
	s8 =	simm.s32 @!p0 $0x1BF5;
	p2 =	por !p2, p0  }
0x20: {  	[sflag:s8] =	ssyncset.s32 @!p0 $0xFFFFF086;
	s6 =	sadd.s32 @!p0 s3, s7;
	s7 =	simm.s32 @!p0 $0x108  }
0x21: {  	s3 =	sadd.s32 s3, s9;
	s6 =	sadd.s32 @!p0 $0x88, s6;
	s7 =	simm.s32 @p2 $0x1082  }
0x22: {  	[simem:s7], [sflag:s8] =	dma.local @!p0 [hbm:s6], $0xF7A  }
0x23: {  	s9 =	sor.u32 $0xD0000000, s2;
	s6 =	simm.s32 $0x108;
	_ =	swait.ge @!p0 [sflag:s8], $0x0  }
0x24: {  	s3 =	sadd.s32 $0x88, s3;
	s6 =	simm.s32 @!p1 $0x1082;
	[sflag:s4] =	ssyncset.s32 $0xFFFFF086  }
0x25: {  	[simem:s6], [sflag:s4] =	dma.local [hbm:s3], $0xF7A  }
0x26: {  	[smem:$0x3F90] =	sst s1;
	(tag) =	ssettag s2;
	_ =	strace s9  }
0x27: {  	s1 =	sld [smem:$0x3FA0]  }
0x28: {  	s2 =	sld [smem:$0x3FA1]  }
0x29: {  	s4 =	sld [smem:$0x3FA3]  }
0x2a: {  	p0 =	seq.s32 s5, $0x0;
	s5 =	sld [smem:$0x3FA4]  }
0x2b: {  	s6 =	sld [smem:$0x3FA5]  }
0x2c: {  	s7 =	sld [smem:$0x3FA6]  }
0x2d: {  	s3 =	simm.s32 $0x108;
	s8 =	sld [smem:$0x3FA7]  }
0x2e: {  	s3 =	simm.s32 @!p0 $0x1082;
	s9 =	sld [smem:$0x3FA8]  }
0x2f: {  	lr =	sadd.s32 s0, s3;
	s0 =	sld [smem:$0x3F9F]  }
0x30: {  	s3 =	sld [smem:$0x3FA2]  }
0x31: {  	[smem:$0x3FAB] =	sst s10  }
0x32: {  	s10 =	sld [smem:$0x3FA9];
	_ =	sdelay $0x3  }
0x33: {  	p0 =	seq.s32 s10, $0x1;
	s10 =	sld [smem:$0x3FAB];
	_ =	sdelay $0x3  }
0x34: {  	[smem:$0x3FAB] =	sst s10  }
0x35: {  	s10 =	sld [smem:$0x3FAA];
	_ =	sdelay $0x3  }
0x36: {  	p1 =	seq.s32 s10, $0x1;
	s10 =	sld [smem:$0x3FAB];
	_ =	sdelay $0x3  }
0x37: {  	[smem:$0x3FAB] =	sst s10  }
0x38: {  	s10 =	sld [smem:$0x3FAC]  }
0x39: {  	_ = 	snop;
	(pc) =	sbr.ind lr, $3  }
0x3a: {  	_ = 	snop  }
0x3b: {  	_ = 	snop  }
0x3c: {  	p2 =	seq.s32 s10, $0x1;
	s10 =	sld [smem:$0x3FAB]  }
0x3d: {  	_ =	shalt  }
0x3e: {  	_ =	shalt  }
0x3f: {  	_ =	shalt  }
0x40: {  	_ =	shalt  }
0x41: {  	_ =	shalt  }
0x42: {  	_ =	shalt  }
0x43: {  	_ =	shalt  }
0x44: {  	_ =	shalt  }
0x45: {  	_ =	shalt  }
0x46: {  	_ =	shalt  }
0x47: {  	_ =	shalt  }
0x48: {  	_ =	shalt  }
0x49: {  	_ =	shalt  }
0x4a: {  	_ =	shalt  }
0x4b: {  	_ =	shalt  }
0x4c: {  	_ =	shalt  }
0x4d: {  	_ =	shalt  }
0x4e: {  	_ =	shalt  }
0x4f: {  	_ =	shalt  }
0x50: {  	_ =	shalt  }
0x51: {  	_ =	shalt  }
0x52: {  	_ =	shalt  }
0x53: {  	_ =	shalt  }
0x54: {  	_ =	shalt  }
0x55: {  	_ =	shalt  }
0x56: {  	_ =	shalt  }
0x57: {  	_ =	shalt  }
0x58: {  	_ =	shalt  }
0x59: {  	_ =	shalt  }
0x5a: {  	_ =	shalt  }
0x5b: {  	_ =	shalt  }
0x5c: {  	_ =	shalt  }
0x5d: {  	_ =	shalt  }
0x5e: {  	_ =	shalt  }
0x5f: {  	_ =	shalt  }
0x60: {  	_ =	shalt  }
0x61: {  	_ =	shalt  }
0x62: {  	_ =	shalt  }
0x63: {  	_ =	shalt  }
0x64: {  	_ =	shalt  }
0x65: {  	_ =	shalt  }
0x66: {  	_ =	shalt  }
0x67: {  	_ =	shalt  }
0x68: {  	_ =	shalt  }
0x69: {  	_ =	shalt  }
0x6a: {  	_ =	shalt  }
0x6b: {  	_ =	shalt  }
0x6c: {  	_ =	shalt  }
0x6d: {  	_ =	shalt  }
0x6e: {  	_ =	shalt  }
0x6f: {  	_ =	shalt  }
0x70: {  	_ =	shalt  }
0x71: {  	_ =	shalt  }
0x72: {  	_ =	shalt  }
0x73: {  	_ =	shalt  }
0x74: {  	_ =	shalt  }
0x75: {  	_ =	shalt  }
0x76: {  	_ =	shalt  }
0x77: {  	_ =	shalt  }
0x78: {  	_ =	shalt  }
0x79: {  	_ =	shalt  }
0x7a: {  	_ =	shalt  }
0x7b: {  	_ =	shalt  }
0x7c: {  	_ =	shalt  }
0x7d: {  	_ =	shalt  }
0x7e: {  	_ =	shalt  }
0x7f: {  	_ =	shalt  }
0x80: {  	_ =	shalt  }
0x81: {  	_ =	shalt  }
0x82: {  	_ =	shalt  }
0x83: {  	_ =	shalt  }
0x84: {  	_ =	shalt  }
0x85: {  	_ =	shalt  }
0x86: {  	_ =	shalt  }
0x87: {  	_ =	shalt  }
.Lfunc_end0:
.L_simem_size_0:
called_computation_lowered:
.L_overlay_start_0:
0x88: {  	s2 =	sld [smem:$0x3FD9]  }
0x89: {  	s3 =	sld [smem:$0x3FFE];
	_ =	sdelay $0x1  }
0x8a: {  	s1 =	srdreg.scid  }
0x8b: {  	s0 =	sand.u32 $0x1, s1  }
0x8c: {  	s17 =	sshll.u32 s0, $0xA;
	s2 =	sadd.s32 s3, s2  }
0x8d: {  	s2 =	sadd.s32 s2, s17  }
0x8e: {  	[smem:$0x3FB7] =	sst s2  }
0x8f: {  	_ = 	snop  }
0x90: {  	s2 =	sld [smem:$0x3FD0];
	(tm) =	ssettm $0x1  }
0x91: {  	s18 =	sld [smem:$0x3FFB];
	_ =	sdelay $0x3  }
0x92: {  	_ =	strace s18  }
0x93: {  	s3 =	sld [smem:$0x3FFC];
	_ =	sdelay $0x3  }
0x94: {  	_ =	strace s3  }
0x95: {  	s3 =	sld [smem:$0x3FFD];
	_ =	sdelay $0x3  }
0x96: {  	_ =	strace s3  }
0x97: {  	_ =	strace $0x8FFFFFFF  }
0x98: {  	s19 =	sld [smem:$0x3FDB];
	_ =	sdelay $0x1  }
0x99: {  	s4 =	simm.s32 $_scs_section_size  }
0x9a: {  	s5 =	simm.s32 $_size__tile_overlayer_lowered;
	s6 =	simm.s32 $_tile_overlayer_lowered  }
0x9b: {  	s22 =	simm.s32 $0x1BFF;
	s21 =	sshll.u32 s6, $0x1;
	s3 =	sadd.s32 s4, s19  }
0x9c: {  	s7 =	simm.s32 $0x0;
	s20 =	sshll.u32 s5, $0x1;
	s5 =	sadd.s32 s21, s3  }
0x9d: {  	[timem:s7], [sflag:s22] =	dma.local [hbm:s5], s20  }
0x9e: {  	_ =	swait.ge [sflag:s22], s20  }
0x9f: {  	s4 =	ssub.s32 $0x0, s20;
	[sflag:s22] =	ssyncset.done $0x0  }
0xa0: {  	[sflag:s22] =	ssyncadd.s32 s4;
	_ =	sdelay $0x1  }
0xa1: {  	s23 =	simm.s32 $0x1B8B  }
0xa2: {  	_ =	swait.ge [sflag:s23], $0x1  }
0xa3: {  	[sflag:s23] =	ssyncset.done $0x0  }
0xa4: {  	s25 =	simm.s32 $0x1B8E;
	s24 =	sld [smem:$0x3FFE];
	[sflag:s23] =	ssyncadd.s32 $0xFFFFFFFF  }
0xa5: {  	s26 =	simm.s32 $execute0_lowered;
	[smem:$0x3FD2] =	sst s25  }
0xa6: {  	s5 =	sshll.u32 s26, $0x1;
	_ =	strace $0x80000046;
	[dreg:$0x1] =	wrdreg $0xFFFFFFFF  }
0xa7: {  	s28 =	simm.s32 $_size_execute0_lowered;
	s3 =	sadd.s32 s3, s5;
	[dreg:$0x0] =	wrdreg $0x0  }
0xa8: {  	s5 =	sshll.u32 s28, $0x1;
	[dreg:$0x2] =	wrdreg s3  }
0xa9: {  	[dreg:$0x3] =	wrdreg s5  }
0xaa: {  	[dreg:$0x4] =	wrdreg $0xC0  }
0xab: {  	_ =	task [dreg:s7], $0x5FFFF  }
0xac: {  	[dreg:$0x1] =	wrdreg $0xFFFFFFFF  }
0xad: {  	[dreg:$0x0] =	wrdreg $0x60  }
0xae: {  	[dreg:$0x2] =	wrdreg s2  }
0xaf: {  	[dreg:$0x3] =	wrdreg s24  }
0xb0: {  	[dreg:$0x4] =	wrdreg $0x28800  }
0xb1: {  	[dreg:$0x5] =	wrdreg $0x9  }
0xb2: {  	_ =	task.clear_ibuf [dreg:s7], $0x6FFFF;
	_ =	strace $0x90000046  }
0xb3: {  	s29 =	simm.s32 $0x9;
	_ =	strace $0x80000048  }
0xb4: {  	_ =	swait.ge [sflag:s29], $0x1  }
0xb5: {  	[sflag:s29] =	ssyncadd.s32 $0xFFFFFFFF  }
0xb6: {  	_ =	strace $0x90000048  }
0xb7: {  	_ =	sfence  }
0xb8: {  	s30 =	sld [smem:$0x0];
	_ =	sdelay $0x2  }
0xb9: {  	s31 =	sshll.u32 s1, $0xD;
	s1 =	sshrl.u32 s1, $0x2  }
0xba: {  	s3 =	sand.u32 $0x4000, s31;
	s1 =	sadd.s32 s1, s30  }
0xbb: {  	s0 =	sor.u32 s3, s0;
	s1 =	sshll.u32 s1, $0x11  }
0xbc: {  	s0 =	sor.u32 s1, s0  }
0xbd: {  	s0 =	sadd.s32 $0x8F2B, s0  }
0xbe: {  	[sflag:s0] =	ssyncadd.remote.s32 $0x1  }
0xbf: {  	_ =	sfence.sel $0xFFFF  }
0xc0: {  	[dreg:$0x0] =	wrdreg $0xFFFFFFFF;
	(pc) =	sbr.abs _section_cstart, $3  }
0xc1: {  	[dreg:$0x1] =	wrdreg $0xFFFFFFFF  }
0xc2: {  	_ =	task.clear_ibuf [dreg:s7], $0x2FFFF;
	_ =	strace $0x9FFFFFFF  }
0xc3: {  	(tm) =	ssettm $0x7FFFFFFF  }
tec
execute0_lowered:
.L_overlay_start_1:
0x0: {  	(tag) =	ssettag $0x1  }
0x1: {  	s7 =	rddreg [dreg:$0x0]  }
0x2: {  	s5 =	rddreg [dreg:$0x1]  }
0x3: {  	s2 =	rddreg [dreg:$0x2]  }
0x4: {  	s0 =	rddreg [dreg:$0x3]  }
0x5: {  	s1 =	stileid.u32;
	s4 =	srdreg.scid;
	s3 =	simm.s32 $0x0  }
0x6: {  	s14 =	simm.s32 $0x2780;
	s15 =	simm.s32 $0x0;
	s6 =	smul.u32 $0x280, s1  }
0x7: {  	s8 =	sand.u32 $0x1, s4;
	[smem:$0x7FF] =	sst s3;
	s4 =	sadd.s32 $0x4E00, s5  }
0x8: {  	s12 =	sshll.u32 s1, $0x1;
	s31 =	sshll.u32 s1, $0x6;
	s9 =	smul.u32 $0x2800, s8  }
0x9: {  	_ =	strace $0x80000047;
	s11 =	ssub.s32 $0x2, s8;
	s8 =	sor.u32 s8, s12  }
0xa: {  	s12 =	simm.s32 $0x2800;
	s10 =	sshrl.u32 s6, $0x3;
	s30 =	sshrl.u32 s11, $0x1  }
0xb: {  	s8 =	smul.u32 $0x4E2, s8;
	s13 =	sadd.s32 s6, s2;
	s9 =	sadd.s32 s6, s9  }
0xc: {  	s10 =	sadd.s32 s10, s5;
	s11 =	ssub.s32 s11, s30;
	s9 =	sshrl.u32 s9, $0x3  }
0xd: {  	s6 =	sor.u32 $0x1C01, s31;
	s7 =	sadd.s32 s7, s8;
	s9 =	sadd.s32 s9, s5  }
0xe: {  	s5 =	sadd.s32 $0x4800, s10;
	s10 =	sshrl.u32 s13, $0x3;
	s13 =	simm.s32 $0x50  }
0xf: {  	s8 =	sadd.s32 $0x5000, s9;
	s9 =	smax.u32 s11, $0x1;
	s11 =	simm.s32 $0x1  }
.LBB2_1:
0x10: {  	[spmem:s10], [sflag:s6] =	dma.local [hbm:s5], $0x50  }
0x11: {  	_ =	swait.ge [sflag:s11], $0x50  }
0x12: {  	[sflag:s11] =	ssyncset.done $0x0  }
0x13: {  	[sflag:s11] =	ssyncadd.s32 $0xFFFFFFB0  }
0x14: {  	[tilespmem:s3], [sflag:$0x1] =	stream.linear.gather [hbm4b:s7+s3], $0x2710, $0x38;
	[tilespmem:$0x2B00] =	vst v63  }
0x15: {  	_ =	swait.ge [sflag:s11], $0x2710  }
0x16: {  	[sflag:s11] =	ssyncset.done $0x0  }
0x17: {  	[sflag:s11] =	ssyncadd.s32 $0xFFFFD8F0  }
0x18: {  	[tilespmem:s12], [sflag:$0x1] =	stream.linear.gather [hbm4b:s4+s3], $0x80, $0x38;
	[tilespmem:$0x2B00] =	vst v63  }
0x19: {  	_ =	swait.ge [sflag:s11], $0x80  }
0x1a: {  	[sflag:s11] =	ssyncset.done $0x0  }
0x1b: {  	[sflag:s11] =	ssyncadd.s32 $0xFFFFFF80  }
0x1c: {  	s16 =	simm.s32 $0x0;
	[bflag:$0x0] =	sbarrier.arrive $0xFFFF  }
0x1d: {  	v0 =	vld [tilespmem:s16+$0x0];
	_ =	sdelay $0x4  }
0x1e: {  	[tilespmem:$0x2780] =	vst v0  }
0x1f: {  	v0 =	vld [tilespmem:s16+$0x10];
	_ =	sdelay $0x4  }
0x20: {  	[tilespmem:$0x2790] =	vst v0  }
0x21: {  	v0 =	vld [tilespmem:s16+$0x20];
	_ =	sdelay $0x4  }
0x22: {  	[tilespmem:$0x27A0] =	vst v0  }
0x23: {  	v0 =	vld [tilespmem:s16+$0x30];
	_ =	sdelay $0x4  }
0x24: {  	[tilespmem:$0x27B0] =	vst v0  }
0x25: {  	v0 =	vld [tilespmem:s16+$0x40];
	_ =	sdelay $0x4  }
0x26: {  	[tilespmem:$0x27C0] =	vst v0  }
0x27: {  	[spmem:s2] =	stream.indirect.scatter.add.f32 [tilespmem:s12], [sflag:$0x1], $0x1, s14, s13, $0xb8;
	[tilespmem:$0x2B00] =	vst v63  }
0x28: {  	_ =	swait.ge [sflag:s11], $0x50  }
0x29: {  	s17 =	simm.s32 $0x280;
	s16 =	simm.s32 $0x140;
	[sflag:s11] =	ssyncset.done $0x0  }
.LBB2_2:
0x2a: {  	s18 =	sshra.s32 s16, $0x2  }
0x2b: {  	[sflag:s11] =	ssyncadd.s32 $0xFFFFFFB0;
	s16 =	smov.u32 s17;
	s19 =	sadd.s32 $0x140, s17  }
0x2c: {  	p0 =	sne.s32 s17, $0x9B00;
	v0 =	vld [tilespmem:s18+$0x0];
	_ =	sdelay $0x4  }
0x2d: {  	[tilespmem:$0x2780] =	vst v0  }
0x2e: {  	v0 =	vld [tilespmem:s18+$0x10];
	_ =	sdelay $0x4  }
0x2f: {  	[tilespmem:$0x2790] =	vst v0  }
0x30: {  	v0 =	vld [tilespmem:s18+$0x20];
	_ =	sdelay $0x4  }
0x31: {  	[tilespmem:$0x27A0] =	vst v0  }
0x32: {  	v0 =	vld [tilespmem:s18+$0x30];
	_ =	sdelay $0x4  }
0x33: {  	[tilespmem:$0x27B0] =	vst v0  }
0x34: {  	v0 =	vld [tilespmem:s18+$0x40];
	_ =	sdelay $0x3  }
.Ltmp0:
0x35: {  	(pc) =	sbr.rel @p0 .LBB2_2-.Ltmp0, $4  }
0x36: {  	[tilespmem:$0x27C0] =	vst v0  }
0x37: {  	[spmem:s2] =	stream.indirect.scatter.add.f32 [tilespmem:s12], [sflag:$0x1], $0x1, s14, s13, $0xb8;
	[tilespmem:$0x2B00] =	vst v63  }
0x38: {  	_ =	swait.ge [sflag:s11], $0x50  }
0x39: {  	s17 =	smov.u32 s19;
	[sflag:s11] =	ssyncset.done $0x0  }
0x3a: {  	s16 =	sshra.s32 s16, $0x2;
	[sflag:s11] =	ssyncadd.s32 $0xFFFFFFB0  }
0x3b: {  	v0 =	vld [tilespmem:s16+$0x0];
	_ =	sdelay $0x4  }
0x3c: {  	[tilespmem:$0x2780] =	vst v0  }
0x3d: {  	v0 =	vld [tilespmem:s16+$0x10];
	_ =	sdelay $0x4  }
0x3e: {  	[tilespmem:$0x2790] =	vst v0  }
0x3f: {  	v0 =	vld [tilespmem:s16+$0x20];
	_ =	sdelay $0x4  }
0x40: {  	[tilespmem:$0x27A0] =	vst v0  }
0x41: {  	v0 =	vld [tilespmem:s16+$0x30];
	_ =	sdelay $0x4  }
0x42: {  	[tilespmem:$0x27B0] =	vst v0  }
0x43: {  	v0 =	vld [tilespmem:s16+$0x40];
	_ =	sdelay $0x4  }
0x44: {  	[tilespmem:$0x27C0] =	vst v0  }
0x45: {  	[spmem:s2] =	stream.indirect.scatter.add.f32 [tilespmem:s12], [sflag:$0x1], $0x1, s14, s13, $0xb8;
	[tilespmem:$0x2B00] =	vst v63  }
0x46: {  	_ =	swait.ge [sflag:s11], $0x50  }
0x47: {  	s15 =	sadd.s32 $0x1, s15;
	[sflag:s11] =	ssyncset.done $0x0  }
0x48: {  	p0 =	sne.s32 s15, s9;
	[sflag:s11] =	ssyncadd.s32 $0xFFFFFFB0  }
.Ltmp1:
0x49: {  	[bflag:$0x0] =	sbarrier.arrive $0xFFFF;
	(pc) =	sbr.rel @p0 .LBB2_1-.Ltmp1, $4  }
0x4a: {  	[hbm:s8], [sflag:s6] =	dma.local [spmem:s10], $0x50  }
0x4b: {  	_ =	swait.ge [sflag:s11], $0x50  }
0x4c: {  	[sflag:s11] =	ssyncset.done $0x0  }
0x4d: {  	[sflag:s11] =	ssyncadd.s32 $0xFFFFFFB0  }
0x4e: {  	_ =	sfence.sel $0x180000  }
0x4f: {  	[bflag:$0x0] =	sbarrier.arrive $0xFFFF  }
0x50: {  	p0 =	sne.s32 s1, $0x0;
	_ =	strace $0x90000047  }
0x51: {  	s0 =	sadd.s32 @!p0 $0x100000, s0;
	[bflag:$0x2] =	sbarrier.arrive $0xFFFF  }
0x52: {  	[sflag:s0] =	ssyncadd.tile.s32 @!p0 $0x1;
	_ =	shalt  }
.Lfunc_end2:
_tile_overlayer_lowered:
.L_overlay_start_2:
0x53: {  	(tag) =	ssettag $0x2  }
0x54: {  	s0 =	rddreg [dreg:$0x0];
	s2 =	stileid.u32  }
0x55: {  	s1 =	rddreg [dreg:$0x1];
	p0 =	sne.s32 s2, $0x0  }
0x56: {  	s3 =	rddreg [dreg:$0x2];
	[bflag:$0x3] =	sbarrier.arrive $0xFFFF;
	s2 =	simm.s32 @!p0 $0x1C01  }
0x57: {  	[timem:s3], [sflag:s2] =	dma.local @!p0 [hbm:s0], s1  }
0x58: {  	s0 =	simm.s32 @!p0 $0x1  }
0x59: {  	_ =	swait.ge @!p0 [sflag:s0], s1  }
0x5a: {  	s1 =	ssub.s32 @!p0 $0x0, s1;
	[sflag:s0] =	ssyncset.done @!p0 $0x0  }
0x5b: {  	[sflag:s0] =	ssyncadd.s32 @!p0 s1  }
0x5c: {  	[bflag:$0x3] =	sbarrier.arrive $0xFFFF  }
0x5d: {  	_ =	shalt  }

// kernel: kernel.13.cloned.1.call-start
scs
__scs_entry_jumppad:
0x0: {  	(pc) =	sbr.rel $0x88, $3  }
0x1: {  	(tag) =	ssettag $0x0;
	lr =	simm.s32 $0x1  }
0x2: {  	[smem:$0x3F90] =	sst lr;
	_ =	strace $0xD0000000  }
0x3: {  	_ = 	snop  }
0x4: {  	_ = 	snop  }
0x5: {  	_ = 	snop  }
0x6: {  	_ = 	snop  }
0x7: {  	_ = 	snop  }
__scs_overlays_trampoline_lowered:
0x8: {  	[smem:$0x3F9F] =	sst s0  }
0x9: {  	[smem:$0x3FA0] =	sst s1  }
0xa: {  	[smem:$0x3FA1] =	sst s2  }
0xb: {  	[smem:$0x3FA2] =	sst s3  }
0xc: {  	[smem:$0x3FA3] =	sst s4  }
0xd: {  	[smem:$0x3FA4] =	sst s5  }
0xe: {  	[smem:$0x3FA5] =	sst s6  }
0xf: {  	[smem:$0x3FA6] =	sst s7  }
0x10: {  	[smem:$0x3FA7] =	sst s8  }
0x11: {  	[smem:$0x3FA8] =	sst s9;
	s0 =	simm.s32 @!p0 $0x0  }
0x12: {  	s1 =	sld [smem:$0x3F8E];
	s0 =	simm.s32 @p0 $0x1  }
0x13: {  	[smem:$0x3FA9] =	sst s0;
	s0 =	simm.s32 @!p1 $0x0  }
0x14: {  	s2 =	sld [smem:$0x3F8D];
	s0 =	simm.s32 @p1 $0x1  }
0x15: {  	[smem:$0x3FAA] =	sst s0;
	s0 =	simm.s32 @!p2 $0x0  }
0x16: {  	s3 =	sld [smem:$0x3FDB];
	s0 =	simm.s32 @p2 $0x1  }
0x17: {  	s4 =	simm.s32 $0x1BF5;
	[smem:$0x3FAC] =	sst s0  }
0x18: {  	s0 =	sld [smem:$0x3F8F];
	_ =	swait.ge [sflag:s4], $0x0  }
0x19: {  	s7 =	sld [smem:$0x3F90]  }
0x1a: {  	s8 =	sadd.s32 $0xFFFFE003, lr  }
0x1b: {  	s9 =	sadd.s32 $0xFFFFFEF7, lr;
	s5 =	simm.s32 $0xFFFFFFFF;
	p2 =	slt.u32 s8, $0xFFFFF086  }
0x1c: {  	p1 =	slt.u32 s9, $0xF7A;
	s5 =	simm.s32 @!p2 $0x0  }
0x1d: {  	s5 =	simm.s32 @p1 $0x1;
	p0 =	seq.s32 s7, s2  }
0x1e: {  	s7 =	smul.u32 @!p0 $0xF7A, s2;
	p2 =	seq.s32 @!p0 s5, $0x0  }
0x1f: {  	s9 =	smul.u32 $0xF7A, s1;
	s8 =	simm.s32 @!p0 $0x1BF5;
	p2 =	por !p2, p0  }
0x20: {  	[sflag:s8] =	ssyncset.s32 @!p0 $0xFFFFF086;
	s6 =	sadd.s32 @!p0 s3, s7;
	s7 =	simm.s32 @!p0 $0x108  }
0x21: {  	s3 =	sadd.s32 s3, s9;
	s6 =	sadd.s32 @!p0 $0x88, s6;
	s7 =	simm.s32 @p2 $0x1082  }
0x22: {  	[simem:s7], [sflag:s8] =	dma.local @!p0 [hbm:s6], $0xF7A  }
0x23: {  	s9 =	sor.u32 $0xD0000000, s2;
	s6 =	simm.s32 $0x108;
	_ =	swait.ge @!p0 [sflag:s8], $0x0  }
0x24: {  	s3 =	sadd.s32 $0x88, s3;
	s6 =	simm.s32 @!p1 $0x1082;
	[sflag:s4] =	ssyncset.s32 $0xFFFFF086  }
0x25: {  	[simem:s6], [sflag:s4] =	dma.local [hbm:s3], $0xF7A  }
0x26: {  	[smem:$0x3F90] =	sst s1;
	(tag) =	ssettag s2;
	_ =	strace s9  }
0x27: {  	s1 =	sld [smem:$0x3FA0]  }
0x28: {  	s2 =	sld [smem:$0x3FA1]  }
0x29: {  	s4 =	sld [smem:$0x3FA3]  }
0x2a: {  	p0 =	seq.s32 s5, $0x0;
	s5 =	sld [smem:$0x3FA4]  }
0x2b: {  	s6 =	sld [smem:$0x3FA5]  }
0x2c: {  	s7 =	sld [smem:$0x3FA6]  }
0x2d: {  	s3 =	simm.s32 $0x108;
	s8 =	sld [smem:$0x3FA7]  }
0x2e: {  	s3 =	simm.s32 @!p0 $0x1082;
	s9 =	sld [smem:$0x3FA8]  }
0x2f: {  	lr =	sadd.s32 s0, s3;
	s0 =	sld [smem:$0x3F9F]  }
0x30: {  	s3 =	sld [smem:$0x3FA2]  }
0x31: {  	[smem:$0x3FAB] =	sst s10  }
0x32: {  	s10 =	sld [smem:$0x3FA9];
	_ =	sdelay $0x3  }
0x33: {  	p0 =	seq.s32 s10, $0x1;
	s10 =	sld [smem:$0x3FAB];
	_ =	sdelay $0x3  }
0x34: {  	[smem:$0x3FAB] =	sst s10  }
0x35: {  	s10 =	sld [smem:$0x3FAA];
	_ =	sdelay $0x3  }
0x36: {  	p1 =	seq.s32 s10, $0x1;
	s10 =	sld [smem:$0x3FAB];
	_ =	sdelay $0x3  }
0x37: {  	[smem:$0x3FAB] =	sst s10  }
0x38: {  	s10 =	sld [smem:$0x3FAC]  }
0x39: {  	_ = 	snop;
	(pc) =	sbr.ind lr, $3  }
0x3a: {  	_ = 	snop  }
0x3b: {  	_ = 	snop  }
0x3c: {  	p2 =	seq.s32 s10, $0x1;
	s10 =	sld [smem:$0x3FAB]  }
0x3d: {  	_ =	shalt  }
0x3e: {  	_ =	shalt  }
0x3f: {  	_ =	shalt  }
0x40: {  	_ =	shalt  }
0x41: {  	_ =	shalt  }
0x42: {  	_ =	shalt  }
0x43: {  	_ =	shalt  }
0x44: {  	_ =	shalt  }
0x45: {  	_ =	shalt  }
0x46: {  	_ =	shalt  }
0x47: {  	_ =	shalt  }
0x48: {  	_ =	shalt  }
0x49: {  	_ =	shalt  }
0x4a: {  	_ =	shalt  }
0x4b: {  	_ =	shalt  }
0x4c: {  	_ =	shalt  }
0x4d: {  	_ =	shalt  }
0x4e: {  	_ =	shalt  }
0x4f: {  	_ =	shalt  }
0x50: {  	_ =	shalt  }
0x51: {  	_ =	shalt  }
0x52: {  	_ =	shalt  }
0x53: {  	_ =	shalt  }
0x54: {  	_ =	shalt  }
0x55: {  	_ =	shalt  }
0x56: {  	_ =	shalt  }
0x57: {  	_ =	shalt  }
0x58: {  	_ =	shalt  }
0x59: {  	_ =	shalt  }
0x5a: {  	_ =	shalt  }
0x5b: {  	_ =	shalt  }
0x5c: {  	_ =	shalt  }
0x5d: {  	_ =	shalt  }
0x5e: {  	_ =	shalt  }
0x5f: {  	_ =	shalt  }
0x60: {  	_ =	shalt  }
0x61: {  	_ =	shalt  }
0x62: {  	_ =	shalt  }
0x63: {  	_ =	shalt  }
0x64: {  	_ =	shalt  }
0x65: {  	_ =	shalt  }
0x66: {  	_ =	shalt  }
0x67: {  	_ =	shalt  }
0x68: {  	_ =	shalt  }
0x69: {  	_ =	shalt  }
0x6a: {  	_ =	shalt  }
0x6b: {  	_ =	shalt  }
0x6c: {  	_ =	shalt  }
0x6d: {  	_ =	shalt  }
0x6e: {  	_ =	shalt  }
0x6f: {  	_ =	shalt  }
0x70: {  	_ =	shalt  }
0x71: {  	_ =	shalt  }
0x72: {  	_ =	shalt  }
0x73: {  	_ =	shalt  }
0x74: {  	_ =	shalt  }
0x75: {  	_ =	shalt  }
0x76: {  	_ =	shalt  }
0x77: {  	_ =	shalt  }
0x78: {  	_ =	shalt  }
0x79: {  	_ =	shalt  }
0x7a: {  	_ =	shalt  }
0x7b: {  	_ =	shalt  }
0x7c: {  	_ =	shalt  }
0x7d: {  	_ =	shalt  }
0x7e: {  	_ =	shalt  }
0x7f: {  	_ =	shalt  }
0x80: {  	_ =	shalt  }
0x81: {  	_ =	shalt  }
0x82: {  	_ =	shalt  }
0x83: {  	_ =	shalt  }
0x84: {  	_ =	shalt  }
0x85: {  	_ =	shalt  }
0x86: {  	_ =	shalt  }
0x87: {  	_ =	shalt  }
.Lfunc_end0:
.L_simem_size_0:
called_computation.1_lowered:
.L_overlay_start_0:
0x88: {  	s2 =	sld [smem:$0x3FD9]  }
0x89: {  	s3 =	sld [smem:$0x3FFE];
	_ =	sdelay $0x1  }
0x8a: {  	s1 =	srdreg.scid  }
0x8b: {  	s0 =	sand.u32 $0x1, s1  }
0x8c: {  	s17 =	sshll.u32 s0, $0xA;
	s2 =	sadd.s32 s3, s2  }
0x8d: {  	s2 =	sadd.s32 s2, s17  }
0x8e: {  	[smem:$0x3FB7] =	sst s2  }
0x8f: {  	_ = 	snop  }
0x90: {  	s2 =	sld [smem:$0x3FD0];
	(tm) =	ssettm $0x1  }
0x91: {  	s18 =	sld [smem:$0x3FFB];
	_ =	sdelay $0x3  }
0x92: {  	_ =	strace s18  }
0x93: {  	s3 =	sld [smem:$0x3FFC];
	_ =	sdelay $0x3  }
0x94: {  	_ =	strace s3  }
0x95: {  	s3 =	sld [smem:$0x3FFD];
	_ =	sdelay $0x3  }
0x96: {  	_ =	strace s3  }
0x97: {  	_ =	strace $0x8FFFFFFF  }
0x98: {  	s19 =	sld [smem:$0x3FDB];
	_ =	sdelay $0x1  }
0x99: {  	s4 =	simm.s32 $_scs_section_size  }
0x9a: {  	s5 =	simm.s32 $_size__tile_overlayer_lowered;
	s6 =	simm.s32 $_tile_overlayer_lowered  }
0x9b: {  	s22 =	simm.s32 $0x1BFF;
	s21 =	sshll.u32 s6, $0x1;
	s3 =	sadd.s32 s4, s19  }
0x9c: {  	s7 =	simm.s32 $0x0;
	s20 =	sshll.u32 s5, $0x1;
	s5 =	sadd.s32 s21, s3  }
0x9d: {  	[timem:s7], [sflag:s22] =	dma.local [hbm:s5], s20  }
0x9e: {  	_ =	swait.ge [sflag:s22], s20  }
0x9f: {  	s4 =	ssub.s32 $0x0, s20;
	[sflag:s22] =	ssyncset.done $0x0  }
0xa0: {  	[sflag:s22] =	ssyncadd.s32 s4;
	_ =	sdelay $0x1  }
0xa1: {  	s23 =	simm.s32 $0x1B8B  }
0xa2: {  	_ =	swait.ge [sflag:s23], $0x1  }
0xa3: {  	[sflag:s23] =	ssyncset.done $0x0  }
0xa4: {  	s25 =	simm.s32 $0x1B8E;
	s24 =	sld [smem:$0x3FFE];
	[sflag:s23] =	ssyncadd.s32 $0xFFFFFFFF  }
0xa5: {  	s26 =	simm.s32 $execute0_lowered;
	[smem:$0x3FD2] =	sst s25  }
0xa6: {  	s5 =	sshll.u32 s26, $0x1;
	_ =	strace $0x80000049;
	[dreg:$0x1] =	wrdreg $0xFFFFFFFF  }
0xa7: {  	s28 =	simm.s32 $_size_execute0_lowered;
	s3 =	sadd.s32 s3, s5;
	[dreg:$0x0] =	wrdreg $0x0  }
0xa8: {  	s5 =	sshll.u32 s28, $0x1;
	[dreg:$0x2] =	wrdreg s3  }
0xa9: {  	[dreg:$0x3] =	wrdreg s5  }
0xaa: {  	[dreg:$0x4] =	wrdreg $0xC0  }
0xab: {  	_ =	task [dreg:s7], $0x5FFFF  }
0xac: {  	[dreg:$0x1] =	wrdreg $0xFFFFFFFF  }
0xad: {  	[dreg:$0x0] =	wrdreg $0x60  }
0xae: {  	[dreg:$0x2] =	wrdreg s24  }
0xaf: {  	[dreg:$0x3] =	wrdreg s2  }
0xb0: {  	[dreg:$0x4] =	wrdreg $0xC0000  }
0xb1: {  	[dreg:$0x5] =	wrdreg $0x9  }
0xb2: {  	_ =	task.clear_ibuf [dreg:s7], $0x6FFFF;
	_ =	strace $0x90000049  }
0xb3: {  	s29 =	simm.s32 $0x9;
	_ =	strace $0x8000004B  }
0xb4: {  	_ =	swait.ge [sflag:s29], $0x1  }
0xb5: {  	[sflag:s29] =	ssyncadd.s32 $0xFFFFFFFF  }
0xb6: {  	_ =	strace $0x9000004B  }
0xb7: {  	_ =	sfence  }
0xb8: {  	s30 =	sld [smem:$0x0];
	_ =	sdelay $0x2  }
0xb9: {  	s31 =	sshll.u32 s1, $0xD;
	s1 =	sshrl.u32 s1, $0x2  }
0xba: {  	s3 =	sand.u32 $0x4000, s31;
	s1 =	sadd.s32 s1, s30  }
0xbb: {  	s0 =	sor.u32 s3, s0;
	s1 =	sshll.u32 s1, $0x11  }
0xbc: {  	s0 =	sor.u32 s1, s0  }
0xbd: {  	s0 =	sadd.s32 $0x8F2B, s0  }
0xbe: {  	[sflag:s0] =	ssyncadd.remote.s32 $0x1  }
0xbf: {  	_ =	sfence.sel $0xFFFF  }
0xc0: {  	[dreg:$0x0] =	wrdreg $0xFFFFFFFF;
	(pc) =	sbr.abs _section_cstart, $3  }
0xc1: {  	[dreg:$0x1] =	wrdreg $0xFFFFFFFF  }
0xc2: {  	_ =	task.clear_ibuf [dreg:s7], $0x2FFFF;
	_ =	strace $0x9FFFFFFF  }
0xc3: {  	(tm) =	ssettm $0x7FFFFFFF  }
tec
execute0_lowered:
.L_overlay_start_1:
0x0: {  	(tag) =	ssettag $0x1  }
0x1: {  	s5 =	rddreg [dreg:$0x0]  }
0x2: {  	s1 =	srdreg.scid;
	s8 =	rddreg [dreg:$0x1]  }
0x3: {  	s0 =	stileid.u32;
	s2 =	rddreg [dreg:$0x2];
	s3 =	simm.s32 $0x0  }
0x4: {  	s16 =	simm.s32 $0x5000;
	s17 =	simm.s32 $0x70;
	s18 =	simm.s32 $0x8800  }
0x5: {  	s19 =	simm.s32 $0x4F00;
	s20 =	simm.s32 $0x4F80;
	s21 =	simm.s32 $0x26F0  }
0x6: {  	s23 =	simm.s32 $0x0;
	s6 =	sand.u32 $0x1, s1;
	s1 =	rddreg [dreg:$0x3]  }
0x7: {  	s29 =	sshll.u32 s0, $0x1;
	[smem:$0x7FF] =	sst s3;
	s7 =	smul.u32 $0x14000, s0  }
0x8: {  	s30 =	smul.u32 $0x50000, s0;
	s22 =	sshll.u32 s0, $0x6;
	s4 =	sor.u32 s6, s29  }
0x9: {  	_ =	strace $0x8000004A;
	s10 =	smul.u32 $0x140000, s6;
	s6 =	ssub.s32 $0x2, s6  }
0xa: {  	s9 =	smul.u32 $0x4E2, s4;
	s4 =	sadd.s32 $0x5F800, s5;
	s12 =	sshrl.u32 s7, $0x3  }
0xb: {  	s13 =	sshrl.u32 s6, $0x1;
	s31 =	sshrl.u32 s30, $0x2;
	s7 =	sadd.s32 s7, s10  }
0xc: {  	s12 =	sadd.s32 s12, s5;
	s13 =	ssub.s32 s6, s13;
	s15 =	sadd.s32 s31, s2  }
0xd: {  	s6 =	sor.u32 $0x1C01, s22;
	s22 =	sor.u32 $0x1C03, s22;
	s11 =	sadd.s32 s9, s5  }
0xe: {  	s7 =	sshrl.u32 s7, $0x3;
	s8 =	sadd.s32 s8, s9;
	s10 =	smax.u32 s13, $0x1  }
0xf: {  	v4 =	vlaneseq.u32;
	s13 =	simm.s32 $0x3;
	s14 =	sadd.s32 s7, s5;
	s5 =	sadd.s32 $0x86A00, s12  }
0x10: {  	v0 =	vor.u32 $0x2710, v4;
	v1 =	vor.u32 $0x2720, v4;
	s7 =	sadd.s32 $0x5A00, s11;
	s11 =	sshrl.u32 s15, $0x3;
	s12 =	simm.s32 $0x2780  }
0x11: {  	v2 =	vor.u32 $0x2730, v4;
	v3 =	vor.u32 $0x2740, v4;
	v4 =	vor.u32 $0x2750, v4;
	s15 =	simm.s32 $0x2;
	s9 =	sadd.s32 $0xAEA00, s14;
	s14 =	simm.s32 $0x1  }
.LBB2_1:
0x12: {  	[spmem:s11], [sflag:s6] =	dma.local [hbm:s5], $0x2800  }
0x13: {  	[tilespmem:s3], [sflag:$0x2] =	stream.linear.gather [hbm4b:s7+s3], $0x2760, $0x38;
	v63 =	vld [tilespmem:$0x0]  }
0x14: {  	_ = 	snop  }
0x15: {  	[tilespmem:s12], [sflag:$0x3] =	stream.linear.gather [hbm4b:s8+s3], $0x2710, $0x38;
	v63 =	vld [tilespmem:$0x0]  }
0x16: {  	_ =	swait.ge [sflag:s13], $0x2710  }
0x17: {  	[sflag:s13] =	ssyncset.done $0x0  }
0x18: {  	[sflag:s13] =	ssyncadd.s32 $0xFFFFD8F0  }
0x19: {  	_ =	swait.ge [sflag:s14], $0x2800  }
0x1a: {  	[sflag:s14] =	ssyncset.done $0x0  }
0x1b: {  	[sflag:s14] =	ssyncadd.s32 $0xFFFFD800  }
0x1c: {  	_ =	swait.ge [sflag:s15], $0x2760  }
0x1d: {  	[sflag:s15] =	ssyncset.done $0x0  }
0x1e: {  	[sflag:s15] =	ssyncadd.s32 $0xFFFFD8A0  }
0x1f: {  	[bflag:$0x0] =	sbarrier.arrive $0xFFFF  }
0x20: {  	[tilespmem:s16], [sflag:$0x1] =	stream.indirect.gather [hbm4b:s4+s17], $0x80, s3, s17, $0xb8;
	v63 =	vld [tilespmem:$0x0]  }
0x21: {  	v5 =	vld [tilespmem:$0x2780]  }
0x22: {  	v6 =	vld [tilespmem:$0x2790]  }
0x23: {  	v7 =	vld [tilespmem:$0x27A0]  }
0x24: {  	v8 =	vld [tilespmem:$0x27B0]  }
0x25: {  	v9 =	vld [tilespmem:$0x27C0]  }
0x26: {  	[tilespmem:$0x4F00] =	vst v5;
	v5 =	vld [tilespmem:$0x27D0]  }
0x27: {  	[tilespmem:$0x4F10] =	vst v6;
	v6 =	vld [tilespmem:$0x27E0]  }
0x28: {  	[tilespmem:$0x4F20] =	vst v7  }
0x29: {  	[tilespmem:$0x4F30] =	vst v8  }
0x2a: {  	[tilespmem:$0x4F40] =	vst v9  }
0x2b: {  	[tilespmem:$0x4F50] =	vst v5  }
0x2c: {  	s24 =	simm.s32 $0x2820;
	[tilespmem:$0x4F60] =	vst v6  }
0x2d: {  	[tilespmem:s18], [sflag:$0x2] =	stream.indirect.gather [hbm4b:s4+s17], $0x80, s17, s17, $0xb8;
	v63 =	vld [tilespmem:$0x0]  }
0x2e: {  	v5 =	vld [tilespmem:s24+$0xFFFFFFD0];
	_ =	sdelay $0x4  }
0x2f: {  	s25 =	sand.u32 $0x3FE0, s3;
	[tilespmem:$0x4F80] =	vst v5  }
0x30: {  	v5 =	vld [tilespmem:s25+$0x2800];
	_ =	sdelay $0x4  }
0x31: {  	[tilespmem:$0x4F90] =	vst v5  }
0x32: {  	v5 =	vld [tilespmem:s24+$0xFFFFFFF0];
	_ =	sdelay $0x4  }
0x33: {  	[tilespmem:$0x4FA0] =	vst v5  }
0x34: {  	v5 =	vld [tilespmem:s24+$0x0];
	_ =	sdelay $0x4  }
0x35: {  	[tilespmem:$0x4FB0] =	vst v5  }
0x36: {  	v5 =	vld [tilespmem:s24+$0x10];
	_ =	sdelay $0x4  }
0x37: {  	[tilespmem:$0x4FC0] =	vst v5  }
0x38: {  	v5 =	vld [tilespmem:s24+$0x20];
	_ =	sdelay $0x4  }
0x39: {  	[tilespmem:$0x4FD0] =	vst v5  }
0x3a: {  	v5 =	vld [tilespmem:s24+$0x30];
	_ =	sdelay $0x4  }
0x3b: {  	[tilespmem:$0x4FE0] =	vst v5  }
0x3c: {  	_ =	swait.ge [sflag:s14], $0x3800  }
0x3d: {  	[sflag:s14] =	ssyncset.done $0x0  }
0x3e: {  	[sflag:s14] =	ssyncadd.s32 $0xFFFFC800  }
0x3f: {  	[spmem:s2] =	stream.indirect.scatter.add.f32 [tilespmem:s16], [sflag:$0x3], $0x80, s19, s17, $0xb8;
	v63 =	vld [tilespmem:$0x0]  }
0x40: {  	_ =	swait.ge [sflag:s13], $0x3800  }
0x41: {  	[sflag:s13] =	ssyncset.done $0x0  }
0x42: {  	s26 =	simm.s32 $0xE0;
	[sflag:s13] =	ssyncadd.s32 $0xFFFFC800  }
0x43: {  	[tilespmem:s16], [sflag:$0x1] =	stream.indirect.gather [hbm4b:s4+s17], $0x80, s26, s17, $0xb8;
	v63 =	vld [tilespmem:$0x0]  }
0x44: {  	v5 =	vld [tilespmem:s24+$0x40];
	_ =	sdelay $0x4  }
0x45: {  	[tilespmem:$0x4F00] =	vst v5  }
0x46: {  	v5 =	vld [tilespmem:s24+$0x50];
	_ =	sdelay $0x4  }
0x47: {  	[tilespmem:$0x4F10] =	vst v5  }
0x48: {  	v5 =	vld [tilespmem:s25+$0x2880];
	_ =	sdelay $0x4  }
0x49: {  	[tilespmem:$0x4F20] =	vst v5  }
0x4a: {  	v5 =	vld [tilespmem:s24+$0x70];
	_ =	sdelay $0x4  }
0x4b: {  	[tilespmem:$0x4F30] =	vst v5  }
0x4c: {  	v5 =	vld [tilespmem:s24+$0x80];
	_ =	sdelay $0x4  }
0x4d: {  	[tilespmem:$0x4F40] =	vst v5  }
0x4e: {  	v5 =	vld [tilespmem:s24+$0x90];
	_ =	sdelay $0x4  }
0x4f: {  	[tilespmem:$0x4F50] =	vst v5  }
0x50: {  	v5 =	vld [tilespmem:s24+$0xA0];
	_ =	sdelay $0x4  }
0x51: {  	[tilespmem:$0x4F60] =	vst v5  }
0x52: {  	_ =	swait.ge [sflag:s15], $0x3800  }
0x53: {  	[sflag:s15] =	ssyncset.done $0x0  }
0x54: {  	[sflag:s15] =	ssyncadd.s32 $0xFFFFC800  }
0x55: {  	[spmem:s2] =	stream.indirect.scatter.add.f32 [tilespmem:s18], [sflag:$0x3], $0x80, s20, s17, $0xb8;
	v63 =	vld [tilespmem:$0x0]  }
0x56: {  	_ =	swait.ge [sflag:s13], $0x3800  }
0x57: {  	s26 =	simm.s32 $0x70;
	s25 =	simm.s32 $0xE0;
	[sflag:s13] =	ssyncset.done $0x0  }
.LBB2_2:
0x58: {  	[sflag:s13] =	ssyncadd.s32 $0xFFFFC800;
	s26 =	sadd.s32 $0xE0, s26;
	s24 =	sadd.s32 $0xE0, s24  }
0x59: {  	[tilespmem:s18], [sflag:$0x2] =	stream.indirect.gather [hbm4b:s4+s17], $0x80, s26, s17, $0xb8;
	v63 =	vld [tilespmem:$0x0]  }
0x5a: {  	p0 =	sne.s32 s25, $0x25A0;
	s28 =	smov.u32 s25;
	s25 =	sadd.s32 $0xE0, s25;
	v5 =	vld [tilespmem:s24+$0xFFFFFFD0]  }
0x5b: {  	_ =	sdelay $0x3  }
0x5c: {  	s28 =	sand.u32 $0x3FE0, s28;
	[tilespmem:$0x4F80] =	vst v5  }
0x5d: {  	v5 =	vld [tilespmem:s28+$0x2800];
	_ =	sdelay $0x4  }
0x5e: {  	[tilespmem:$0x4F90] =	vst v5  }
0x5f: {  	v5 =	vld [tilespmem:s24+$0xFFFFFFF0];
	_ =	sdelay $0x4  }
0x60: {  	[tilespmem:$0x4FA0] =	vst v5  }
0x61: {  	v5 =	vld [tilespmem:s24+$0x0];
	_ =	sdelay $0x4  }
0x62: {  	[tilespmem:$0x4FB0] =	vst v5  }
0x63: {  	v5 =	vld [tilespmem:s24+$0x10];
	_ =	sdelay $0x4  }
0x64: {  	[tilespmem:$0x4FC0] =	vst v5  }
0x65: {  	v5 =	vld [tilespmem:s24+$0x20];
	_ =	sdelay $0x4  }
0x66: {  	[tilespmem:$0x4FD0] =	vst v5  }
0x67: {  	v5 =	vld [tilespmem:s24+$0x30];
	_ =	sdelay $0x4  }
0x68: {  	[tilespmem:$0x4FE0] =	vst v5  }
0x69: {  	_ =	swait.ge [sflag:s14], $0x3800  }
0x6a: {  	[sflag:s14] =	ssyncset.done $0x0  }
0x6b: {  	[sflag:s14] =	ssyncadd.s32 $0xFFFFC800  }
0x6c: {  	[spmem:s2] =	stream.indirect.scatter.add.f32 [tilespmem:s16], [sflag:$0x3], $0x80, s19, s17, $0xb8;
	v63 =	vld [tilespmem:$0x0]  }
0x6d: {  	_ =	swait.ge [sflag:s13], $0x3800  }
0x6e: {  	[sflag:s13] =	ssyncset.done $0x0  }
0x6f: {  	s29 =	sadd.s32 $0x70, s26;
	[sflag:s13] =	ssyncadd.s32 $0xFFFFC800  }
0x70: {  	[tilespmem:s16], [sflag:$0x1] =	stream.indirect.gather [hbm4b:s4+s17], $0x80, s29, s17, $0xb8;
	v63 =	vld [tilespmem:$0x0]  }
0x71: {  	v5 =	vld [tilespmem:s24+$0x40];
	_ =	sdelay $0x4  }
0x72: {  	[tilespmem:$0x4F00] =	vst v5  }
0x73: {  	v5 =	vld [tilespmem:s24+$0x50];
	_ =	sdelay $0x4  }
0x74: {  	[tilespmem:$0x4F10] =	vst v5  }
0x75: {  	v5 =	vld [tilespmem:s28+$0x2880];
	_ =	sdelay $0x4  }
0x76: {  	[tilespmem:$0x4F20] =	vst v5  }
0x77: {  	v5 =	vld [tilespmem:s24+$0x70];
	_ =	sdelay $0x4  }
0x78: {  	[tilespmem:$0x4F30] =	vst v5  }
0x79: {  	v5 =	vld [tilespmem:s24+$0x80];
	_ =	sdelay $0x4  }
0x7a: {  	[tilespmem:$0x4F40] =	vst v5  }
0x7b: {  	v5 =	vld [tilespmem:s24+$0x90];
	_ =	sdelay $0x4  }
0x7c: {  	[tilespmem:$0x4F50] =	vst v5  }
0x7d: {  	v5 =	vld [tilespmem:s24+$0xA0];
	_ =	sdelay $0x4  }
0x7e: {  	[tilespmem:$0x4F60] =	vst v5  }
0x7f: {  	_ =	swait.ge [sflag:s15], $0x3800  }
.Ltmp0:
0x80: {  	[sflag:s15] =	ssyncset.done $0x0;
	(pc) =	sbr.rel @p0 .LBB2_2-.Ltmp0, $4  }
0x81: {  	[sflag:s15] =	ssyncadd.s32 $0xFFFFC800  }
0x82: {  	[spmem:s2] =	stream.indirect.scatter.add.f32 [tilespmem:s18], [sflag:$0x3], $0x80, s20, s17, $0xb8;
	v63 =	vld [tilespmem:$0x0]  }
0x83: {  	_ =	swait.ge [sflag:s13], $0x3800  }
0x84: {  	[sflag:s13] =	ssyncset.done $0x0  }
0x85: {  	[sflag:s13] =	ssyncadd.s32 $0xFFFFC800  }
0x86: {  	[tilespmem:s18], [sflag:$0x2] =	stream.indirect.gather [hbm4b:s4+s17], $0x80, s21, s17, $0xb8;
	v63 =	vld [tilespmem:$0x0]  }
0x87: {  	v5 =	vld [tilespmem:$0x4E70];
	[tilespmem:$0x4FA0] =	vst v0  }
0x88: {  	v6 =	vld [tilespmem:$0x4E80];
	[tilespmem:$0x4FB0] =	vst v1  }
0x89: {  	[tilespmem:$0x4FC0] =	vst v2  }
0x8a: {  	[tilespmem:$0x4FD0] =	vst v3  }
0x8b: {  	[tilespmem:$0x4FE0] =	vst v4  }
0x8c: {  	[tilespmem:$0x4F80] =	vst v5  }
0x8d: {  	[tilespmem:$0x4F90] =	vst v6  }
0x8e: {  	_ =	swait.ge [sflag:s14], $0x3800  }
0x8f: {  	[sflag:s14] =	ssyncset.done $0x0  }
0x90: {  	[sflag:s14] =	ssyncadd.s32 $0xFFFFC800  }
0x91: {  	[spmem:s2] =	stream.indirect.scatter.add.f32 [tilespmem:s16], [sflag:$0x3], $0x80, s19, s17, $0xb8;
	v63 =	vld [tilespmem:$0x0]  }
0x92: {  	_ =	swait.ge [sflag:s13], $0x3800  }
0x93: {  	[sflag:s13] =	ssyncset.done $0x0  }
0x94: {  	[sflag:s13] =	ssyncadd.s32 $0xFFFFC800  }
0x95: {  	_ =	swait.ge [sflag:s15], $0x3800  }
0x96: {  	[sflag:s15] =	ssyncset.done $0x0  }
0x97: {  	[sflag:s15] =	ssyncadd.s32 $0xFFFFC800  }
0x98: {  	[spmem:s2] =	stream.indirect.scatter.add.f32 [tilespmem:s18], [sflag:$0x3], $0x80, s20, s17, $0xb8;
	v63 =	vld [tilespmem:$0x0]  }
0x99: {  	_ =	swait.ge [sflag:s13], $0x3800  }
0x9a: {  	s23 =	sadd.s32 $0x1, s23;
	[sflag:s13] =	ssyncset.done $0x0  }
0x9b: {  	p0 =	sne.s32 s23, s10;
	[sflag:s13] =	ssyncadd.s32 $0xFFFFC800  }
.Ltmp1:
0x9c: {  	[bflag:$0x0] =	sbarrier.arrive $0xFFFF;
	(pc) =	sbr.rel @p0 .LBB2_1-.Ltmp1, $4  }
0x9d: {  	[hbm:s9], [sflag:s22] =	dma.local [spmem:s11], $0x2800  }
0x9e: {  	_ =	swait.ge [sflag:s13], $0x2800  }
0x9f: {  	[sflag:s13] =	ssyncset.done $0x0  }
0xa0: {  	[sflag:s13] =	ssyncadd.s32 $0xFFFFD800  }
0xa1: {  	_ =	sfence.sel $0x180000  }
0xa2: {  	[bflag:$0x0] =	sbarrier.arrive $0xFFFF  }
0xa3: {  	p0 =	sne.s32 s0, $0x0;
	_ =	strace $0x9000004A  }
0xa4: {  	s0 =	sadd.s32 @!p0 $0x100000, s1;
	[bflag:$0x2] =	sbarrier.arrive $0xFFFF  }
0xa5: {  	[sflag:s0] =	ssyncadd.tile.s32 @!p0 $0x1;
	_ =	shalt  }
.Lfunc_end2:
_tile_overlayer_lowered:
.L_overlay_start_2:
0xa6: {  	(tag) =	ssettag $0x2  }
0xa7: {  	s0 =	rddreg [dreg:$0x0];
	s2 =	stileid.u32  }
0xa8: {  	s1 =	rddreg [dreg:$0x1];
	p0 =	sne.s32 s2, $0x0  }
0xa9: {  	s3 =	rddreg [dreg:$0x2];
	[bflag:$0x3] =	sbarrier.arrive $0xFFFF;
	s2 =	simm.s32 @!p0 $0x1C03  }
0xaa: {  	[timem:s3], [sflag:s2] =	dma.local @!p0 [hbm:s0], s1  }
0xab: {  	s0 =	simm.s32 @!p0 $0x3  }
0xac: {  	_ =	swait.ge @!p0 [sflag:s0], s1  }
0xad: {  	s1 =	ssub.s32 @!p0 $0x0, s1;
	[sflag:s0] =	ssyncset.done @!p0 $0x0  }
0xae: {  	[sflag:s0] =	ssyncadd.s32 @!p0 s1  }
0xaf: {  	[bflag:$0x3] =	sbarrier.arrive $0xFFFF  }
0xb0: {  	_ =	shalt  }

// kernel: kernel.16.cloned.1.call-start
scs
__scs_entry_jumppad:
0x0: {  	(pc) =	sbr.rel $0x88, $3  }
0x1: {  	(tag) =	ssettag $0x0;
	lr =	simm.s32 $0x1  }
0x2: {  	[smem:$0x3F90] =	sst lr;
	_ =	strace $0xD0000000  }
0x3: {  	_ = 	snop  }
0x4: {  	_ = 	snop  }
0x5: {  	_ = 	snop  }
0x6: {  	_ = 	snop  }
0x7: {  	_ = 	snop  }
__scs_overlays_trampoline_lowered:
0x8: {  	[smem:$0x3F9F] =	sst s0  }
0x9: {  	[smem:$0x3FA0] =	sst s1  }
0xa: {  	[smem:$0x3FA1] =	sst s2  }
0xb: {  	[smem:$0x3FA2] =	sst s3  }
0xc: {  	[smem:$0x3FA3] =	sst s4  }
0xd: {  	[smem:$0x3FA4] =	sst s5  }
0xe: {  	[smem:$0x3FA5] =	sst s6  }
0xf: {  	[smem:$0x3FA6] =	sst s7  }
0x10: {  	[smem:$0x3FA7] =	sst s8  }
0x11: {  	[smem:$0x3FA8] =	sst s9;
	s0 =	simm.s32 @!p0 $0x0  }
0x12: {  	s1 =	sld [smem:$0x3F8E];
	s0 =	simm.s32 @p0 $0x1  }
0x13: {  	[smem:$0x3FA9] =	sst s0;
	s0 =	simm.s32 @!p1 $0x0  }
0x14: {  	s2 =	sld [smem:$0x3F8D];
	s0 =	simm.s32 @p1 $0x1  }
0x15: {  	[smem:$0x3FAA] =	sst s0;
	s0 =	simm.s32 @!p2 $0x0  }
0x16: {  	s3 =	sld [smem:$0x3FDB];
	s0 =	simm.s32 @p2 $0x1  }
0x17: {  	s4 =	simm.s32 $0x1BF5;
	[smem:$0x3FAC] =	sst s0  }
0x18: {  	s0 =	sld [smem:$0x3F8F];
	_ =	swait.ge [sflag:s4], $0x0  }
0x19: {  	s7 =	sld [smem:$0x3F90]  }
0x1a: {  	s8 =	sadd.s32 $0xFFFFE003, lr  }
0x1b: {  	s9 =	sadd.s32 $0xFFFFFEF7, lr;
	s5 =	simm.s32 $0xFFFFFFFF;
	p2 =	slt.u32 s8, $0xFFFFF086  }
0x1c: {  	p1 =	slt.u32 s9, $0xF7A;
	s5 =	simm.s32 @!p2 $0x0  }
0x1d: {  	s5 =	simm.s32 @p1 $0x1;
	p0 =	seq.s32 s7, s2  }
0x1e: {  	s7 =	smul.u32 @!p0 $0xF7A, s2;
	p2 =	seq.s32 @!p0 s5, $0x0  }
0x1f: {  	s9 =	smul.u32 $0xF7A, s1;
	s8 =	simm.s32 @!p0 $0x1BF5;
	p2 =	por !p2, p0  }
0x20: {  	[sflag:s8] =	ssyncset.s32 @!p0 $0xFFFFF086;
	s6 =	sadd.s32 @!p0 s3, s7;
	s7 =	simm.s32 @!p0 $0x108  }
0x21: {  	s3 =	sadd.s32 s3, s9;
	s6 =	sadd.s32 @!p0 $0x88, s6;
	s7 =	simm.s32 @p2 $0x1082  }
0x22: {  	[simem:s7], [sflag:s8] =	dma.local @!p0 [hbm:s6], $0xF7A  }
0x23: {  	s9 =	sor.u32 $0xD0000000, s2;
	s6 =	simm.s32 $0x108;
	_ =	swait.ge @!p0 [sflag:s8], $0x0  }
0x24: {  	s3 =	sadd.s32 $0x88, s3;
	s6 =	simm.s32 @!p1 $0x1082;
	[sflag:s4] =	ssyncset.s32 $0xFFFFF086  }
0x25: {  	[simem:s6], [sflag:s4] =	dma.local [hbm:s3], $0xF7A  }
0x26: {  	[smem:$0x3F90] =	sst s1;
	(tag) =	ssettag s2;
	_ =	strace s9  }
0x27: {  	s1 =	sld [smem:$0x3FA0]  }
0x28: {  	s2 =	sld [smem:$0x3FA1]  }
0x29: {  	s4 =	sld [smem:$0x3FA3]  }
0x2a: {  	p0 =	seq.s32 s5, $0x0;
	s5 =	sld [smem:$0x3FA4]  }
0x2b: {  	s6 =	sld [smem:$0x3FA5]  }
0x2c: {  	s7 =	sld [smem:$0x3FA6]  }
0x2d: {  	s3 =	simm.s32 $0x108;
	s8 =	sld [smem:$0x3FA7]  }
0x2e: {  	s3 =	simm.s32 @!p0 $0x1082;
	s9 =	sld [smem:$0x3FA8]  }
0x2f: {  	lr =	sadd.s32 s0, s3;
	s0 =	sld [smem:$0x3F9F]  }
0x30: {  	s3 =	sld [smem:$0x3FA2]  }
0x31: {  	[smem:$0x3FAB] =	sst s10  }
0x32: {  	s10 =	sld [smem:$0x3FA9];
	_ =	sdelay $0x3  }
0x33: {  	p0 =	seq.s32 s10, $0x1;
	s10 =	sld [smem:$0x3FAB];
	_ =	sdelay $0x3  }
0x34: {  	[smem:$0x3FAB] =	sst s10  }
0x35: {  	s10 =	sld [smem:$0x3FAA];
	_ =	sdelay $0x3  }
0x36: {  	p1 =	seq.s32 s10, $0x1;
	s10 =	sld [smem:$0x3FAB];
	_ =	sdelay $0x3  }
0x37: {  	[smem:$0x3FAB] =	sst s10  }
0x38: {  	s10 =	sld [smem:$0x3FAC]  }
0x39: {  	_ = 	snop;
	(pc) =	sbr.ind lr, $3  }
0x3a: {  	_ = 	snop  }
0x3b: {  	_ = 	snop  }
0x3c: {  	p2 =	seq.s32 s10, $0x1;
	s10 =	sld [smem:$0x3FAB]  }
0x3d: {  	_ =	shalt  }
0x3e: {  	_ =	shalt  }
0x3f: {  	_ =	shalt  }
0x40: {  	_ =	shalt  }
0x41: {  	_ =	shalt  }
0x42: {  	_ =	shalt  }
0x43: {  	_ =	shalt  }
0x44: {  	_ =	shalt  }
0x45: {  	_ =	shalt  }
0x46: {  	_ =	shalt  }
0x47: {  	_ =	shalt  }
0x48: {  	_ =	shalt  }
0x49: {  	_ =	shalt  }
0x4a: {  	_ =	shalt  }
0x4b: {  	_ =	shalt  }
0x4c: {  	_ =	shalt  }
0x4d: {  	_ =	shalt  }
0x4e: {  	_ =	shalt  }
0x4f: {  	_ =	shalt  }
0x50: {  	_ =	shalt  }
0x51: {  	_ =	shalt  }
0x52: {  	_ =	shalt  }
0x53: {  	_ =	shalt  }
0x54: {  	_ =	shalt  }
0x55: {  	_ =	shalt  }
0x56: {  	_ =	shalt  }
0x57: {  	_ =	shalt  }
0x58: {  	_ =	shalt  }
0x59: {  	_ =	shalt  }
0x5a: {  	_ =	shalt  }
0x5b: {  	_ =	shalt  }
0x5c: {  	_ =	shalt  }
0x5d: {  	_ =	shalt  }
0x5e: {  	_ =	shalt  }
0x5f: {  	_ =	shalt  }
0x60: {  	_ =	shalt  }
0x61: {  	_ =	shalt  }
0x62: {  	_ =	shalt  }
0x63: {  	_ =	shalt  }
0x64: {  	_ =	shalt  }
0x65: {  	_ =	shalt  }
0x66: {  	_ =	shalt  }
0x67: {  	_ =	shalt  }
0x68: {  	_ =	shalt  }
0x69: {  	_ =	shalt  }
0x6a: {  	_ =	shalt  }
0x6b: {  	_ =	shalt  }
0x6c: {  	_ =	shalt  }
0x6d: {  	_ =	shalt  }
0x6e: {  	_ =	shalt  }
0x6f: {  	_ =	shalt  }
0x70: {  	_ =	shalt  }
0x71: {  	_ =	shalt  }
0x72: {  	_ =	shalt  }
0x73: {  	_ =	shalt  }
0x74: {  	_ =	shalt  }
0x75: {  	_ =	shalt  }
0x76: {  	_ =	shalt  }
0x77: {  	_ =	shalt  }
0x78: {  	_ =	shalt  }
0x79: {  	_ =	shalt  }
0x7a: {  	_ =	shalt  }
0x7b: {  	_ =	shalt  }
0x7c: {  	_ =	shalt  }
0x7d: {  	_ =	shalt  }
0x7e: {  	_ =	shalt  }
0x7f: {  	_ =	shalt  }
0x80: {  	_ =	shalt  }
0x81: {  	_ =	shalt  }
0x82: {  	_ =	shalt  }
0x83: {  	_ =	shalt  }
0x84: {  	_ =	shalt  }
0x85: {  	_ =	shalt  }
0x86: {  	_ =	shalt  }
0x87: {  	_ =	shalt  }
.Lfunc_end0:
.L_simem_size_0:
called_computation.2_lowered:
.L_overlay_start_0:
0x88: {  	s2 =	sld [smem:$0x3FD9]  }
0x89: {  	s3 =	sld [smem:$0x3FFE];
	_ =	sdelay $0x1  }
0x8a: {  	s1 =	srdreg.scid  }
0x8b: {  	s0 =	sand.u32 $0x1, s1  }
0x8c: {  	s17 =	sshll.u32 s0, $0xA;
	s2 =	sadd.s32 s3, s2  }
0x8d: {  	s2 =	sadd.s32 s2, s17  }
0x8e: {  	[smem:$0x3FB7] =	sst s2  }
0x8f: {  	_ = 	snop  }
0x90: {  	s2 =	sld [smem:$0x3FD0];
	(tm) =	ssettm $0x1  }
0x91: {  	s18 =	sld [smem:$0x3FFB];
	_ =	sdelay $0x3  }
0x92: {  	_ =	strace s18  }
0x93: {  	s3 =	sld [smem:$0x3FFC];
	_ =	sdelay $0x3  }
0x94: {  	_ =	strace s3  }
0x95: {  	s3 =	sld [smem:$0x3FFD];
	_ =	sdelay $0x3  }
0x96: {  	_ =	strace s3  }
0x97: {  	_ =	strace $0x8FFFFFFF  }
0x98: {  	s19 =	sld [smem:$0x3FDB];
	_ =	sdelay $0x1  }
0x99: {  	s4 =	simm.s32 $_scs_section_size  }
0x9a: {  	s5 =	simm.s32 $_size__tile_overlayer_lowered;
	s6 =	simm.s32 $_tile_overlayer_lowered  }
0x9b: {  	s22 =	simm.s32 $0x1BFF;
	s21 =	sshll.u32 s6, $0x1;
	s3 =	sadd.s32 s4, s19  }
0x9c: {  	s7 =	simm.s32 $0x0;
	s20 =	sshll.u32 s5, $0x1;
	s5 =	sadd.s32 s21, s3  }
0x9d: {  	[timem:s7], [sflag:s22] =	dma.local [hbm:s5], s20  }
0x9e: {  	_ =	swait.ge [sflag:s22], s20  }
0x9f: {  	s4 =	ssub.s32 $0x0, s20;
	[sflag:s22] =	ssyncset.done $0x0  }
0xa0: {  	[sflag:s22] =	ssyncadd.s32 s4;
	_ =	sdelay $0x1  }
0xa1: {  	s23 =	simm.s32 $0x1B8B  }
0xa2: {  	_ =	swait.ge [sflag:s23], $0x1  }
0xa3: {  	[sflag:s23] =	ssyncset.done $0x0  }
0xa4: {  	s25 =	simm.s32 $0x1B8E;
	s24 =	sld [smem:$0x3FFE];
	[sflag:s23] =	ssyncadd.s32 $0xFFFFFFFF  }
0xa5: {  	s26 =	simm.s32 $execute0_lowered;
	[smem:$0x3FD2] =	sst s25  }
0xa6: {  	s5 =	sshll.u32 s26, $0x1;
	_ =	strace $0x8000004C;
	[dreg:$0x1] =	wrdreg $0xFFFFFFFF  }
0xa7: {  	s28 =	simm.s32 $_size_execute0_lowered;
	s3 =	sadd.s32 s3, s5;
	[dreg:$0x0] =	wrdreg $0x0  }
0xa8: {  	s5 =	sshll.u32 s28, $0x1;
	[dreg:$0x2] =	wrdreg s3  }
0xa9: {  	[dreg:$0x3] =	wrdreg s5  }
0xaa: {  	[dreg:$0x4] =	wrdreg $0xC0  }
0xab: {  	_ =	task [dreg:s7], $0x5FFFF  }
0xac: {  	[dreg:$0x1] =	wrdreg $0xFFFFFFFF  }
0xad: {  	[dreg:$0x0] =	wrdreg $0x60  }
0xae: {  	[dreg:$0x2] =	wrdreg s24  }
0xaf: {  	[dreg:$0x3] =	wrdreg s2  }
0xb0: {  	[dreg:$0x4] =	wrdreg $0xC0000  }
0xb1: {  	[dreg:$0x5] =	wrdreg $0x9  }
0xb2: {  	_ =	task.clear_ibuf [dreg:s7], $0x6FFFF;
	_ =	strace $0x9000004C  }
0xb3: {  	s29 =	simm.s32 $0x9;
	_ =	strace $0x8000004E  }
0xb4: {  	_ =	swait.ge [sflag:s29], $0x1  }
0xb5: {  	[sflag:s29] =	ssyncadd.s32 $0xFFFFFFFF  }
0xb6: {  	_ =	strace $0x9000004E  }
0xb7: {  	_ =	sfence  }
0xb8: {  	s30 =	sld [smem:$0x0];
	_ =	sdelay $0x2  }
0xb9: {  	s31 =	sshll.u32 s1, $0xD;
	s1 =	sshrl.u32 s1, $0x2  }
0xba: {  	s3 =	sand.u32 $0x4000, s31;
	s1 =	sadd.s32 s1, s30  }
0xbb: {  	s0 =	sor.u32 s3, s0;
	s1 =	sshll.u32 s1, $0x11  }
0xbc: {  	s0 =	sor.u32 s1, s0  }
0xbd: {  	s0 =	sadd.s32 $0x8F2B, s0  }
0xbe: {  	[sflag:s0] =	ssyncadd.remote.s32 $0x1  }
0xbf: {  	_ =	sfence.sel $0xFFFF  }
0xc0: {  	[dreg:$0x0] =	wrdreg $0xFFFFFFFF;
	(pc) =	sbr.abs _section_cstart, $3  }
0xc1: {  	[dreg:$0x1] =	wrdreg $0xFFFFFFFF  }
0xc2: {  	_ =	task.clear_ibuf [dreg:s7], $0x2FFFF;
	_ =	strace $0x9FFFFFFF  }
0xc3: {  	(tm) =	ssettm $0x7FFFFFFF  }
tec
execute0_lowered:
.L_overlay_start_1:
0x0: {  	(tag) =	ssettag $0x1  }
0x1: {  	s5 =	rddreg [dreg:$0x0]  }
0x2: {  	s1 =	srdreg.scid;
	s8 =	rddreg [dreg:$0x1]  }
0x3: {  	s0 =	stileid.u32;
	s2 =	rddreg [dreg:$0x2];
	s3 =	simm.s32 $0x0  }
0x4: {  	s16 =	simm.s32 $0x5000;
	s17 =	simm.s32 $0x70;
	s18 =	simm.s32 $0x8800  }
0x5: {  	s19 =	simm.s32 $0x4F00;
	s20 =	simm.s32 $0x4F80;
	s21 =	simm.s32 $0x26F0  }
0x6: {  	s23 =	simm.s32 $0x0;
	s6 =	sand.u32 $0x1, s1;
	s1 =	rddreg [dreg:$0x3]  }
0x7: {  	s29 =	sshll.u32 s0, $0x1;
	[smem:$0x7FF] =	sst s3;
	s7 =	smul.u32 $0x14000, s0  }
0x8: {  	s30 =	smul.u32 $0x50000, s0;
	s22 =	sshll.u32 s0, $0x6;
	s4 =	sor.u32 s6, s29  }
0x9: {  	_ =	strace $0x8000004D;
	s10 =	smul.u32 $0x140000, s6;
	s6 =	ssub.s32 $0x2, s6  }
0xa: {  	s9 =	smul.u32 $0x4E2, s4;
	s4 =	sadd.s32 $0x5F800, s5;
	s12 =	sshrl.u32 s7, $0x3  }
0xb: {  	s13 =	sshrl.u32 s6, $0x1;
	s31 =	sshrl.u32 s30, $0x2;
	s7 =	sadd.s32 s7, s10  }
0xc: {  	s12 =	sadd.s32 s12, s5;
	s13 =	ssub.s32 s6, s13;
	s15 =	sadd.s32 s31, s2  }
0xd: {  	s6 =	sor.u32 $0x1C01, s22;
	s22 =	sor.u32 $0x1C03, s22;
	s11 =	sadd.s32 s9, s5  }
0xe: {  	s7 =	sshrl.u32 s7, $0x3;
	s8 =	sadd.s32 s8, s9;
	s10 =	smax.u32 s13, $0x1  }
0xf: {  	v4 =	vlaneseq.u32;
	s13 =	simm.s32 $0x3;
	s14 =	sadd.s32 s7, s5;
	s5 =	sadd.s32 $0x86A00, s12  }
0x10: {  	v0 =	vor.u32 $0x2710, v4;
	v1 =	vor.u32 $0x2720, v4;
	s7 =	sadd.s32 $0x5A00, s11;
	s11 =	sshrl.u32 s15, $0x3;
	s12 =	simm.s32 $0x2780  }
0x11: {  	v2 =	vor.u32 $0x2730, v4;
	v3 =	vor.u32 $0x2740, v4;
	v4 =	vor.u32 $0x2750, v4;
	s15 =	simm.s32 $0x2;
	s9 =	sadd.s32 $0xAEA00, s14;
	s14 =	simm.s32 $0x1  }
.LBB2_1:
0x12: {  	[spmem:s11], [sflag:s6] =	dma.local [hbm:s5], $0x2800  }
0x13: {  	[tilespmem:s3], [sflag:$0x2] =	stream.linear.gather [hbm4b:s7+s3], $0x2760, $0x38;
	v63 =	vld [tilespmem:$0x0]  }
0x14: {  	_ = 	snop  }
0x15: {  	[tilespmem:s12], [sflag:$0x3] =	stream.linear.gather [hbm4b:s8+s3], $0x2710, $0x38;
	v63 =	vld [tilespmem:$0x0]  }
0x16: {  	_ =	swait.ge [sflag:s13], $0x2710  }
0x17: {  	[sflag:s13] =	ssyncset.done $0x0  }
0x18: {  	[sflag:s13] =	ssyncadd.s32 $0xFFFFD8F0  }
0x19: {  	_ =	swait.ge [sflag:s14], $0x2800  }
0x1a: {  	[sflag:s14] =	ssyncset.done $0x0  }
0x1b: {  	[sflag:s14] =	ssyncadd.s32 $0xFFFFD800  }
0x1c: {  	_ =	swait.ge [sflag:s15], $0x2760  }
0x1d: {  	[sflag:s15] =	ssyncset.done $0x0  }
0x1e: {  	[sflag:s15] =	ssyncadd.s32 $0xFFFFD8A0  }
0x1f: {  	[bflag:$0x0] =	sbarrier.arrive $0xFFFF  }
0x20: {  	[tilespmem:s16], [sflag:$0x1] =	stream.indirect.gather [hbm4b:s4+s17], $0x80, s3, s17, $0xb8;
	v63 =	vld [tilespmem:$0x0]  }
0x21: {  	v5 =	vld [tilespmem:$0x2780]  }
0x22: {  	v6 =	vld [tilespmem:$0x2790]  }
0x23: {  	v7 =	vld [tilespmem:$0x27A0]  }
0x24: {  	v8 =	vld [tilespmem:$0x27B0]  }
0x25: {  	v9 =	vld [tilespmem:$0x27C0]  }
0x26: {  	[tilespmem:$0x4F00] =	vst v5;
	v5 =	vld [tilespmem:$0x27D0]  }
0x27: {  	[tilespmem:$0x4F10] =	vst v6;
	v6 =	vld [tilespmem:$0x27E0]  }
0x28: {  	[tilespmem:$0x4F20] =	vst v7  }
0x29: {  	[tilespmem:$0x4F30] =	vst v8  }
0x2a: {  	[tilespmem:$0x4F40] =	vst v9  }
0x2b: {  	[tilespmem:$0x4F50] =	vst v5  }
0x2c: {  	s24 =	simm.s32 $0x2820;
	[tilespmem:$0x4F60] =	vst v6  }
0x2d: {  	[tilespmem:s18], [sflag:$0x2] =	stream.indirect.gather [hbm4b:s4+s17], $0x80, s17, s17, $0xb8;
	v63 =	vld [tilespmem:$0x0]  }
0x2e: {  	v5 =	vld [tilespmem:s24+$0xFFFFFFD0];
	_ =	sdelay $0x4  }
0x2f: {  	s25 =	sand.u32 $0x3FE0, s3;
	[tilespmem:$0x4F80] =	vst v5  }
0x30: {  	v5 =	vld [tilespmem:s25+$0x2800];
	_ =	sdelay $0x4  }
0x31: {  	[tilespmem:$0x4F90] =	vst v5  }
0x32: {  	v5 =	vld [tilespmem:s24+$0xFFFFFFF0];
	_ =	sdelay $0x4  }
0x33: {  	[tilespmem:$0x4FA0] =	vst v5  }
0x34: {  	v5 =	vld [tilespmem:s24+$0x0];
	_ =	sdelay $0x4  }
0x35: {  	[tilespmem:$0x4FB0] =	vst v5  }
0x36: {  	v5 =	vld [tilespmem:s24+$0x10];
	_ =	sdelay $0x4  }
0x37: {  	[tilespmem:$0x4FC0] =	vst v5  }
0x38: {  	v5 =	vld [tilespmem:s24+$0x20];
	_ =	sdelay $0x4  }
0x39: {  	[tilespmem:$0x4FD0] =	vst v5  }
0x3a: {  	v5 =	vld [tilespmem:s24+$0x30];
	_ =	sdelay $0x4  }
0x3b: {  	[tilespmem:$0x4FE0] =	vst v5  }
0x3c: {  	_ =	swait.ge [sflag:s14], $0x3800  }
0x3d: {  	[sflag:s14] =	ssyncset.done $0x0  }
0x3e: {  	[sflag:s14] =	ssyncadd.s32 $0xFFFFC800  }
0x3f: {  	[spmem:s2] =	stream.indirect.scatter.add.f32 [tilespmem:s16], [sflag:$0x3], $0x80, s19, s17, $0xb8;
	v63 =	vld [tilespmem:$0x0]  }
0x40: {  	_ =	swait.ge [sflag:s13], $0x3800  }
0x41: {  	[sflag:s13] =	ssyncset.done $0x0  }
0x42: {  	s26 =	simm.s32 $0xE0;
	[sflag:s13] =	ssyncadd.s32 $0xFFFFC800  }
0x43: {  	[tilespmem:s16], [sflag:$0x1] =	stream.indirect.gather [hbm4b:s4+s17], $0x80, s26, s17, $0xb8;
	v63 =	vld [tilespmem:$0x0]  }
0x44: {  	v5 =	vld [tilespmem:s24+$0x40];
	_ =	sdelay $0x4  }
0x45: {  	[tilespmem:$0x4F00] =	vst v5  }
0x46: {  	v5 =	vld [tilespmem:s24+$0x50];
	_ =	sdelay $0x4  }
0x47: {  	[tilespmem:$0x4F10] =	vst v5  }
0x48: {  	v5 =	vld [tilespmem:s25+$0x2880];
	_ =	sdelay $0x4  }
0x49: {  	[tilespmem:$0x4F20] =	vst v5  }
0x4a: {  	v5 =	vld [tilespmem:s24+$0x70];
	_ =	sdelay $0x4  }
0x4b: {  	[tilespmem:$0x4F30] =	vst v5  }
0x4c: {  	v5 =	vld [tilespmem:s24+$0x80];
	_ =	sdelay $0x4  }
0x4d: {  	[tilespmem:$0x4F40] =	vst v5  }
0x4e: {  	v5 =	vld [tilespmem:s24+$0x90];
	_ =	sdelay $0x4  }
0x4f: {  	[tilespmem:$0x4F50] =	vst v5  }
0x50: {  	v5 =	vld [tilespmem:s24+$0xA0];
	_ =	sdelay $0x4  }
0x51: {  	[tilespmem:$0x4F60] =	vst v5  }
0x52: {  	_ =	swait.ge [sflag:s15], $0x3800  }
0x53: {  	[sflag:s15] =	ssyncset.done $0x0  }
0x54: {  	[sflag:s15] =	ssyncadd.s32 $0xFFFFC800  }
0x55: {  	[spmem:s2] =	stream.indirect.scatter.add.f32 [tilespmem:s18], [sflag:$0x3], $0x80, s20, s17, $0xb8;
	v63 =	vld [tilespmem:$0x0]  }
0x56: {  	_ =	swait.ge [sflag:s13], $0x3800  }
0x57: {  	s26 =	simm.s32 $0x70;
	s25 =	simm.s32 $0xE0;
	[sflag:s13] =	ssyncset.done $0x0  }
.LBB2_2:
0x58: {  	[sflag:s13] =	ssyncadd.s32 $0xFFFFC800;
	s26 =	sadd.s32 $0xE0, s26;
	s24 =	sadd.s32 $0xE0, s24  }
0x59: {  	[tilespmem:s18], [sflag:$0x2] =	stream.indirect.gather [hbm4b:s4+s17], $0x80, s26, s17, $0xb8;
	v63 =	vld [tilespmem:$0x0]  }
0x5a: {  	p0 =	sne.s32 s25, $0x25A0;
	s28 =	smov.u32 s25;
	s25 =	sadd.s32 $0xE0, s25;
	v5 =	vld [tilespmem:s24+$0xFFFFFFD0]  }
0x5b: {  	_ =	sdelay $0x3  }
0x5c: {  	s28 =	sand.u32 $0x3FE0, s28;
	[tilespmem:$0x4F80] =	vst v5  }
0x5d: {  	v5 =	vld [tilespmem:s28+$0x2800];
	_ =	sdelay $0x4  }
0x5e: {  	[tilespmem:$0x4F90] =	vst v5  }
0x5f: {  	v5 =	vld [tilespmem:s24+$0xFFFFFFF0];
	_ =	sdelay $0x4  }
0x60: {  	[tilespmem:$0x4FA0] =	vst v5  }
0x61: {  	v5 =	vld [tilespmem:s24+$0x0];
	_ =	sdelay $0x4  }
0x62: {  	[tilespmem:$0x4FB0] =	vst v5  }
0x63: {  	v5 =	vld [tilespmem:s24+$0x10];
	_ =	sdelay $0x4  }
0x64: {  	[tilespmem:$0x4FC0] =	vst v5  }
0x65: {  	v5 =	vld [tilespmem:s24+$0x20];
	_ =	sdelay $0x4  }
0x66: {  	[tilespmem:$0x4FD0] =	vst v5  }
0x67: {  	v5 =	vld [tilespmem:s24+$0x30];
	_ =	sdelay $0x4  }
0x68: {  	[tilespmem:$0x4FE0] =	vst v5  }
0x69: {  	_ =	swait.ge [sflag:s14], $0x3800  }
0x6a: {  	[sflag:s14] =	ssyncset.done $0x0  }
0x6b: {  	[sflag:s14] =	ssyncadd.s32 $0xFFFFC800  }
0x6c: {  	[spmem:s2] =	stream.indirect.scatter.add.f32 [tilespmem:s16], [sflag:$0x3], $0x80, s19, s17, $0xb8;
	v63 =	vld [tilespmem:$0x0]  }
0x6d: {  	_ =	swait.ge [sflag:s13], $0x3800  }
0x6e: {  	[sflag:s13] =	ssyncset.done $0x0  }
0x6f: {  	s29 =	sadd.s32 $0x70, s26;
	[sflag:s13] =	ssyncadd.s32 $0xFFFFC800  }
0x70: {  	[tilespmem:s16], [sflag:$0x1] =	stream.indirect.gather [hbm4b:s4+s17], $0x80, s29, s17, $0xb8;
	v63 =	vld [tilespmem:$0x0]  }
0x71: {  	v5 =	vld [tilespmem:s24+$0x40];
	_ =	sdelay $0x4  }
0x72: {  	[tilespmem:$0x4F00] =	vst v5  }
0x73: {  	v5 =	vld [tilespmem:s24+$0x50];
	_ =	sdelay $0x4  }
0x74: {  	[tilespmem:$0x4F10] =	vst v5  }
0x75: {  	v5 =	vld [tilespmem:s28+$0x2880];
	_ =	sdelay $0x4  }
0x76: {  	[tilespmem:$0x4F20] =	vst v5  }
0x77: {  	v5 =	vld [tilespmem:s24+$0x70];
	_ =	sdelay $0x4  }
0x78: {  	[tilespmem:$0x4F30] =	vst v5  }
0x79: {  	v5 =	vld [tilespmem:s24+$0x80];
	_ =	sdelay $0x4  }
0x7a: {  	[tilespmem:$0x4F40] =	vst v5  }
0x7b: {  	v5 =	vld [tilespmem:s24+$0x90];
	_ =	sdelay $0x4  }
0x7c: {  	[tilespmem:$0x4F50] =	vst v5  }
0x7d: {  	v5 =	vld [tilespmem:s24+$0xA0];
	_ =	sdelay $0x4  }
0x7e: {  	[tilespmem:$0x4F60] =	vst v5  }
0x7f: {  	_ =	swait.ge [sflag:s15], $0x3800  }
.Ltmp0:
0x80: {  	[sflag:s15] =	ssyncset.done $0x0;
	(pc) =	sbr.rel @p0 .LBB2_2-.Ltmp0, $4  }
0x81: {  	[sflag:s15] =	ssyncadd.s32 $0xFFFFC800  }
0x82: {  	[spmem:s2] =	stream.indirect.scatter.add.f32 [tilespmem:s18], [sflag:$0x3], $0x80, s20, s17, $0xb8;
	v63 =	vld [tilespmem:$0x0]  }
0x83: {  	_ =	swait.ge [sflag:s13], $0x3800  }
0x84: {  	[sflag:s13] =	ssyncset.done $0x0  }
0x85: {  	[sflag:s13] =	ssyncadd.s32 $0xFFFFC800  }
0x86: {  	[tilespmem:s18], [sflag:$0x2] =	stream.indirect.gather [hbm4b:s4+s17], $0x80, s21, s17, $0xb8;
	v63 =	vld [tilespmem:$0x0]  }
0x87: {  	v5 =	vld [tilespmem:$0x4E70];
	[tilespmem:$0x4FA0] =	vst v0  }
0x88: {  	v6 =	vld [tilespmem:$0x4E80];
	[tilespmem:$0x4FB0] =	vst v1  }
0x89: {  	[tilespmem:$0x4FC0] =	vst v2  }
0x8a: {  	[tilespmem:$0x4FD0] =	vst v3  }
0x8b: {  	[tilespmem:$0x4FE0] =	vst v4  }
0x8c: {  	[tilespmem:$0x4F80] =	vst v5  }
0x8d: {  	[tilespmem:$0x4F90] =	vst v6  }
0x8e: {  	_ =	swait.ge [sflag:s14], $0x3800  }
0x8f: {  	[sflag:s14] =	ssyncset.done $0x0  }
0x90: {  	[sflag:s14] =	ssyncadd.s32 $0xFFFFC800  }
0x91: {  	[spmem:s2] =	stream.indirect.scatter.add.f32 [tilespmem:s16], [sflag:$0x3], $0x80, s19, s17, $0xb8;
	v63 =	vld [tilespmem:$0x0]  }
0x92: {  	_ =	swait.ge [sflag:s13], $0x3800  }
0x93: {  	[sflag:s13] =	ssyncset.done $0x0  }
0x94: {  	[sflag:s13] =	ssyncadd.s32 $0xFFFFC800  }
0x95: {  	_ =	swait.ge [sflag:s15], $0x3800  }
0x96: {  	[sflag:s15] =	ssyncset.done $0x0  }
0x97: {  	[sflag:s15] =	ssyncadd.s32 $0xFFFFC800  }
0x98: {  	[spmem:s2] =	stream.indirect.scatter.add.f32 [tilespmem:s18], [sflag:$0x3], $0x80, s20, s17, $0xb8;
	v63 =	vld [tilespmem:$0x0]  }
0x99: {  	_ =	swait.ge [sflag:s13], $0x3800  }
0x9a: {  	s23 =	sadd.s32 $0x1, s23;
	[sflag:s13] =	ssyncset.done $0x0  }
0x9b: {  	p0 =	sne.s32 s23, s10;
	[sflag:s13] =	ssyncadd.s32 $0xFFFFC800  }
.Ltmp1:
0x9c: {  	[bflag:$0x0] =	sbarrier.arrive $0xFFFF;
	(pc) =	sbr.rel @p0 .LBB2_1-.Ltmp1, $4  }
0x9d: {  	[hbm:s9], [sflag:s22] =	dma.local [spmem:s11], $0x2800  }
0x9e: {  	_ =	swait.ge [sflag:s13], $0x2800  }
0x9f: {  	[sflag:s13] =	ssyncset.done $0x0  }
0xa0: {  	[sflag:s13] =	ssyncadd.s32 $0xFFFFD800  }
0xa1: {  	_ =	sfence.sel $0x180000  }
0xa2: {  	[bflag:$0x0] =	sbarrier.arrive $0xFFFF  }
0xa3: {  	p0 =	sne.s32 s0, $0x0;
	_ =	strace $0x9000004D  }
0xa4: {  	s0 =	sadd.s32 @!p0 $0x100000, s1;
	[bflag:$0x2] =	sbarrier.arrive $0xFFFF  }
0xa5: {  	[sflag:s0] =	ssyncadd.tile.s32 @!p0 $0x1;
	_ =	shalt  }
.Lfunc_end2:
_tile_overlayer_lowered:
.L_overlay_start_2:
0xa6: {  	(tag) =	ssettag $0x2  }
0xa7: {  	s0 =	rddreg [dreg:$0x0];
	s2 =	stileid.u32  }
0xa8: {  	s1 =	rddreg [dreg:$0x1];
	p0 =	sne.s32 s2, $0x0  }
0xa9: {  	s3 =	rddreg [dreg:$0x2];
	[bflag:$0x3] =	sbarrier.arrive $0xFFFF;
	s2 =	simm.s32 @!p0 $0x1C03  }
0xaa: {  	[timem:s3], [sflag:s2] =	dma.local @!p0 [hbm:s0], s1  }
0xab: {  	s0 =	simm.s32 @!p0 $0x3  }
0xac: {  	_ =	swait.ge @!p0 [sflag:s0], s1  }
0xad: {  	s1 =	ssub.s32 @!p0 $0x0, s1;
	[sflag:s0] =	ssyncset.done @!p0 $0x0  }
0xae: {  	[sflag:s0] =	ssyncadd.s32 @!p0 s1  }
0xaf: {  	[bflag:$0x3] =	sbarrier.arrive $0xFFFF  }
0xb0: {  	_ =	shalt  }

// kernel: kernel.19.cloned.1.call-start
scs
__scs_entry_jumppad:
0x0: {  	(pc) =	sbr.rel $0x88, $3  }
0x1: {  	(tag) =	ssettag $0x0;
	lr =	simm.s32 $0x1  }
0x2: {  	[smem:$0x3F90] =	sst lr;
	_ =	strace $0xD0000000  }
0x3: {  	_ = 	snop  }
0x4: {  	_ = 	snop  }
0x5: {  	_ = 	snop  }
0x6: {  	_ = 	snop  }
0x7: {  	_ = 	snop  }
__scs_overlays_trampoline_lowered:
0x8: {  	[smem:$0x3F9F] =	sst s0  }
0x9: {  	[smem:$0x3FA0] =	sst s1  }
0xa: {  	[smem:$0x3FA1] =	sst s2  }
0xb: {  	[smem:$0x3FA2] =	sst s3  }
0xc: {  	[smem:$0x3FA3] =	sst s4  }
0xd: {  	[smem:$0x3FA4] =	sst s5  }
0xe: {  	[smem:$0x3FA5] =	sst s6  }
0xf: {  	[smem:$0x3FA6] =	sst s7  }
0x10: {  	[smem:$0x3FA7] =	sst s8  }
0x11: {  	[smem:$0x3FA8] =	sst s9;
	s0 =	simm.s32 @!p0 $0x0  }
0x12: {  	s1 =	sld [smem:$0x3F8E];
	s0 =	simm.s32 @p0 $0x1  }
0x13: {  	[smem:$0x3FA9] =	sst s0;
	s0 =	simm.s32 @!p1 $0x0  }
0x14: {  	s2 =	sld [smem:$0x3F8D];
	s0 =	simm.s32 @p1 $0x1  }
0x15: {  	[smem:$0x3FAA] =	sst s0;
	s0 =	simm.s32 @!p2 $0x0  }
0x16: {  	s3 =	sld [smem:$0x3FDB];
	s0 =	simm.s32 @p2 $0x1  }
0x17: {  	s4 =	simm.s32 $0x1BF5;
	[smem:$0x3FAC] =	sst s0  }
0x18: {  	s0 =	sld [smem:$0x3F8F];
	_ =	swait.ge [sflag:s4], $0x0  }
0x19: {  	s7 =	sld [smem:$0x3F90]  }
0x1a: {  	s8 =	sadd.s32 $0xFFFFE003, lr  }
0x1b: {  	s9 =	sadd.s32 $0xFFFFFEF7, lr;
	s5 =	simm.s32 $0xFFFFFFFF;
	p2 =	slt.u32 s8, $0xFFFFF086  }
0x1c: {  	p1 =	slt.u32 s9, $0xF7A;
	s5 =	simm.s32 @!p2 $0x0  }
0x1d: {  	s5 =	simm.s32 @p1 $0x1;
	p0 =	seq.s32 s7, s2  }
0x1e: {  	s7 =	smul.u32 @!p0 $0xF7A, s2;
	p2 =	seq.s32 @!p0 s5, $0x0  }
0x1f: {  	s9 =	smul.u32 $0xF7A, s1;
	s8 =	simm.s32 @!p0 $0x1BF5;
	p2 =	por !p2, p0  }
0x20: {  	[sflag:s8] =	ssyncset.s32 @!p0 $0xFFFFF086;
	s6 =	sadd.s32 @!p0 s3, s7;
	s7 =	simm.s32 @!p0 $0x108  }
0x21: {  	s3 =	sadd.s32 s3, s9;
	s6 =	sadd.s32 @!p0 $0x88, s6;
	s7 =	simm.s32 @p2 $0x1082  }
0x22: {  	[simem:s7], [sflag:s8] =	dma.local @!p0 [hbm:s6], $0xF7A  }
0x23: {  	s9 =	sor.u32 $0xD0000000, s2;
	s6 =	simm.s32 $0x108;
	_ =	swait.ge @!p0 [sflag:s8], $0x0  }
0x24: {  	s3 =	sadd.s32 $0x88, s3;
	s6 =	simm.s32 @!p1 $0x1082;
	[sflag:s4] =	ssyncset.s32 $0xFFFFF086  }
0x25: {  	[simem:s6], [sflag:s4] =	dma.local [hbm:s3], $0xF7A  }
0x26: {  	[smem:$0x3F90] =	sst s1;
	(tag) =	ssettag s2;
	_ =	strace s9  }
0x27: {  	s1 =	sld [smem:$0x3FA0]  }
0x28: {  	s2 =	sld [smem:$0x3FA1]  }
0x29: {  	s4 =	sld [smem:$0x3FA3]  }
0x2a: {  	p0 =	seq.s32 s5, $0x0;
	s5 =	sld [smem:$0x3FA4]  }
0x2b: {  	s6 =	sld [smem:$0x3FA5]  }
0x2c: {  	s7 =	sld [smem:$0x3FA6]  }
0x2d: {  	s3 =	simm.s32 $0x108;
	s8 =	sld [smem:$0x3FA7]  }
0x2e: {  	s3 =	simm.s32 @!p0 $0x1082;
	s9 =	sld [smem:$0x3FA8]  }
0x2f: {  	lr =	sadd.s32 s0, s3;
	s0 =	sld [smem:$0x3F9F]  }
0x30: {  	s3 =	sld [smem:$0x3FA2]  }
0x31: {  	[smem:$0x3FAB] =	sst s10  }
0x32: {  	s10 =	sld [smem:$0x3FA9];
	_ =	sdelay $0x3  }
0x33: {  	p0 =	seq.s32 s10, $0x1;
	s10 =	sld [smem:$0x3FAB];
	_ =	sdelay $0x3  }
0x34: {  	[smem:$0x3FAB] =	sst s10  }
0x35: {  	s10 =	sld [smem:$0x3FAA];
	_ =	sdelay $0x3  }
0x36: {  	p1 =	seq.s32 s10, $0x1;
	s10 =	sld [smem:$0x3FAB];
	_ =	sdelay $0x3  }
0x37: {  	[smem:$0x3FAB] =	sst s10  }
0x38: {  	s10 =	sld [smem:$0x3FAC]  }
0x39: {  	_ = 	snop;
	(pc) =	sbr.ind lr, $3  }
0x3a: {  	_ = 	snop  }
0x3b: {  	_ = 	snop  }
0x3c: {  	p2 =	seq.s32 s10, $0x1;
	s10 =	sld [smem:$0x3FAB]  }
0x3d: {  	_ =	shalt  }
0x3e: {  	_ =	shalt  }
0x3f: {  	_ =	shalt  }
0x40: {  	_ =	shalt  }
0x41: {  	_ =	shalt  }
0x42: {  	_ =	shalt  }
0x43: {  	_ =	shalt  }
0x44: {  	_ =	shalt  }
0x45: {  	_ =	shalt  }
0x46: {  	_ =	shalt  }
0x47: {  	_ =	shalt  }
0x48: {  	_ =	shalt  }
0x49: {  	_ =	shalt  }
0x4a: {  	_ =	shalt  }
0x4b: {  	_ =	shalt  }
0x4c: {  	_ =	shalt  }
0x4d: {  	_ =	shalt  }
0x4e: {  	_ =	shalt  }
0x4f: {  	_ =	shalt  }
0x50: {  	_ =	shalt  }
0x51: {  	_ =	shalt  }
0x52: {  	_ =	shalt  }
0x53: {  	_ =	shalt  }
0x54: {  	_ =	shalt  }
0x55: {  	_ =	shalt  }
0x56: {  	_ =	shalt  }
0x57: {  	_ =	shalt  }
0x58: {  	_ =	shalt  }
0x59: {  	_ =	shalt  }
0x5a: {  	_ =	shalt  }
0x5b: {  	_ =	shalt  }
0x5c: {  	_ =	shalt  }
0x5d: {  	_ =	shalt  }
0x5e: {  	_ =	shalt  }
0x5f: {  	_ =	shalt  }
0x60: {  	_ =	shalt  }
0x61: {  	_ =	shalt  }
0x62: {  	_ =	shalt  }
0x63: {  	_ =	shalt  }
0x64: {  	_ =	shalt  }
0x65: {  	_ =	shalt  }
0x66: {  	_ =	shalt  }
0x67: {  	_ =	shalt  }
0x68: {  	_ =	shalt  }
0x69: {  	_ =	shalt  }
0x6a: {  	_ =	shalt  }
0x6b: {  	_ =	shalt  }
0x6c: {  	_ =	shalt  }
0x6d: {  	_ =	shalt  }
0x6e: {  	_ =	shalt  }
0x6f: {  	_ =	shalt  }
0x70: {  	_ =	shalt  }
0x71: {  	_ =	shalt  }
0x72: {  	_ =	shalt  }
0x73: {  	_ =	shalt  }
0x74: {  	_ =	shalt  }
0x75: {  	_ =	shalt  }
0x76: {  	_ =	shalt  }
0x77: {  	_ =	shalt  }
0x78: {  	_ =	shalt  }
0x79: {  	_ =	shalt  }
0x7a: {  	_ =	shalt  }
0x7b: {  	_ =	shalt  }
0x7c: {  	_ =	shalt  }
0x7d: {  	_ =	shalt  }
0x7e: {  	_ =	shalt  }
0x7f: {  	_ =	shalt  }
0x80: {  	_ =	shalt  }
0x81: {  	_ =	shalt  }
0x82: {  	_ =	shalt  }
0x83: {  	_ =	shalt  }
0x84: {  	_ =	shalt  }
0x85: {  	_ =	shalt  }
0x86: {  	_ =	shalt  }
0x87: {  	_ =	shalt  }
.Lfunc_end0:
.L_simem_size_0:
called_computation.3_lowered:
.L_overlay_start_0:
0x88: {  	s2 =	sld [smem:$0x3FD9]  }
0x89: {  	s3 =	sld [smem:$0x3FFE];
	_ =	sdelay $0x1  }
0x8a: {  	s1 =	srdreg.scid  }
0x8b: {  	s0 =	sand.u32 $0x1, s1  }
0x8c: {  	s17 =	sshll.u32 s0, $0xA;
	s2 =	sadd.s32 s3, s2  }
0x8d: {  	s2 =	sadd.s32 s2, s17  }
0x8e: {  	[smem:$0x3FB7] =	sst s2  }
0x8f: {  	_ = 	snop  }
0x90: {  	s2 =	sld [smem:$0x3FD0];
	(tm) =	ssettm $0x1  }
0x91: {  	s18 =	sld [smem:$0x3FFB];
	_ =	sdelay $0x3  }
0x92: {  	_ =	strace s18  }
0x93: {  	s3 =	sld [smem:$0x3FFC];
	_ =	sdelay $0x3  }
0x94: {  	_ =	strace s3  }
0x95: {  	s3 =	sld [smem:$0x3FFD];
	_ =	sdelay $0x3  }
0x96: {  	_ =	strace s3  }
0x97: {  	_ =	strace $0x8FFFFFFF  }
0x98: {  	s19 =	sld [smem:$0x3FDB];
	_ =	sdelay $0x1  }
0x99: {  	s4 =	simm.s32 $_scs_section_size  }
0x9a: {  	s5 =	simm.s32 $_size__tile_overlayer_lowered;
	s6 =	simm.s32 $_tile_overlayer_lowered  }
0x9b: {  	s22 =	simm.s32 $0x1BFF;
	s21 =	sshll.u32 s6, $0x1;
	s3 =	sadd.s32 s4, s19  }
0x9c: {  	s7 =	simm.s32 $0x0;
	s20 =	sshll.u32 s5, $0x1;
	s5 =	sadd.s32 s21, s3  }
0x9d: {  	[timem:s7], [sflag:s22] =	dma.local [hbm:s5], s20  }
0x9e: {  	_ =	swait.ge [sflag:s22], s20  }
0x9f: {  	s4 =	ssub.s32 $0x0, s20;
	[sflag:s22] =	ssyncset.done $0x0  }
0xa0: {  	[sflag:s22] =	ssyncadd.s32 s4;
	_ =	sdelay $0x1  }
0xa1: {  	s23 =	simm.s32 $0x1B8B  }
0xa2: {  	_ =	swait.ge [sflag:s23], $0x1  }
0xa3: {  	[sflag:s23] =	ssyncset.done $0x0  }
0xa4: {  	s25 =	simm.s32 $0x1B8E;
	s24 =	sld [smem:$0x3FFE];
	[sflag:s23] =	ssyncadd.s32 $0xFFFFFFFF  }
0xa5: {  	s26 =	simm.s32 $execute0_lowered;
	[smem:$0x3FD2] =	sst s25  }
0xa6: {  	s5 =	sshll.u32 s26, $0x1;
	_ =	strace $0x8000004F;
	[dreg:$0x1] =	wrdreg $0xFFFFFFFF  }
0xa7: {  	s28 =	simm.s32 $_size_execute0_lowered;
	s3 =	sadd.s32 s3, s5;
	[dreg:$0x0] =	wrdreg $0x0  }
0xa8: {  	s5 =	sshll.u32 s28, $0x1;
	[dreg:$0x2] =	wrdreg s3  }
0xa9: {  	[dreg:$0x3] =	wrdreg s5  }
0xaa: {  	[dreg:$0x4] =	wrdreg $0xC0  }
0xab: {  	_ =	task [dreg:s7], $0x5FFFF  }
0xac: {  	[dreg:$0x1] =	wrdreg $0xFFFFFFFF  }
0xad: {  	[dreg:$0x0] =	wrdreg $0x60  }
0xae: {  	[dreg:$0x2] =	wrdreg s24  }
0xaf: {  	[dreg:$0x3] =	wrdreg s2  }
0xb0: {  	[dreg:$0x4] =	wrdreg $0xC0000  }
0xb1: {  	[dreg:$0x5] =	wrdreg $0x9  }
0xb2: {  	_ =	task.clear_ibuf [dreg:s7], $0x6FFFF;
	_ =	strace $0x9000004F  }
0xb3: {  	s29 =	simm.s32 $0x9;
	_ =	strace $0x80000051  }
0xb4: {  	_ =	swait.ge [sflag:s29], $0x1  }
0xb5: {  	[sflag:s29] =	ssyncadd.s32 $0xFFFFFFFF  }
0xb6: {  	_ =	strace $0x90000051  }
0xb7: {  	_ =	sfence  }
0xb8: {  	s30 =	sld [smem:$0x0];
	_ =	sdelay $0x2  }
0xb9: {  	s31 =	sshll.u32 s1, $0xD;
	s1 =	sshrl.u32 s1, $0x2  }
0xba: {  	s3 =	sand.u32 $0x4000, s31;
	s1 =	sadd.s32 s1, s30  }
0xbb: {  	s0 =	sor.u32 s3, s0;
	s1 =	sshll.u32 s1, $0x11  }
0xbc: {  	s0 =	sor.u32 s1, s0  }
0xbd: {  	s0 =	sadd.s32 $0x8F2B, s0  }
0xbe: {  	[sflag:s0] =	ssyncadd.remote.s32 $0x1  }
0xbf: {  	_ =	sfence.sel $0xFFFF  }
0xc0: {  	[dreg:$0x0] =	wrdreg $0xFFFFFFFF;
	(pc) =	sbr.abs _section_cstart, $3  }
0xc1: {  	[dreg:$0x1] =	wrdreg $0xFFFFFFFF  }
0xc2: {  	_ =	task.clear_ibuf [dreg:s7], $0x2FFFF;
	_ =	strace $0x9FFFFFFF  }
0xc3: {  	(tm) =	ssettm $0x7FFFFFFF  }
tec
execute0_lowered:
.L_overlay_start_1:
0x0: {  	(tag) =	ssettag $0x1  }
0x1: {  	s5 =	rddreg [dreg:$0x0]  }
0x2: {  	s1 =	srdreg.scid;
	s8 =	rddreg [dreg:$0x1]  }
0x3: {  	s0 =	stileid.u32;
	s2 =	rddreg [dreg:$0x2];
	s3 =	simm.s32 $0x0  }
0x4: {  	s16 =	simm.s32 $0x5000;
	s17 =	simm.s32 $0x70;
	s18 =	simm.s32 $0x8800  }
0x5: {  	s19 =	simm.s32 $0x4F00;
	s20 =	simm.s32 $0x4F80;
	s21 =	simm.s32 $0x26F0  }
0x6: {  	s23 =	simm.s32 $0x0;
	s6 =	sand.u32 $0x1, s1;
	s1 =	rddreg [dreg:$0x3]  }
0x7: {  	s29 =	sshll.u32 s0, $0x1;
	[smem:$0x7FF] =	sst s3;
	s7 =	smul.u32 $0x14000, s0  }
0x8: {  	s30 =	smul.u32 $0x50000, s0;
	s22 =	sshll.u32 s0, $0x6;
	s4 =	sor.u32 s6, s29  }
0x9: {  	_ =	strace $0x80000050;
	s10 =	smul.u32 $0x140000, s6;
	s6 =	ssub.s32 $0x2, s6  }
0xa: {  	s9 =	smul.u32 $0x4E2, s4;
	s4 =	sadd.s32 $0x5F800, s5;
	s12 =	sshrl.u32 s7, $0x3  }
0xb: {  	s13 =	sshrl.u32 s6, $0x1;
	s31 =	sshrl.u32 s30, $0x2;
	s7 =	sadd.s32 s7, s10  }
0xc: {  	s12 =	sadd.s32 s12, s5;
	s13 =	ssub.s32 s6, s13;
	s15 =	sadd.s32 s31, s2  }
0xd: {  	s6 =	sor.u32 $0x1C01, s22;
	s22 =	sor.u32 $0x1C03, s22;
	s11 =	sadd.s32 s9, s5  }
0xe: {  	s7 =	sshrl.u32 s7, $0x3;
	s8 =	sadd.s32 s8, s9;
	s10 =	smax.u32 s13, $0x1  }
0xf: {  	v4 =	vlaneseq.u32;
	s13 =	simm.s32 $0x3;
	s14 =	sadd.s32 s7, s5;
	s5 =	sadd.s32 $0x86A00, s12  }
0x10: {  	v0 =	vor.u32 $0x2710, v4;
	v1 =	vor.u32 $0x2720, v4;
	s7 =	sadd.s32 $0x5A00, s11;
	s11 =	sshrl.u32 s15, $0x3;
	s12 =	simm.s32 $0x2780  }
0x11: {  	v2 =	vor.u32 $0x2730, v4;
	v3 =	vor.u32 $0x2740, v4;
	v4 =	vor.u32 $0x2750, v4;
	s15 =	simm.s32 $0x2;
	s9 =	sadd.s32 $0xAEA00, s14;
	s14 =	simm.s32 $0x1  }
.LBB2_1:
0x12: {  	[spmem:s11], [sflag:s6] =	dma.local [hbm:s5], $0x2800  }
0x13: {  	[tilespmem:s3], [sflag:$0x2] =	stream.linear.gather [hbm4b:s7+s3], $0x2760, $0x38;
	v63 =	vld [tilespmem:$0x0]  }
0x14: {  	_ = 	snop  }
0x15: {  	[tilespmem:s12], [sflag:$0x3] =	stream.linear.gather [hbm4b:s8+s3], $0x2710, $0x38;
	v63 =	vld [tilespmem:$0x0]  }
0x16: {  	_ =	swait.ge [sflag:s13], $0x2710  }
0x17: {  	[sflag:s13] =	ssyncset.done $0x0  }
0x18: {  	[sflag:s13] =	ssyncadd.s32 $0xFFFFD8F0  }
0x19: {  	_ =	swait.ge [sflag:s14], $0x2800  }
0x1a: {  	[sflag:s14] =	ssyncset.done $0x0  }
0x1b: {  	[sflag:s14] =	ssyncadd.s32 $0xFFFFD800  }
0x1c: {  	_ =	swait.ge [sflag:s15], $0x2760  }
0x1d: {  	[sflag:s15] =	ssyncset.done $0x0  }
0x1e: {  	[sflag:s15] =	ssyncadd.s32 $0xFFFFD8A0  }
0x1f: {  	[bflag:$0x0] =	sbarrier.arrive $0xFFFF  }
0x20: {  	[tilespmem:s16], [sflag:$0x1] =	stream.indirect.gather [hbm4b:s4+s17], $0x80, s3, s17, $0xb8;
	v63 =	vld [tilespmem:$0x0]  }
0x21: {  	v5 =	vld [tilespmem:$0x2780]  }
0x22: {  	v6 =	vld [tilespmem:$0x2790]  }
0x23: {  	v7 =	vld [tilespmem:$0x27A0]  }
0x24: {  	v8 =	vld [tilespmem:$0x27B0]  }
0x25: {  	v9 =	vld [tilespmem:$0x27C0]  }
0x26: {  	[tilespmem:$0x4F00] =	vst v5;
	v5 =	vld [tilespmem:$0x27D0]  }
0x27: {  	[tilespmem:$0x4F10] =	vst v6;
	v6 =	vld [tilespmem:$0x27E0]  }
0x28: {  	[tilespmem:$0x4F20] =	vst v7  }
0x29: {  	[tilespmem:$0x4F30] =	vst v8  }
0x2a: {  	[tilespmem:$0x4F40] =	vst v9  }
0x2b: {  	[tilespmem:$0x4F50] =	vst v5  }
0x2c: {  	s24 =	simm.s32 $0x2820;
	[tilespmem:$0x4F60] =	vst v6  }
0x2d: {  	[tilespmem:s18], [sflag:$0x2] =	stream.indirect.gather [hbm4b:s4+s17], $0x80, s17, s17, $0xb8;
	v63 =	vld [tilespmem:$0x0]  }
0x2e: {  	v5 =	vld [tilespmem:s24+$0xFFFFFFD0];
	_ =	sdelay $0x4  }
0x2f: {  	s25 =	sand.u32 $0x3FE0, s3;
	[tilespmem:$0x4F80] =	vst v5  }
0x30: {  	v5 =	vld [tilespmem:s25+$0x2800];
	_ =	sdelay $0x4  }
0x31: {  	[tilespmem:$0x4F90] =	vst v5  }
0x32: {  	v5 =	vld [tilespmem:s24+$0xFFFFFFF0];
	_ =	sdelay $0x4  }
0x33: {  	[tilespmem:$0x4FA0] =	vst v5  }
0x34: {  	v5 =	vld [tilespmem:s24+$0x0];
	_ =	sdelay $0x4  }
0x35: {  	[tilespmem:$0x4FB0] =	vst v5  }
0x36: {  	v5 =	vld [tilespmem:s24+$0x10];
	_ =	sdelay $0x4  }
0x37: {  	[tilespmem:$0x4FC0] =	vst v5  }
0x38: {  	v5 =	vld [tilespmem:s24+$0x20];
	_ =	sdelay $0x4  }
0x39: {  	[tilespmem:$0x4FD0] =	vst v5  }
0x3a: {  	v5 =	vld [tilespmem:s24+$0x30];
	_ =	sdelay $0x4  }
0x3b: {  	[tilespmem:$0x4FE0] =	vst v5  }
0x3c: {  	_ =	swait.ge [sflag:s14], $0x3800  }
0x3d: {  	[sflag:s14] =	ssyncset.done $0x0  }
0x3e: {  	[sflag:s14] =	ssyncadd.s32 $0xFFFFC800  }
0x3f: {  	[spmem:s2] =	stream.indirect.scatter.add.f32 [tilespmem:s16], [sflag:$0x3], $0x80, s19, s17, $0xb8;
	v63 =	vld [tilespmem:$0x0]  }
0x40: {  	_ =	swait.ge [sflag:s13], $0x3800  }
0x41: {  	[sflag:s13] =	ssyncset.done $0x0  }
0x42: {  	s26 =	simm.s32 $0xE0;
	[sflag:s13] =	ssyncadd.s32 $0xFFFFC800  }
0x43: {  	[tilespmem:s16], [sflag:$0x1] =	stream.indirect.gather [hbm4b:s4+s17], $0x80, s26, s17, $0xb8;
	v63 =	vld [tilespmem:$0x0]  }
0x44: {  	v5 =	vld [tilespmem:s24+$0x40];
	_ =	sdelay $0x4  }
0x45: {  	[tilespmem:$0x4F00] =	vst v5  }
0x46: {  	v5 =	vld [tilespmem:s24+$0x50];
	_ =	sdelay $0x4  }
0x47: {  	[tilespmem:$0x4F10] =	vst v5  }
0x48: {  	v5 =	vld [tilespmem:s25+$0x2880];
	_ =	sdelay $0x4  }
0x49: {  	[tilespmem:$0x4F20] =	vst v5  }
0x4a: {  	v5 =	vld [tilespmem:s24+$0x70];
	_ =	sdelay $0x4  }
0x4b: {  	[tilespmem:$0x4F30] =	vst v5  }
0x4c: {  	v5 =	vld [tilespmem:s24+$0x80];
	_ =	sdelay $0x4  }
0x4d: {  	[tilespmem:$0x4F40] =	vst v5  }
0x4e: {  	v5 =	vld [tilespmem:s24+$0x90];
	_ =	sdelay $0x4  }
0x4f: {  	[tilespmem:$0x4F50] =	vst v5  }
0x50: {  	v5 =	vld [tilespmem:s24+$0xA0];
	_ =	sdelay $0x4  }
0x51: {  	[tilespmem:$0x4F60] =	vst v5  }
0x52: {  	_ =	swait.ge [sflag:s15], $0x3800  }
0x53: {  	[sflag:s15] =	ssyncset.done $0x0  }
0x54: {  	[sflag:s15] =	ssyncadd.s32 $0xFFFFC800  }
0x55: {  	[spmem:s2] =	stream.indirect.scatter.add.f32 [tilespmem:s18], [sflag:$0x3], $0x80, s20, s17, $0xb8;
	v63 =	vld [tilespmem:$0x0]  }
0x56: {  	_ =	swait.ge [sflag:s13], $0x3800  }
0x57: {  	s26 =	simm.s32 $0x70;
	s25 =	simm.s32 $0xE0;
	[sflag:s13] =	ssyncset.done $0x0  }
.LBB2_2:
0x58: {  	[sflag:s13] =	ssyncadd.s32 $0xFFFFC800;
	s26 =	sadd.s32 $0xE0, s26;
	s24 =	sadd.s32 $0xE0, s24  }
0x59: {  	[tilespmem:s18], [sflag:$0x2] =	stream.indirect.gather [hbm4b:s4+s17], $0x80, s26, s17, $0xb8;
	v63 =	vld [tilespmem:$0x0]  }
0x5a: {  	p0 =	sne.s32 s25, $0x25A0;
	s28 =	smov.u32 s25;
	s25 =	sadd.s32 $0xE0, s25;
	v5 =	vld [tilespmem:s24+$0xFFFFFFD0]  }
0x5b: {  	_ =	sdelay $0x3  }
0x5c: {  	s28 =	sand.u32 $0x3FE0, s28;
	[tilespmem:$0x4F80] =	vst v5  }
0x5d: {  	v5 =	vld [tilespmem:s28+$0x2800];
	_ =	sdelay $0x4  }
0x5e: {  	[tilespmem:$0x4F90] =	vst v5  }
0x5f: {  	v5 =	vld [tilespmem:s24+$0xFFFFFFF0];
	_ =	sdelay $0x4  }
0x60: {  	[tilespmem:$0x4FA0] =	vst v5  }
0x61: {  	v5 =	vld [tilespmem:s24+$0x0];
	_ =	sdelay $0x4  }
0x62: {  	[tilespmem:$0x4FB0] =	vst v5  }
0x63: {  	v5 =	vld [tilespmem:s24+$0x10];
	_ =	sdelay $0x4  }
0x64: {  	[tilespmem:$0x4FC0] =	vst v5  }
0x65: {  	v5 =	vld [tilespmem:s24+$0x20];
	_ =	sdelay $0x4  }
0x66: {  	[tilespmem:$0x4FD0] =	vst v5  }
0x67: {  	v5 =	vld [tilespmem:s24+$0x30];
	_ =	sdelay $0x4  }
0x68: {  	[tilespmem:$0x4FE0] =	vst v5  }
0x69: {  	_ =	swait.ge [sflag:s14], $0x3800  }
0x6a: {  	[sflag:s14] =	ssyncset.done $0x0  }
0x6b: {  	[sflag:s14] =	ssyncadd.s32 $0xFFFFC800  }
0x6c: {  	[spmem:s2] =	stream.indirect.scatter.add.f32 [tilespmem:s16], [sflag:$0x3], $0x80, s19, s17, $0xb8;
	v63 =	vld [tilespmem:$0x0]  }
0x6d: {  	_ =	swait.ge [sflag:s13], $0x3800  }
0x6e: {  	[sflag:s13] =	ssyncset.done $0x0  }
0x6f: {  	s29 =	sadd.s32 $0x70, s26;
	[sflag:s13] =	ssyncadd.s32 $0xFFFFC800  }
0x70: {  	[tilespmem:s16], [sflag:$0x1] =	stream.indirect.gather [hbm4b:s4+s17], $0x80, s29, s17, $0xb8;
	v63 =	vld [tilespmem:$0x0]  }
0x71: {  	v5 =	vld [tilespmem:s24+$0x40];
	_ =	sdelay $0x4  }
0x72: {  	[tilespmem:$0x4F00] =	vst v5  }
0x73: {  	v5 =	vld [tilespmem:s24+$0x50];
	_ =	sdelay $0x4  }
0x74: {  	[tilespmem:$0x4F10] =	vst v5  }
0x75: {  	v5 =	vld [tilespmem:s28+$0x2880];
	_ =	sdelay $0x4  }
0x76: {  	[tilespmem:$0x4F20] =	vst v5  }
0x77: {  	v5 =	vld [tilespmem:s24+$0x70];
	_ =	sdelay $0x4  }
0x78: {  	[tilespmem:$0x4F30] =	vst v5  }
0x79: {  	v5 =	vld [tilespmem:s24+$0x80];
	_ =	sdelay $0x4  }
0x7a: {  	[tilespmem:$0x4F40] =	vst v5  }
0x7b: {  	v5 =	vld [tilespmem:s24+$0x90];
	_ =	sdelay $0x4  }
0x7c: {  	[tilespmem:$0x4F50] =	vst v5  }
0x7d: {  	v5 =	vld [tilespmem:s24+$0xA0];
	_ =	sdelay $0x4  }
0x7e: {  	[tilespmem:$0x4F60] =	vst v5  }
0x7f: {  	_ =	swait.ge [sflag:s15], $0x3800  }
.Ltmp0:
0x80: {  	[sflag:s15] =	ssyncset.done $0x0;
	(pc) =	sbr.rel @p0 .LBB2_2-.Ltmp0, $4  }
0x81: {  	[sflag:s15] =	ssyncadd.s32 $0xFFFFC800  }
0x82: {  	[spmem:s2] =	stream.indirect.scatter.add.f32 [tilespmem:s18], [sflag:$0x3], $0x80, s20, s17, $0xb8;
	v63 =	vld [tilespmem:$0x0]  }
0x83: {  	_ =	swait.ge [sflag:s13], $0x3800  }
0x84: {  	[sflag:s13] =	ssyncset.done $0x0  }
0x85: {  	[sflag:s13] =	ssyncadd.s32 $0xFFFFC800  }
0x86: {  	[tilespmem:s18], [sflag:$0x2] =	stream.indirect.gather [hbm4b:s4+s17], $0x80, s21, s17, $0xb8;
	v63 =	vld [tilespmem:$0x0]  }
0x87: {  	v5 =	vld [tilespmem:$0x4E70];
	[tilespmem:$0x4FA0] =	vst v0  }
0x88: {  	v6 =	vld [tilespmem:$0x4E80];
	[tilespmem:$0x4FB0] =	vst v1  }
0x89: {  	[tilespmem:$0x4FC0] =	vst v2  }
0x8a: {  	[tilespmem:$0x4FD0] =	vst v3  }
0x8b: {  	[tilespmem:$0x4FE0] =	vst v4  }
0x8c: {  	[tilespmem:$0x4F80] =	vst v5  }
0x8d: {  	[tilespmem:$0x4F90] =	vst v6  }
0x8e: {  	_ =	swait.ge [sflag:s14], $0x3800  }
0x8f: {  	[sflag:s14] =	ssyncset.done $0x0  }
0x90: {  	[sflag:s14] =	ssyncadd.s32 $0xFFFFC800  }
0x91: {  	[spmem:s2] =	stream.indirect.scatter.add.f32 [tilespmem:s16], [sflag:$0x3], $0x80, s19, s17, $0xb8;
	v63 =	vld [tilespmem:$0x0]  }
0x92: {  	_ =	swait.ge [sflag:s13], $0x3800  }
0x93: {  	[sflag:s13] =	ssyncset.done $0x0  }
0x94: {  	[sflag:s13] =	ssyncadd.s32 $0xFFFFC800  }
0x95: {  	_ =	swait.ge [sflag:s15], $0x3800  }
0x96: {  	[sflag:s15] =	ssyncset.done $0x0  }
0x97: {  	[sflag:s15] =	ssyncadd.s32 $0xFFFFC800  }
0x98: {  	[spmem:s2] =	stream.indirect.scatter.add.f32 [tilespmem:s18], [sflag:$0x3], $0x80, s20, s17, $0xb8;
	v63 =	vld [tilespmem:$0x0]  }
0x99: {  	_ =	swait.ge [sflag:s13], $0x3800  }
0x9a: {  	s23 =	sadd.s32 $0x1, s23;
	[sflag:s13] =	ssyncset.done $0x0  }
0x9b: {  	p0 =	sne.s32 s23, s10;
	[sflag:s13] =	ssyncadd.s32 $0xFFFFC800  }
.Ltmp1:
0x9c: {  	[bflag:$0x0] =	sbarrier.arrive $0xFFFF;
	(pc) =	sbr.rel @p0 .LBB2_1-.Ltmp1, $4  }
0x9d: {  	[hbm:s9], [sflag:s22] =	dma.local [spmem:s11], $0x2800  }
0x9e: {  	_ =	swait.ge [sflag:s13], $0x2800  }
0x9f: {  	[sflag:s13] =	ssyncset.done $0x0  }
0xa0: {  	[sflag:s13] =	ssyncadd.s32 $0xFFFFD800  }
0xa1: {  	_ =	sfence.sel $0x180000  }
0xa2: {  	[bflag:$0x0] =	sbarrier.arrive $0xFFFF  }
0xa3: {  	p0 =	sne.s32 s0, $0x0;
	_ =	strace $0x90000050  }
0xa4: {  	s0 =	sadd.s32 @!p0 $0x100000, s1;
	[bflag:$0x2] =	sbarrier.arrive $0xFFFF  }
0xa5: {  	[sflag:s0] =	ssyncadd.tile.s32 @!p0 $0x1;
	_ =	shalt  }
.Lfunc_end2:
_tile_overlayer_lowered:
.L_overlay_start_2:
0xa6: {  	(tag) =	ssettag $0x2  }
0xa7: {  	s0 =	rddreg [dreg:$0x0];
	s2 =	stileid.u32  }
0xa8: {  	s1 =	rddreg [dreg:$0x1];
	p0 =	sne.s32 s2, $0x0  }
0xa9: {  	s3 =	rddreg [dreg:$0x2];
	[bflag:$0x3] =	sbarrier.arrive $0xFFFF;
	s2 =	simm.s32 @!p0 $0x1C03  }
0xaa: {  	[timem:s3], [sflag:s2] =	dma.local @!p0 [hbm:s0], s1  }
0xab: {  	s0 =	simm.s32 @!p0 $0x3  }
0xac: {  	_ =	swait.ge @!p0 [sflag:s0], s1  }
0xad: {  	s1 =	ssub.s32 @!p0 $0x0, s1;
	[sflag:s0] =	ssyncset.done @!p0 $0x0  }
0xae: {  	[sflag:s0] =	ssyncadd.s32 @!p0 s1  }
0xaf: {  	[bflag:$0x3] =	sbarrier.arrive $0xFFFF  }
0xb0: {  	_ =	shalt  }

</sc_bundles>
